<compile_context>
chip_gen: v7x
topology: tpu7x:2x2x1
jax: 0.10.2.dev20260603
libtpu: 0.0.44.dev20260713+nightly
codegen_flags: <defaults>
</compile_context>

<pallas_src>
import functools
import math

import jax
import jax.numpy as jnp
from jax import lax
from jax.experimental import pallas as pl
from jax.experimental.pallas import tpu as pltpu
from jax.experimental.pallas import tpu_sc as plsc

B, M, H = 2, 2048, 768
NROWS = B * M
SPAN_HI = 16
MAX_SPAN = 2 * (SPAN_HI - 1) + 1
BLK = 2048

NWORKERS = 32
RPW = NROWS // NWORKERS
GROUP = 16
NGROUPS = RPW // GROUP
NEG_INF = float("-inf")


def _scores_body(q_ref, k16_ref, p16_ref, s_ref):
    kp = k16_ref[0] + p16_ref[0]
    s_ref[...] = lax.dot_general(
        kp, q_ref[...],
        dimension_numbers=(((1,), (1,)), ((), ())),
        preferred_element_type=jnp.float32,
    ) * (1.0 / math.sqrt(H))


def _tc_scores(q2, key, key_pe):
    return pl.pallas_call(
        _scores_body,
        grid=(NROWS // BLK,),
        in_specs=[
            pl.BlockSpec((BLK, H), lambda i: (i, 0)),
            pl.BlockSpec((1, SPAN_HI, H), lambda i: (0, 0, 0)),
            pl.BlockSpec((1, SPAN_HI, H), lambda i: (0, 0, 0)),
        ],
        out_specs=pl.BlockSpec((SPAN_HI, BLK), lambda i: (0, i)),
        out_shape=jax.ShapeDtypeStruct((SPAN_HI, NROWS), jnp.float32),
    )(q2, key, key_pe)


def _sc_body(scores_hbm, span_hbm, ssum_hbm,
             scores_v, span_v, ssum_v, sem_misc):
    cid = lax.axis_index("c")
    sid = lax.axis_index("s")
    wid = sid * 2 + cid
    row0 = wid * RPW

    c_span = pltpu.async_copy(span_hbm.at[pl.ds(2 * row0, 2 * RPW)], span_v,
                              sem_misc.at[0])
    c_scores = pltpu.async_copy(scores_hbm.at[:, pl.ds(row0, RPW)], scores_v,
                                sem_misc.at[1])
    c_span.wait()
    c_scores.wait()

    lane2 = lax.iota(jnp.int32, 16) * 2

    for g in range(NGROUPS):
        s0 = plsc.load_gather(span_v, [lane2 + (2 * GROUP * g)])
        s1 = plsc.load_gather(span_v, [lane2 + (2 * GROUP * g + 1)])
        lvec = jnp.maximum(s0, -s1)
        li = lvec.astype(jnp.int32)

        svs = [scores_v[j, pl.ds(g * GROUP, GROUP)] for j in range(SPAN_HI)]
        valids = [li >= j for j in range(SPAN_HI)]
        mxw = jnp.zeros((GROUP,), jnp.float32)
        for j in range(SPAN_HI):
            mxw = jnp.maximum(mxw, jnp.where(valids[j], svs[j], NEG_INF))
        mx = mxw

        evs = [jnp.where(valids[j], jnp.exp(svs[j] - mx), jnp.float32(0.0))
               for j in range(SPAN_HI)]
        ez = jnp.exp(jnp.zeros((GROUP,), jnp.float32) - mx)
        n_zero = (MAX_SPAN - 1.0) - lvec
        denom = n_zero * ez
        for j in range(SPAN_HI):
            denom = denom + evs[j]
        ssum = n_zero * (ez / denom)
        for j in range(SPAN_HI):
            ssum = ssum + evs[j] / denom
        ssum_v[pl.ds(g * GROUP, GROUP)] = ssum

    pltpu.sync_copy(ssum_v, ssum_hbm.at[pl.ds(row0, RPW)])


_sc_softmax_sum = functools.partial(
    pl.kernel,
    out_type=jax.ShapeDtypeStruct((NROWS,), jnp.float32),
    mesh=plsc.VectorSubcoreMesh(core_axis_name="c", subcore_axis_name="s"),
    compiler_params=pltpu.CompilerParams(needs_layout_passes=False),
    scratch_types=[
        pltpu.VMEM((SPAN_HI, RPW), jnp.float32),
        pltpu.VMEM((2 * RPW,), jnp.float32),
        pltpu.VMEM((RPW,), jnp.float32),
        pltpu.SemaphoreType.DMA((2,)),
    ],
)(_sc_body)


def _scale_body(s_ref, v_ref, o_ref):
    o_ref[...] = v_ref[...] * s_ref[...]


def _tc_scale(ssum, v2):
    return pl.pallas_call(
        _scale_body,
        grid=(NROWS // BLK,),
        in_specs=[
            pl.BlockSpec((BLK, 1), lambda i: (i, 0)),
            pl.BlockSpec((BLK, H), lambda i: (i, 0)),
        ],
        out_specs=pl.BlockSpec((BLK, H), lambda i: (i, 0)),
        out_shape=jax.ShapeDtypeStruct((NROWS, H), jnp.float32),
    )(ssum, v2)


@jax.jit
def kernel(query, key, span, value, key_pe):
    q2 = query.reshape(NROWS, H)

    scores = _tc_scores(q2, key, key_pe)

    ssum = _sc_softmax_sum(scores, span.reshape(-1))

    out = _tc_scale(ssum.reshape(NROWS, 1), value.reshape(NROWS, H))
    return out.reshape(B, M, H)

# --- scband reference (transcript-rebuilt; emitter-appended) ---
"""Pipeline reference for scband-self-attention-38233798869148 (READ-ONLY COPY).

The authoritative reference and input builder live on the scoring server;
editing this copy changes nothing except your own understanding.
"""

import math
import jax, jax.numpy as jnp
import numpy as np

B, M, H = 2, 2048, 768
ALIGN = 0  # 'align' is an undefined free variable in the original torch forward; fixed to 0
SPAN_HI = 16  # randint upper bound used in setup_inputs


def setup_inputs() -> dict:
    rng = jax.random.key(0)
    k1, k2, k3, k4, k5 = jax.random.split(rng, 5)
    return {
        "query": jax.random.normal(k1, (B, M, H), dtype=jnp.float32),
        "key": jax.random.normal(k2, (B, M, H), dtype=jnp.float32),
        "span": jax.random.randint(k3, (B, M, 2), 0, 16).astype(jnp.float32),
        "value": jax.random.normal(k4, (B, M, H), dtype=jnp.float32),
        "key_pe": jax.random.normal(k5, (1, M, H), dtype=jnp.float32),
    }


def reference(query, key, span, value, key_pe):
    align = ALIGN
    Bn, Mn, Hn = key.shape
    # _window: note left_bound and right_bound use the identical expression (faithful to source)
    left_bound = jnp.round(jnp.maximum(span[:, :, 0], -span[:, :, 1]))[..., None].astype(jnp.int32)
    right_bound = jnp.round(jnp.maximum(span[:, :, 0], -span[:, :, 1]))[..., None].astype(jnp.int32)
    span_width = jnp.max(jnp.abs(left_bound + right_bound)) + 1
    max_span = 2 * (SPAN_HI - 1) + 1  # static bound: bounds lie in [0, SPAN_HI-1]
    # _idx_span: idx_span[b, m, s] = s
    idx_span = jnp.broadcast_to(jnp.arange(max_span, dtype=jnp.int32), (Bn, Mn, max_span))
    # _mask_idx: idx_pad is idx_span.size(1) == M in the torch code (faithful)
    idx_pad = Mn
    idx = idx_span + align - left_bound
    idx = jnp.where(idx < 0, idx_pad, idx)
    idx = jnp.where(idx > right_bound + align, idx_pad, idx)
    flat_idx = idx.reshape(-1, max_span)

    def _extract(X):
        # F.pad(X, (0,0,0,1)) pads one zero row at the end of dim 1
        Xp = jnp.pad(X, ((0, 0), (0, 1), (0, 0)))
        return Xp.reshape(-1, Hn)[flat_idx].reshape(Bn, Mn, max_span, Hn)

    key_span = jnp.swapaxes(_extract(key), -1, -2).reshape(Bn * Mn, Hn, max_span)
    kpe = jnp.tile(key_pe, (Bn, 1, 1))
    key_pe_span = jnp.swapaxes(_extract(kpe), -1, -2).reshape(Bn * Mn, Hn, max_span)

    q = query.reshape(Bn * Mn, 1, Hn)
    attn_cont = jnp.matmul(q, key_span).reshape(Bn, Mn, -1)
    attn_pos = jnp.matmul(q, key_pe_span).reshape(Bn, Mn, -1)
    attn = (attn_cont + attn_pos) / math.sqrt(Hn)
    attn = jnp.where(jnp.arange(max_span) < span_width, attn, -jnp.inf)
    attn = jax.nn.softmax(attn, axis=-1)
    out = (attn[..., None] * value[:, :, None, :]).sum(axis=2)
    return out

if __name__ == "__main__":
    import jax
    _d = setup_inputs()
    print(jax.jit(kernel)(*tuple(_d.values())))

</pallas_src>

<mosaic_0001>
#map = affine_map<(d0, d1) -> (0, 0)>
#map1 = affine_map<(d0, d1) -> (0)>
module attributes {stable_mosaic.version = 14 : i64} {
  func.func @_sc_body(%arg0: i32, %arg1: i32, %arg2: memref<16x4096xf32, #tpu.memory_space<hbm>>, %arg3: memref<8192xf32, #tpu.memory_space<hbm>>, %arg4: memref<4096xf32, #tpu.memory_space<hbm>>, %arg5: memref<16x128xf32, #tpu.memory_space<vmem>>, %arg6: memref<256xf32, #tpu.memory_space<vmem>>, %arg7: memref<128xf32, #tpu.memory_space<vmem>>, %arg8: memref<2x!tpu.dma_semaphore, #tpu.memory_space<semaphore_mem>>) attributes {dimension_semantics = [#tpu.dimension_semantics<core_parallel>, #tpu.dimension_semantics<subcore_parallel>], iteration_bounds = array<i64: 2, 16>, scalar_prefetch = 0 : i64, scratch_operands = 4 : i64, tpu.core_type = #tpu.core_type<sc_vector_subcore>, window_params = [{transform_indices = #map}, {transform_indices = #map1}, {transform_indices = #map1}]} {
    %mul3A = arith.constant 2 : i32
    %mul3A_0 = arith.muli %arg1, %mul3A : i32
    %add3A = arith.addi %mul3A_0, %arg0 : i32
    %mul3A_1 = arith.constant 128 : i32
    %mul3A_2 = arith.muli %add3A, %mul3A_1 : i32
    %mul3A_3 = arith.constant 2 : i32
    %mul3A_4 = arith.muli %mul3A_3, %mul3A_2 : i32
    %dma_start3A = arith.constant 0 : i32
    %dma_start3A_5 = tpu.memref_slice %arg3[%mul3A_4] : memref<8192xf32, #tpu.memory_space<hbm>> -> memref<256xf32, #tpu.memory_space<hbm>>
    %dma_start3A_6 = tpu.memref_slice %arg8[%dma_start3A] : memref<2x!tpu.dma_semaphore, #tpu.memory_space<semaphore_mem>> -> memref<1x!tpu.dma_semaphore, #tpu.memory_space<semaphore_mem>>
    %dma_start3A_7 = tpu.memref_squeeze %dma_start3A_6 : memref<1x!tpu.dma_semaphore, #tpu.memory_space<semaphore_mem>> -> memref<!tpu.dma_semaphore, #tpu.memory_space<semaphore_mem>>
    %dma_start3A_8 = tpu.memref_slice %arg3[%mul3A_4] : memref<8192xf32, #tpu.memory_space<hbm>> -> memref<256xf32, #tpu.memory_space<hbm>>
    tpu.enqueue_dma source(%dma_start3A_8 : memref<256xf32, #tpu.memory_space<hbm>>) target(%arg6 : memref<256xf32, #tpu.memory_space<vmem>>) target_semaphore(%dma_start3A_7 : memref<!tpu.dma_semaphore, #tpu.memory_space<semaphore_mem>>)
    %dma_start3A_9 = arith.constant 1 : i32
    %dma_start3A_10 = arith.constant 0 : i32
    %dma_start3A_11 = tpu.memref_slice %arg2[%dma_start3A_10, %mul3A_2] : memref<16x4096xf32, #tpu.memory_space<hbm>> -> memref<16x128xf32, #tpu.memory_space<hbm>>
    %dma_start3A_12 = tpu.memref_slice %arg8[%dma_start3A_9] : memref<2x!tpu.dma_semaphore, #tpu.memory_space<semaphore_mem>> -> memref<1x!tpu.dma_semaphore, #tpu.memory_space<semaphore_mem>>
    %dma_start3A_13 = tpu.memref_squeeze %dma_start3A_12 : memref<1x!tpu.dma_semaphore, #tpu.memory_space<semaphore_mem>> -> memref<!tpu.dma_semaphore, #tpu.memory_space<semaphore_mem>>
    %dma_start3A_14 = arith.constant 0 : i32
    %dma_start3A_15 = tpu.memref_slice %arg2[%dma_start3A_14, %mul3A_2] : memref<16x4096xf32, #tpu.memory_space<hbm>> -> memref<16x128xf32, #tpu.memory_space<hbm>>
    tpu.enqueue_dma source(%dma_start3A_15 : memref<16x128xf32, #tpu.memory_space<hbm>>) target(%arg5 : memref<16x128xf32, #tpu.memory_space<vmem>>) target_semaphore(%dma_start3A_13 : memref<!tpu.dma_semaphore, #tpu.memory_space<semaphore_mem>>)
    %dma_wait3A = arith.constant 0 : i32
    %dma_wait3A_16 = tpu.memref_slice %arg3[%mul3A_4] : memref<8192xf32, #tpu.memory_space<hbm>> -> memref<256xf32, #tpu.memory_space<hbm>>
    %dma_wait3A_17 = tpu.memref_slice %arg8[%dma_wait3A] : memref<2x!tpu.dma_semaphore, #tpu.memory_space<semaphore_mem>> -> memref<1x!tpu.dma_semaphore, #tpu.memory_space<semaphore_mem>>
    %dma_wait3A_18 = tpu.memref_squeeze %dma_wait3A_17 : memref<1x!tpu.dma_semaphore, #tpu.memory_space<semaphore_mem>> -> memref<!tpu.dma_semaphore, #tpu.memory_space<semaphore_mem>>
    %dma_wait3A_19 = tpu.memref_slice %arg3[%mul3A_4] : memref<8192xf32, #tpu.memory_space<hbm>> -> memref<256xf32, #tpu.memory_space<hbm>>
    tpu.wait_dma2 semaphore(%dma_wait3A_18 : memref<!tpu.dma_semaphore, #tpu.memory_space<semaphore_mem>>) src(%dma_wait3A_19 : memref<256xf32, #tpu.memory_space<hbm>>) dst(%arg6 : memref<256xf32, #tpu.memory_space<vmem>>)
    %dma_wait3A_20 = arith.constant 1 : i32
    %dma_wait3A_21 = arith.constant 0 : i32
    %dma_wait3A_22 = tpu.memref_slice %arg2[%dma_wait3A_21, %mul3A_2] : memref<16x4096xf32, #tpu.memory_space<hbm>> -> memref<16x128xf32, #tpu.memory_space<hbm>>
    %dma_wait3A_23 = tpu.memref_slice %arg8[%dma_wait3A_20] : memref<2x!tpu.dma_semaphore, #tpu.memory_space<semaphore_mem>> -> memref<1x!tpu.dma_semaphore, #tpu.memory_space<semaphore_mem>>
    %dma_wait3A_24 = tpu.memref_squeeze %dma_wait3A_23 : memref<1x!tpu.dma_semaphore, #tpu.memory_space<semaphore_mem>> -> memref<!tpu.dma_semaphore, #tpu.memory_space<semaphore_mem>>
    %dma_wait3A_25 = arith.constant 0 : i32
    %dma_wait3A_26 = tpu.memref_slice %arg2[%dma_wait3A_25, %mul3A_2] : memref<16x4096xf32, #tpu.memory_space<hbm>> -> memref<16x128xf32, #tpu.memory_space<hbm>>
    tpu.wait_dma2 semaphore(%dma_wait3A_24 : memref<!tpu.dma_semaphore, #tpu.memory_space<semaphore_mem>>) src(%dma_wait3A_26 : memref<16x128xf32, #tpu.memory_space<hbm>>) dst(%arg5 : memref<16x128xf32, #tpu.memory_space<vmem>>)
    %iota3A = tpu.iota {dimensions = array<i32: 0>} : vector<16xi32>
    %mul3A_27 = arith.constant 2 : i32
    %mul3A_28 = vector.broadcast %mul3A_27 : i32 to vector<16xi32>
    %mul3A_29 = arith.muli %iota3A, %mul3A_28 : vector<16xi32>
    %add3A_30 = arith.constant 0 : i32
    %add3A_31 = vector.broadcast %add3A_30 : i32 to vector<16xi32>
    %add3A_32 = arith.addi %mul3A_29, %add3A_31 : vector<16xi32>
    %gather3A = tpu.vector_load_idx %arg6[%add3A_32] : memref<256xf32, #tpu.memory_space<vmem>>[vector<16xi32>], vector<16xf32>,
    %add3A_33 = arith.constant 1 : i32
    %add3A_34 = vector.broadcast %add3A_33 : i32 to vector<16xi32>
    %add3A_35 = arith.addi %mul3A_29, %add3A_34 : vector<16xi32>
    %gather3A_36 = tpu.vector_load_idx %arg6[%add3A_35] : memref<256xf32, #tpu.memory_space<vmem>>[vector<16xi32>], vector<16xf32>,
    %neg3A = arith.constant 0.000000e+00 : f32
    %neg3A_37 = vector.broadcast %neg3A : f32 to vector<16xf32>
    %neg3A_38 = arith.subf %neg3A_37, %gather3A_36 : vector<16xf32>
    %max3A = arith.maximumf %gather3A, %neg3A_38 : vector<16xf32>
    %convert_element_type3A = arith.fptosi %max3A : vector<16xf32> to vector<16xi32>
    %get3A = arith.constant 0 : i32
    %get3A_39 = arith.index_cast %get3A : i32 to index
    %get3A_40 = arith.constant 0 : index
    %get3A_41 = tpu.vector_load %arg5[%get3A_39, %get3A_40] {strides = array<i32>} : memref<16x128xf32, #tpu.memory_space<vmem>>, vector<16xf32>,
    %get3A_42 = arith.constant 1 : i32
    %get3A_43 = arith.index_cast %get3A_42 : i32 to index
    %get3A_44 = arith.constant 0 : index
    %get3A_45 = tpu.vector_load %arg5[%get3A_43, %get3A_44] {strides = array<i32>} : memref<16x128xf32, #tpu.memory_space<vmem>>, vector<16xf32>,
    %get3A_46 = arith.constant 2 : i32
    %get3A_47 = arith.index_cast %get3A_46 : i32 to index
    %get3A_48 = arith.constant 0 : index
    %get3A_49 = tpu.vector_load %arg5[%get3A_47, %get3A_48] {strides = array<i32>} : memref<16x128xf32, #tpu.memory_space<vmem>>, vector<16xf32>,
    %get3A_50 = arith.constant 3 : i32
    %get3A_51 = arith.index_cast %get3A_50 : i32 to index
    %get3A_52 = arith.constant 0 : index
    %get3A_53 = tpu.vector_load %arg5[%get3A_51, %get3A_52] {strides = array<i32>} : memref<16x128xf32, #tpu.memory_space<vmem>>, vector<16xf32>,
    %get3A_54 = arith.constant 4 : i32
    %get3A_55 = arith.index_cast %get3A_54 : i32 to index
    %get3A_56 = arith.constant 0 : index
    %get3A_57 = tpu.vector_load %arg5[%get3A_55, %get3A_56] {strides = array<i32>} : memref<16x128xf32, #tpu.memory_space<vmem>>, vector<16xf32>,
    %get3A_58 = arith.constant 5 : i32
    %get3A_59 = arith.index_cast %get3A_58 : i32 to index
    %get3A_60 = arith.constant 0 : index
    %get3A_61 = tpu.vector_load %arg5[%get3A_59, %get3A_60] {strides = array<i32>} : memref<16x128xf32, #tpu.memory_space<vmem>>, vector<16xf32>,
    %get3A_62 = arith.constant 6 : i32
    %get3A_63 = arith.index_cast %get3A_62 : i32 to index
    %get3A_64 = arith.constant 0 : index
    %get3A_65 = tpu.vector_load %arg5[%get3A_63, %get3A_64] {strides = array<i32>} : memref<16x128xf32, #tpu.memory_space<vmem>>, vector<16xf32>,
    %get3A_66 = arith.constant 7 : i32
    %get3A_67 = arith.index_cast %get3A_66 : i32 to index
    %get3A_68 = arith.constant 0 : index
    %get3A_69 = tpu.vector_load %arg5[%get3A_67, %get3A_68] {strides = array<i32>} : memref<16x128xf32, #tpu.memory_space<vmem>>, vector<16xf32>,
    %get3A_70 = arith.constant 8 : i32
    %get3A_71 = arith.index_cast %get3A_70 : i32 to index
    %get3A_72 = arith.constant 0 : index
    %get3A_73 = tpu.vector_load %arg5[%get3A_71, %get3A_72] {strides = array<i32>} : memref<16x128xf32, #tpu.memory_space<vmem>>, vector<16xf32>,
    %get3A_74 = arith.constant 9 : i32
    %get3A_75 = arith.index_cast %get3A_74 : i32 to index
    %get3A_76 = arith.constant 0 : index
    %get3A_77 = tpu.vector_load %arg5[%get3A_75, %get3A_76] {strides = array<i32>} : memref<16x128xf32, #tpu.memory_space<vmem>>, vector<16xf32>,
    %get3A_78 = arith.constant 10 : i32
    %get3A_79 = arith.index_cast %get3A_78 : i32 to index
    %get3A_80 = arith.constant 0 : index
    %get3A_81 = tpu.vector_load %arg5[%get3A_79, %get3A_80] {strides = array<i32>} : memref<16x128xf32, #tpu.memory_space<vmem>>, vector<16xf32>,
    %get3A_82 = arith.constant 11 : i32
    %get3A_83 = arith.index_cast %get3A_82 : i32 to index
    %get3A_84 = arith.constant 0 : index
    %get3A_85 = tpu.vector_load %arg5[%get3A_83, %get3A_84] {strides = array<i32>} : memref<16x128xf32, #tpu.memory_space<vmem>>, vector<16xf32>,
    %get3A_86 = arith.constant 12 : i32
    %get3A_87 = arith.index_cast %get3A_86 : i32 to index
    %get3A_88 = arith.constant 0 : index
    %get3A_89 = tpu.vector_load %arg5[%get3A_87, %get3A_88] {strides = array<i32>} : memref<16x128xf32, #tpu.memory_space<vmem>>, vector<16xf32>,
    %get3A_90 = arith.constant 13 : i32
    %get3A_91 = arith.index_cast %get3A_90 : i32 to index
    %get3A_92 = arith.constant 0 : index
    %get3A_93 = tpu.vector_load %arg5[%get3A_91, %get3A_92] {strides = array<i32>} : memref<16x128xf32, #tpu.memory_space<vmem>>, vector<16xf32>,
    %get3A_94 = arith.constant 14 : i32
    %get3A_95 = arith.index_cast %get3A_94 : i32 to index
    %get3A_96 = arith.constant 0 : index
    %get3A_97 = tpu.vector_load %arg5[%get3A_95, %get3A_96] {strides = array<i32>} : memref<16x128xf32, #tpu.memory_space<vmem>>, vector<16xf32>,
    %get3A_98 = arith.constant 15 : i32
    %get3A_99 = arith.index_cast %get3A_98 : i32 to index
    %get3A_100 = arith.constant 0 : index
    %get3A_101 = tpu.vector_load %arg5[%get3A_99, %get3A_100] {strides = array<i32>} : memref<16x128xf32, #tpu.memory_space<vmem>>, vector<16xf32>,
    %ge3A = arith.constant 0 : i32
    %ge3A_102 = vector.broadcast %ge3A : i32 to vector<16xi32>
    %ge3A_103 = arith.cmpi sge, %convert_element_type3A, %ge3A_102 : vector<16xi32>
    %ge3A_104 = arith.constant 1 : i32
    %ge3A_105 = vector.broadcast %ge3A_104 : i32 to vector<16xi32>
    %ge3A_106 = arith.cmpi sge, %convert_element_type3A, %ge3A_105 : vector<16xi32>
    %ge3A_107 = arith.constant 2 : i32
    %ge3A_108 = vector.broadcast %ge3A_107 : i32 to vector<16xi32>
    %ge3A_109 = arith.cmpi sge, %convert_element_type3A, %ge3A_108 : vector<16xi32>
    %ge3A_110 = arith.constant 3 : i32
    %ge3A_111 = vector.broadcast %ge3A_110 : i32 to vector<16xi32>
    %ge3A_112 = arith.cmpi sge, %convert_element_type3A, %ge3A_111 : vector<16xi32>
    %ge3A_113 = arith.constant 4 : i32
    %ge3A_114 = vector.broadcast %ge3A_113 : i32 to vector<16xi32>
    %ge3A_115 = arith.cmpi sge, %convert_element_type3A, %ge3A_114 : vector<16xi32>
    %ge3A_116 = arith.constant 5 : i32
    %ge3A_117 = vector.broadcast %ge3A_116 : i32 to vector<16xi32>
    %ge3A_118 = arith.cmpi sge, %convert_element_type3A, %ge3A_117 : vector<16xi32>
    %ge3A_119 = arith.constant 6 : i32
    %ge3A_120 = vector.broadcast %ge3A_119 : i32 to vector<16xi32>
    %ge3A_121 = arith.cmpi sge, %convert_element_type3A, %ge3A_120 : vector<16xi32>
    %ge3A_122 = arith.constant 7 : i32
    %ge3A_123 = vector.broadcast %ge3A_122 : i32 to vector<16xi32>
    %ge3A_124 = arith.cmpi sge, %convert_element_type3A, %ge3A_123 : vector<16xi32>
    %ge3A_125 = arith.constant 8 : i32
    %ge3A_126 = vector.broadcast %ge3A_125 : i32 to vector<16xi32>
    %ge3A_127 = arith.cmpi sge, %convert_element_type3A, %ge3A_126 : vector<16xi32>
    %ge3A_128 = arith.constant 9 : i32
    %ge3A_129 = vector.broadcast %ge3A_128 : i32 to vector<16xi32>
    %ge3A_130 = arith.cmpi sge, %convert_element_type3A, %ge3A_129 : vector<16xi32>
    %ge3A_131 = arith.constant 10 : i32
    %ge3A_132 = vector.broadcast %ge3A_131 : i32 to vector<16xi32>
    %ge3A_133 = arith.cmpi sge, %convert_element_type3A, %ge3A_132 : vector<16xi32>
    %ge3A_134 = arith.constant 11 : i32
    %ge3A_135 = vector.broadcast %ge3A_134 : i32 to vector<16xi32>
    %ge3A_136 = arith.cmpi sge, %convert_element_type3A, %ge3A_135 : vector<16xi32>
    %ge3A_137 = arith.constant 12 : i32
    %ge3A_138 = vector.broadcast %ge3A_137 : i32 to vector<16xi32>
    %ge3A_139 = arith.cmpi sge, %convert_element_type3A, %ge3A_138 : vector<16xi32>
    %ge3A_140 = arith.constant 13 : i32
    %ge3A_141 = vector.broadcast %ge3A_140 : i32 to vector<16xi32>
    %ge3A_142 = arith.cmpi sge, %convert_element_type3A, %ge3A_141 : vector<16xi32>
    %ge3A_143 = arith.constant 14 : i32
    %ge3A_144 = vector.broadcast %ge3A_143 : i32 to vector<16xi32>
    %ge3A_145 = arith.cmpi sge, %convert_element_type3A, %ge3A_144 : vector<16xi32>
    %ge3A_146 = arith.constant 15 : i32
    %ge3A_147 = vector.broadcast %ge3A_146 : i32 to vector<16xi32>
    %ge3A_148 = arith.cmpi sge, %convert_element_type3A, %ge3A_147 : vector<16xi32>
    %broadcast_in_dim3A = arith.constant 0.000000e+00 : f32
    %broadcast_in_dim3A_149 = vector.broadcast %broadcast_in_dim3A : f32 to vector<16xf32>
    %jit3A = arith.constant 0xFF800000 : f32
    %broadcast_in_dim3A_150 = vector.broadcast %jit3A : f32 to vector<16xf32>
    %select_n3A = arith.select %ge3A_103, %get3A_41, %broadcast_in_dim3A_150 : vector<16xi1>, vector<16xf32>
    %max3A_151 = arith.maximumf %broadcast_in_dim3A_149, %select_n3A : vector<16xf32>
    %jit3A_152 = arith.constant 0xFF800000 : f32
    %broadcast_in_dim3A_153 = vector.broadcast %jit3A_152 : f32 to vector<16xf32>
    %select_n3A_154 = arith.select %ge3A_106, %get3A_45, %broadcast_in_dim3A_153 : vector<16xi1>, vector<16xf32>
    %max3A_155 = arith.maximumf %max3A_151, %select_n3A_154 : vector<16xf32>
    %jit3A_156 = arith.constant 0xFF800000 : f32
    %broadcast_in_dim3A_157 = vector.broadcast %jit3A_156 : f32 to vector<16xf32>
    %select_n3A_158 = arith.select %ge3A_109, %get3A_49, %broadcast_in_dim3A_157 : vector<16xi1>, vector<16xf32>
    %max3A_159 = arith.maximumf %max3A_155, %select_n3A_158 : vector<16xf32>
    %jit3A_160 = arith.constant 0xFF800000 : f32
    %broadcast_in_dim3A_161 = vector.broadcast %jit3A_160 : f32 to vector<16xf32>
    %select_n3A_162 = arith.select %ge3A_112, %get3A_53, %broadcast_in_dim3A_161 : vector<16xi1>, vector<16xf32>
    %max3A_163 = arith.maximumf %max3A_159, %select_n3A_162 : vector<16xf32>
    %jit3A_164 = arith.constant 0xFF800000 : f32
    %broadcast_in_dim3A_165 = vector.broadcast %jit3A_164 : f32 to vector<16xf32>
    %select_n3A_166 = arith.select %ge3A_115, %get3A_57, %broadcast_in_dim3A_165 : vector<16xi1>, vector<16xf32>
    %max3A_167 = arith.maximumf %max3A_163, %select_n3A_166 : vector<16xf32>
    %jit3A_168 = arith.constant 0xFF800000 : f32
    %broadcast_in_dim3A_169 = vector.broadcast %jit3A_168 : f32 to vector<16xf32>
    %select_n3A_170 = arith.select %ge3A_118, %get3A_61, %broadcast_in_dim3A_169 : vector<16xi1>, vector<16xf32>
    %max3A_171 = arith.maximumf %max3A_167, %select_n3A_170 : vector<16xf32>
    %jit3A_172 = arith.constant 0xFF800000 : f32
    %broadcast_in_dim3A_173 = vector.broadcast %jit3A_172 : f32 to vector<16xf32>
    %select_n3A_174 = arith.select %ge3A_121, %get3A_65, %broadcast_in_dim3A_173 : vector<16xi1>, vector<16xf32>
    %max3A_175 = arith.maximumf %max3A_171, %select_n3A_174 : vector<16xf32>
    %jit3A_176 = arith.constant 0xFF800000 : f32
    %broadcast_in_dim3A_177 = vector.broadcast %jit3A_176 : f32 to vector<16xf32>
    %select_n3A_178 = arith.select %ge3A_124, %get3A_69, %broadcast_in_dim3A_177 : vector<16xi1>, vector<16xf32>
    %max3A_179 = arith.maximumf %max3A_175, %select_n3A_178 : vector<16xf32>
    %jit3A_180 = arith.constant 0xFF800000 : f32
    %broadcast_in_dim3A_181 = vector.broadcast %jit3A_180 : f32 to vector<16xf32>
    %select_n3A_182 = arith.select %ge3A_127, %get3A_73, %broadcast_in_dim3A_181 : vector<16xi1>, vector<16xf32>
    %max3A_183 = arith.maximumf %max3A_179, %select_n3A_182 : vector<16xf32>
    %jit3A_184 = arith.constant 0xFF800000 : f32
    %broadcast_in_dim3A_185 = vector.broadcast %jit3A_184 : f32 to vector<16xf32>
    %select_n3A_186 = arith.select %ge3A_130, %get3A_77, %broadcast_in_dim3A_185 : vector<16xi1>, vector<16xf32>
    %max3A_187 = arith.maximumf %max3A_183, %select_n3A_186 : vector<16xf32>
    %jit3A_188 = arith.constant 0xFF800000 : f32
    %broadcast_in_dim3A_189 = vector.broadcast %jit3A_188 : f32 to vector<16xf32>
    %select_n3A_190 = arith.select %ge3A_133, %get3A_81, %broadcast_in_dim3A_189 : vector<16xi1>, vector<16xf32>
    %max3A_191 = arith.maximumf %max3A_187, %select_n3A_190 : vector<16xf32>
    %jit3A_192 = arith.constant 0xFF800000 : f32
    %broadcast_in_dim3A_193 = vector.broadcast %jit3A_192 : f32 to vector<16xf32>
    %select_n3A_194 = arith.select %ge3A_136, %get3A_85, %broadcast_in_dim3A_193 : vector<16xi1>, vector<16xf32>
    %max3A_195 = arith.maximumf %max3A_191, %select_n3A_194 : vector<16xf32>
    %jit3A_196 = arith.constant 0xFF800000 : f32
    %broadcast_in_dim3A_197 = vector.broadcast %jit3A_196 : f32 to vector<16xf32>
    %select_n3A_198 = arith.select %ge3A_139, %get3A_89, %broadcast_in_dim3A_197 : vector<16xi1>, vector<16xf32>
    %max3A_199 = arith.maximumf %max3A_195, %select_n3A_198 : vector<16xf32>
    %jit3A_200 = arith.constant 0xFF800000 : f32
    %broadcast_in_dim3A_201 = vector.broadcast %jit3A_200 : f32 to vector<16xf32>
    %select_n3A_202 = arith.select %ge3A_142, %get3A_93, %broadcast_in_dim3A_201 : vector<16xi1>, vector<16xf32>
    %max3A_203 = arith.maximumf %max3A_199, %select_n3A_202 : vector<16xf32>
    %jit3A_204 = arith.constant 0xFF800000 : f32
    %broadcast_in_dim3A_205 = vector.broadcast %jit3A_204 : f32 to vector<16xf32>
    %select_n3A_206 = arith.select %ge3A_145, %get3A_97, %broadcast_in_dim3A_205 : vector<16xi1>, vector<16xf32>
    %max3A_207 = arith.maximumf %max3A_203, %select_n3A_206 : vector<16xf32>
    %jit3A_208 = arith.constant 0xFF800000 : f32
    %broadcast_in_dim3A_209 = vector.broadcast %jit3A_208 : f32 to vector<16xf32>
    %select_n3A_210 = arith.select %ge3A_148, %get3A_101, %broadcast_in_dim3A_209 : vector<16xi1>, vector<16xf32>
    %max3A_211 = arith.maximumf %max3A_207, %select_n3A_210 : vector<16xf32>
    %sub3A = arith.subf %get3A_41, %max3A_211 : vector<16xf32>
    %exp3A = math.exp %sub3A : vector<16xf32>
    %jit3A_212 = arith.constant 0.000000e+00 : f32
    %broadcast_in_dim3A_213 = vector.broadcast %jit3A_212 : f32 to vector<16xf32>
    %select_n3A_214 = arith.select %ge3A_103, %exp3A, %broadcast_in_dim3A_213 : vector<16xi1>, vector<16xf32>
    %sub3A_215 = arith.subf %get3A_45, %max3A_211 : vector<16xf32>
    %exp3A_216 = math.exp %sub3A_215 : vector<16xf32>
    %jit3A_217 = arith.constant 0.000000e+00 : f32
    %broadcast_in_dim3A_218 = vector.broadcast %jit3A_217 : f32 to vector<16xf32>
    %select_n3A_219 = arith.select %ge3A_106, %exp3A_216, %broadcast_in_dim3A_218 : vector<16xi1>, vector<16xf32>
    %sub3A_220 = arith.subf %get3A_49, %max3A_211 : vector<16xf32>
    %exp3A_221 = math.exp %sub3A_220 : vector<16xf32>
    %jit3A_222 = arith.constant 0.000000e+00 : f32
    %broadcast_in_dim3A_223 = vector.broadcast %jit3A_222 : f32 to vector<16xf32>
    %select_n3A_224 = arith.select %ge3A_109, %exp3A_221, %broadcast_in_dim3A_223 : vector<16xi1>, vector<16xf32>
    %sub3A_225 = arith.subf %get3A_53, %max3A_211 : vector<16xf32>
    %exp3A_226 = math.exp %sub3A_225 : vector<16xf32>
    %jit3A_227 = arith.constant 0.000000e+00 : f32
    %broadcast_in_dim3A_228 = vector.broadcast %jit3A_227 : f32 to vector<16xf32>
    %select_n3A_229 = arith.select %ge3A_112, %exp3A_226, %broadcast_in_dim3A_228 : vector<16xi1>, vector<16xf32>
    %sub3A_230 = arith.subf %get3A_57, %max3A_211 : vector<16xf32>
    %exp3A_231 = math.exp %sub3A_230 : vector<16xf32>
    %jit3A_232 = arith.constant 0.000000e+00 : f32
    %broadcast_in_dim3A_233 = vector.broadcast %jit3A_232 : f32 to vector<16xf32>
    %select_n3A_234 = arith.select %ge3A_115, %exp3A_231, %broadcast_in_dim3A_233 : vector<16xi1>, vector<16xf32>
    %sub3A_235 = arith.subf %get3A_61, %max3A_211 : vector<16xf32>
    %exp3A_236 = math.exp %sub3A_235 : vector<16xf32>
    %jit3A_237 = arith.constant 0.000000e+00 : f32
    %broadcast_in_dim3A_238 = vector.broadcast %jit3A_237 : f32 to vector<16xf32>
    %select_n3A_239 = arith.select %ge3A_118, %exp3A_236, %broadcast_in_dim3A_238 : vector<16xi1>, vector<16xf32>
    %sub3A_240 = arith.subf %get3A_65, %max3A_211 : vector<16xf32>
    %exp3A_241 = math.exp %sub3A_240 : vector<16xf32>
    %jit3A_242 = arith.constant 0.000000e+00 : f32
    %broadcast_in_dim3A_243 = vector.broadcast %jit3A_242 : f32 to vector<16xf32>
    %select_n3A_244 = arith.select %ge3A_121, %exp3A_241, %broadcast_in_dim3A_243 : vector<16xi1>, vector<16xf32>
    %sub3A_245 = arith.subf %get3A_69, %max3A_211 : vector<16xf32>
    %exp3A_246 = math.exp %sub3A_245 : vector<16xf32>
    %jit3A_247 = arith.constant 0.000000e+00 : f32
    %broadcast_in_dim3A_248 = vector.broadcast %jit3A_247 : f32 to vector<16xf32>
    %select_n3A_249 = arith.select %ge3A_124, %exp3A_246, %broadcast_in_dim3A_248 : vector<16xi1>, vector<16xf32>
    %sub3A_250 = arith.subf %get3A_73, %max3A_211 : vector<16xf32>
    %exp3A_251 = math.exp %sub3A_250 : vector<16xf32>
    %jit3A_252 = arith.constant 0.000000e+00 : f32
    %broadcast_in_dim3A_253 = vector.broadcast %jit3A_252 : f32 to vector<16xf32>
    %select_n3A_254 = arith.select %ge3A_127, %exp3A_251, %broadcast_in_dim3A_253 : vector<16xi1>, vector<16xf32>
    %sub3A_255 = arith.subf %get3A_77, %max3A_211 : vector<16xf32>
    %exp3A_256 = math.exp %sub3A_255 : vector<16xf32>
    %jit3A_257 = arith.constant 0.000000e+00 : f32
    %broadcast_in_dim3A_258 = vector.broadcast %jit3A_257 : f32 to vector<16xf32>
    %select_n3A_259 = arith.select %ge3A_130, %exp3A_256, %broadcast_in_dim3A_258 : vector<16xi1>, vector<16xf32>
    %sub3A_260 = arith.subf %get3A_81, %max3A_211 : vector<16xf32>
    %exp3A_261 = math.exp %sub3A_260 : vector<16xf32>
    %jit3A_262 = arith.constant 0.000000e+00 : f32
    %broadcast_in_dim3A_263 = vector.broadcast %jit3A_262 : f32 to vector<16xf32>
    %select_n3A_264 = arith.select %ge3A_133, %exp3A_261, %broadcast_in_dim3A_263 : vector<16xi1>, vector<16xf32>
    %sub3A_265 = arith.subf %get3A_85, %max3A_211 : vector<16xf32>
    %exp3A_266 = math.exp %sub3A_265 : vector<16xf32>
    %jit3A_267 = arith.constant 0.000000e+00 : f32
    %broadcast_in_dim3A_268 = vector.broadcast %jit3A_267 : f32 to vector<16xf32>
    %select_n3A_269 = arith.select %ge3A_136, %exp3A_266, %broadcast_in_dim3A_268 : vector<16xi1>, vector<16xf32>
    %sub3A_270 = arith.subf %get3A_89, %max3A_211 : vector<16xf32>
    %exp3A_271 = math.exp %sub3A_270 : vector<16xf32>
    %jit3A_272 = arith.constant 0.000000e+00 : f32
    %broadcast_in_dim3A_273 = vector.broadcast %jit3A_272 : f32 to vector<16xf32>
    %select_n3A_274 = arith.select %ge3A_139, %exp3A_271, %broadcast_in_dim3A_273 : vector<16xi1>, vector<16xf32>
    %sub3A_275 = arith.subf %get3A_93, %max3A_211 : vector<16xf32>
    %exp3A_276 = math.exp %sub3A_275 : vector<16xf32>
    %jit3A_277 = arith.constant 0.000000e+00 : f32
    %broadcast_in_dim3A_278 = vector.broadcast %jit3A_277 : f32 to vector<16xf32>
    %select_n3A_279 = arith.select %ge3A_142, %exp3A_276, %broadcast_in_dim3A_278 : vector<16xi1>, vector<16xf32>
    %sub3A_280 = arith.subf %get3A_97, %max3A_211 : vector<16xf32>
    %exp3A_281 = math.exp %sub3A_280 : vector<16xf32>
    %jit3A_282 = arith.constant 0.000000e+00 : f32
    %broadcast_in_dim3A_283 = vector.broadcast %jit3A_282 : f32 to vector<16xf32>
    %select_n3A_284 = arith.select %ge3A_145, %exp3A_281, %broadcast_in_dim3A_283 : vector<16xi1>, vector<16xf32>
    %sub3A_285 = arith.subf %get3A_101, %max3A_211 : vector<16xf32>
    %exp3A_286 = math.exp %sub3A_285 : vector<16xf32>
    %jit3A_287 = arith.constant 0.000000e+00 : f32
    %broadcast_in_dim3A_288 = vector.broadcast %jit3A_287 : f32 to vector<16xf32>
    %select_n3A_289 = arith.select %ge3A_148, %exp3A_286, %broadcast_in_dim3A_288 : vector<16xi1>, vector<16xf32>
    %broadcast_in_dim3A_290 = arith.constant 0.000000e+00 : f32
    %broadcast_in_dim3A_291 = vector.broadcast %broadcast_in_dim3A_290 : f32 to vector<16xf32>
    %sub3A_292 = arith.subf %broadcast_in_dim3A_291, %max3A_211 : vector<16xf32>
    %exp3A_293 = math.exp %sub3A_292 : vector<16xf32>
    %sub3A_294 = arith.constant 3.000000e+01 : f32
    %sub3A_295 = vector.broadcast %sub3A_294 : f32 to vector<16xf32>
    %sub3A_296 = arith.subf %sub3A_295, %max3A : vector<16xf32>
    %mul3A_297 = arith.mulf %sub3A_296, %exp3A_293 : vector<16xf32>
    %add3A_298 = arith.addf %mul3A_297, %select_n3A_214 : vector<16xf32>
    %add3A_299 = arith.addf %add3A_298, %select_n3A_219 : vector<16xf32>
    %add3A_300 = arith.addf %add3A_299, %select_n3A_224 : vector<16xf32>
    %add3A_301 = arith.addf %add3A_300, %select_n3A_229 : vector<16xf32>
    %add3A_302 = arith.addf %add3A_301, %select_n3A_234 : vector<16xf32>
    %add3A_303 = arith.addf %add3A_302, %select_n3A_239 : vector<16xf32>
    %add3A_304 = arith.addf %add3A_303, %select_n3A_244 : vector<16xf32>
    %add3A_305 = arith.addf %add3A_304, %select_n3A_249 : vector<16xf32>
    %add3A_306 = arith.addf %add3A_305, %select_n3A_254 : vector<16xf32>
    %add3A_307 = arith.addf %add3A_306, %select_n3A_259 : vector<16xf32>
    %add3A_308 = arith.addf %add3A_307, %select_n3A_264 : vector<16xf32>
    %add3A_309 = arith.addf %add3A_308, %select_n3A_269 : vector<16xf32>
    %add3A_310 = arith.addf %add3A_309, %select_n3A_274 : vector<16xf32>
    %add3A_311 = arith.addf %add3A_310, %select_n3A_279 : vector<16xf32>
    %add3A_312 = arith.addf %add3A_311, %select_n3A_284 : vector<16xf32>
    %add3A_313 = arith.addf %add3A_312, %select_n3A_289 : vector<16xf32>
    %div3A = arith.divf %exp3A_293, %add3A_313 : vector<16xf32>
    %mul3A_314 = arith.mulf %sub3A_296, %div3A : vector<16xf32>
    %div3A_315 = arith.divf %select_n3A_214, %add3A_313 : vector<16xf32>
    %add3A_316 = arith.addf %mul3A_314, %div3A_315 : vector<16xf32>
    %div3A_317 = arith.divf %select_n3A_219, %add3A_313 : vector<16xf32>
    %add3A_318 = arith.addf %add3A_316, %div3A_317 : vector<16xf32>
    %div3A_319 = arith.divf %select_n3A_224, %add3A_313 : vector<16xf32>
    %add3A_320 = arith.addf %add3A_318, %div3A_319 : vector<16xf32>
    %div3A_321 = arith.divf %select_n3A_229, %add3A_313 : vector<16xf32>
    %add3A_322 = arith.addf %add3A_320, %div3A_321 : vector<16xf32>
    %div3A_323 = arith.divf %select_n3A_234, %add3A_313 : vector<16xf32>
    %add3A_324 = arith.addf %add3A_322, %div3A_323 : vector<16xf32>
    %div3A_325 = arith.divf %select_n3A_239, %add3A_313 : vector<16xf32>
    %add3A_326 = arith.addf %add3A_324, %div3A_325 : vector<16xf32>
    %div3A_327 = arith.divf %select_n3A_244, %add3A_313 : vector<16xf32>
    %add3A_328 = arith.addf %add3A_326, %div3A_327 : vector<16xf32>
    %div3A_329 = arith.divf %select_n3A_249, %add3A_313 : vector<16xf32>
    %add3A_330 = arith.addf %add3A_328, %div3A_329 : vector<16xf32>
    %div3A_331 = arith.divf %select_n3A_254, %add3A_313 : vector<16xf32>
    %add3A_332 = arith.addf %add3A_330, %div3A_331 : vector<16xf32>
    %div3A_333 = arith.divf %select_n3A_259, %add3A_313 : vector<16xf32>
    %add3A_334 = arith.addf %add3A_332, %div3A_333 : vector<16xf32>
    %div3A_335 = arith.divf %select_n3A_264, %add3A_313 : vector<16xf32>
    %add3A_336 = arith.addf %add3A_334, %div3A_335 : vector<16xf32>
    %div3A_337 = arith.divf %select_n3A_269, %add3A_313 : vector<16xf32>
    %add3A_338 = arith.addf %add3A_336, %div3A_337 : vector<16xf32>
    %div3A_339 = arith.divf %select_n3A_274, %add3A_313 : vector<16xf32>
    %add3A_340 = arith.addf %add3A_338, %div3A_339 : vector<16xf32>
    %div3A_341 = arith.divf %select_n3A_279, %add3A_313 : vector<16xf32>
    %add3A_342 = arith.addf %add3A_340, %div3A_341 : vector<16xf32>
    %div3A_343 = arith.divf %select_n3A_284, %add3A_313 : vector<16xf32>
    %add3A_344 = arith.addf %add3A_342, %div3A_343 : vector<16xf32>
    %div3A_345 = arith.divf %select_n3A_289, %add3A_313 : vector<16xf32>
    %add3A_346 = arith.addf %add3A_344, %div3A_345 : vector<16xf32>
    %swap3A = arith.constant 0 : index
    %swap3A_347 = tpu.vector_load %arg7[%swap3A] {strides = array<i32>} : memref<128xf32, #tpu.memory_space<vmem>>, vector<16xf32>,
    tpu.vector_store %arg7[%swap3A], %add3A_346 {strides = array<i32>} : memref<128xf32, #tpu.memory_space<vmem>>, vector<16xf32>,
    %add3A_348 = arith.constant 32 : i32
    %add3A_349 = vector.broadcast %add3A_348 : i32 to vector<16xi32>
    %add3A_350 = arith.addi %mul3A_29, %add3A_349 : vector<16xi32>
    %gather3A_351 = tpu.vector_load_idx %arg6[%add3A_350] : memref<256xf32, #tpu.memory_space<vmem>>[vector<16xi32>], vector<16xf32>,
    %add3A_352 = arith.constant 33 : i32
    %add3A_353 = vector.broadcast %add3A_352 : i32 to vector<16xi32>
    %add3A_354 = arith.addi %mul3A_29, %add3A_353 : vector<16xi32>
    %gather3A_355 = tpu.vector_load_idx %arg6[%add3A_354] : memref<256xf32, #tpu.memory_space<vmem>>[vector<16xi32>], vector<16xf32>,
    %neg3A_356 = arith.constant 0.000000e+00 : f32
    %neg3A_357 = vector.broadcast %neg3A_356 : f32 to vector<16xf32>
    %neg3A_358 = arith.subf %neg3A_357, %gather3A_355 : vector<16xf32>
    %max3A_359 = arith.maximumf %gather3A_351, %neg3A_358 : vector<16xf32>
    %convert_element_type3A_360 = arith.fptosi %max3A_359 : vector<16xf32> to vector<16xi32>
    %get3A_361 = arith.constant 0 : i32
    %get3A_362 = arith.index_cast %get3A_361 : i32 to index
    %get3A_363 = arith.constant 16 : index
    %get3A_364 = tpu.vector_load %arg5[%get3A_362, %get3A_363] {strides = array<i32>} : memref<16x128xf32, #tpu.memory_space<vmem>>, vector<16xf32>,
    %get3A_365 = arith.constant 1 : i32
    %get3A_366 = arith.index_cast %get3A_365 : i32 to index
    %get3A_367 = arith.constant 16 : index
    %get3A_368 = tpu.vector_load %arg5[%get3A_366, %get3A_367] {strides = array<i32>} : memref<16x128xf32, #tpu.memory_space<vmem>>, vector<16xf32>,
    %get3A_369 = arith.constant 2 : i32
    %get3A_370 = arith.index_cast %get3A_369 : i32 to index
    %get3A_371 = arith.constant 16 : index
    %get3A_372 = tpu.vector_load %arg5[%get3A_370, %get3A_371] {strides = array<i32>} : memref<16x128xf32, #tpu.memory_space<vmem>>, vector<16xf32>,
    %get3A_373 = arith.constant 3 : i32
    %get3A_374 = arith.index_cast %get3A_373 : i32 to index
    %get3A_375 = arith.constant 16 : index
    %get3A_376 = tpu.vector_load %arg5[%get3A_374, %get3A_375] {strides = array<i32>} : memref<16x128xf32, #tpu.memory_space<vmem>>, vector<16xf32>,
    %get3A_377 = arith.constant 4 : i32
    %get3A_378 = arith.index_cast %get3A_377 : i32 to index
    %get3A_379 = arith.constant 16 : index
    %get3A_380 = tpu.vector_load %arg5[%get3A_378, %get3A_379] {strides = array<i32>} : memref<16x128xf32, #tpu.memory_space<vmem>>, vector<16xf32>,
    %get3A_381 = arith.constant 5 : i32
    %get3A_382 = arith.index_cast %get3A_381 : i32 to index
    %get3A_383 = arith.constant 16 : index
    %get3A_384 = tpu.vector_load %arg5[%get3A_382, %get3A_383] {strides = array<i32>} : memref<16x128xf32, #tpu.memory_space<vmem>>, vector<16xf32>,
    %get3A_385 = arith.constant 6 : i32
    %get3A_386 = arith.index_cast %get3A_385 : i32 to index
    %get3A_387 = arith.constant 16 : index
    %get3A_388 = tpu.vector_load %arg5[%get3A_386, %get3A_387] {strides = array<i32>} : memref<16x128xf32, #tpu.memory_space<vmem>>, vector<16xf32>,
    %get3A_389 = arith.constant 7 : i32
    %get3A_390 = arith.index_cast %get3A_389 : i32 to index
    %get3A_391 = arith.constant 16 : index
    %get3A_392 = tpu.vector_load %arg5[%get3A_390, %get3A_391] {strides = array<i32>} : memref<16x128xf32, #tpu.memory_space<vmem>>, vector<16xf32>,
    %get3A_393 = arith.constant 8 : i32
    %get3A_394 = arith.index_cast %get3A_393 : i32 to index
    %get3A_395 = arith.constant 16 : index
    %get3A_396 = tpu.vector_load %arg5[%get3A_394, %get3A_395] {strides = array<i32>} : memref<16x128xf32, #tpu.memory_space<vmem>>, vector<16xf32>,
    %get3A_397 = arith.constant 9 : i32
    %get3A_398 = arith.index_cast %get3A_397 : i32 to index
    %get3A_399 = arith.constant 16 : index
    %get3A_400 = tpu.vector_load %arg5[%get3A_398, %get3A_399] {strides = array<i32>} : memref<16x128xf32, #tpu.memory_space<vmem>>, vector<16xf32>,
    %get3A_401 = arith.constant 10 : i32
    %get3A_402 = arith.index_cast %get3A_401 : i32 to index
    %get3A_403 = arith.constant 16 : index
    %get3A_404 = tpu.vector_load %arg5[%get3A_402, %get3A_403] {strides = array<i32>} : memref<16x128xf32, #tpu.memory_space<vmem>>, vector<16xf32>,
    %get3A_405 = arith.constant 11 : i32
    %get3A_406 = arith.index_cast %get3A_405 : i32 to index
    %get3A_407 = arith.constant 16 : index
    %get3A_408 = tpu.vector_load %arg5[%get3A_406, %get3A_407] {strides = array<i32>} : memref<16x128xf32, #tpu.memory_space<vmem>>, vector<16xf32>,
    %get3A_409 = arith.constant 12 : i32
    %get3A_410 = arith.index_cast %get3A_409 : i32 to index
    %get3A_411 = arith.constant 16 : index
    %get3A_412 = tpu.vector_load %arg5[%get3A_410, %get3A_411] {strides = array<i32>} : memref<16x128xf32, #tpu.memory_space<vmem>>, vector<16xf32>,
    %get3A_413 = arith.constant 13 : i32
    %get3A_414 = arith.index_cast %get3A_413 : i32 to index
    %get3A_415 = arith.constant 16 : index
    %get3A_416 = tpu.vector_load %arg5[%get3A_414, %get3A_415] {strides = array<i32>} : memref<16x128xf32, #tpu.memory_space<vmem>>, vector<16xf32>,
    %get3A_417 = arith.constant 14 : i32
    %get3A_418 = arith.index_cast %get3A_417 : i32 to index
    %get3A_419 = arith.constant 16 : index
    %get3A_420 = tpu.vector_load %arg5[%get3A_418, %get3A_419] {strides = array<i32>} : memref<16x128xf32, #tpu.memory_space<vmem>>, vector<16xf32>,
    %get3A_421 = arith.constant 15 : i32
    %get3A_422 = arith.index_cast %get3A_421 : i32 to index
    %get3A_423 = arith.constant 16 : index
    %get3A_424 = tpu.vector_load %arg5[%get3A_422, %get3A_423] {strides = array<i32>} : memref<16x128xf32, #tpu.memory_space<vmem>>, vector<16xf32>,
    %ge3A_425 = arith.constant 0 : i32
    %ge3A_426 = vector.broadcast %ge3A_425 : i32 to vector<16xi32>
    %ge3A_427 = arith.cmpi sge, %convert_element_type3A_360, %ge3A_426 : vector<16xi32>
    %ge3A_428 = arith.constant 1 : i32
    %ge3A_429 = vector.broadcast %ge3A_428 : i32 to vector<16xi32>
    %ge3A_430 = arith.cmpi sge, %convert_element_type3A_360, %ge3A_429 : vector<16xi32>
    %ge3A_431 = arith.constant 2 : i32
    %ge3A_432 = vector.broadcast %ge3A_431 : i32 to vector<16xi32>
    %ge3A_433 = arith.cmpi sge, %convert_element_type3A_360, %ge3A_432 : vector<16xi32>
    %ge3A_434 = arith.constant 3 : i32
    %ge3A_435 = vector.broadcast %ge3A_434 : i32 to vector<16xi32>
    %ge3A_436 = arith.cmpi sge, %convert_element_type3A_360, %ge3A_435 : vector<16xi32>
    %ge3A_437 = arith.constant 4 : i32
    %ge3A_438 = vector.broadcast %ge3A_437 : i32 to vector<16xi32>
    %ge3A_439 = arith.cmpi sge, %convert_element_type3A_360, %ge3A_438 : vector<16xi32>
    %ge3A_440 = arith.constant 5 : i32
    %ge3A_441 = vector.broadcast %ge3A_440 : i32 to vector<16xi32>
    %ge3A_442 = arith.cmpi sge, %convert_element_type3A_360, %ge3A_441 : vector<16xi32>
    %ge3A_443 = arith.constant 6 : i32
    %ge3A_444 = vector.broadcast %ge3A_443 : i32 to vector<16xi32>
    %ge3A_445 = arith.cmpi sge, %convert_element_type3A_360, %ge3A_444 : vector<16xi32>
    %ge3A_446 = arith.constant 7 : i32
    %ge3A_447 = vector.broadcast %ge3A_446 : i32 to vector<16xi32>
    %ge3A_448 = arith.cmpi sge, %convert_element_type3A_360, %ge3A_447 : vector<16xi32>
    %ge3A_449 = arith.constant 8 : i32
    %ge3A_450 = vector.broadcast %ge3A_449 : i32 to vector<16xi32>
    %ge3A_451 = arith.cmpi sge, %convert_element_type3A_360, %ge3A_450 : vector<16xi32>
    %ge3A_452 = arith.constant 9 : i32
    %ge3A_453 = vector.broadcast %ge3A_452 : i32 to vector<16xi32>
    %ge3A_454 = arith.cmpi sge, %convert_element_type3A_360, %ge3A_453 : vector<16xi32>
    %ge3A_455 = arith.constant 10 : i32
    %ge3A_456 = vector.broadcast %ge3A_455 : i32 to vector<16xi32>
    %ge3A_457 = arith.cmpi sge, %convert_element_type3A_360, %ge3A_456 : vector<16xi32>
    %ge3A_458 = arith.constant 11 : i32
    %ge3A_459 = vector.broadcast %ge3A_458 : i32 to vector<16xi32>
    %ge3A_460 = arith.cmpi sge, %convert_element_type3A_360, %ge3A_459 : vector<16xi32>
    %ge3A_461 = arith.constant 12 : i32
    %ge3A_462 = vector.broadcast %ge3A_461 : i32 to vector<16xi32>
    %ge3A_463 = arith.cmpi sge, %convert_element_type3A_360, %ge3A_462 : vector<16xi32>
    %ge3A_464 = arith.constant 13 : i32
    %ge3A_465 = vector.broadcast %ge3A_464 : i32 to vector<16xi32>
    %ge3A_466 = arith.cmpi sge, %convert_element_type3A_360, %ge3A_465 : vector<16xi32>
    %ge3A_467 = arith.constant 14 : i32
    %ge3A_468 = vector.broadcast %ge3A_467 : i32 to vector<16xi32>
    %ge3A_469 = arith.cmpi sge, %convert_element_type3A_360, %ge3A_468 : vector<16xi32>
    %ge3A_470 = arith.constant 15 : i32
    %ge3A_471 = vector.broadcast %ge3A_470 : i32 to vector<16xi32>
    %ge3A_472 = arith.cmpi sge, %convert_element_type3A_360, %ge3A_471 : vector<16xi32>
    %broadcast_in_dim3A_473 = arith.constant 0.000000e+00 : f32
    %broadcast_in_dim3A_474 = vector.broadcast %broadcast_in_dim3A_473 : f32 to vector<16xf32>
    %jit3A_475 = arith.constant 0xFF800000 : f32
    %broadcast_in_dim3A_476 = vector.broadcast %jit3A_475 : f32 to vector<16xf32>
    %select_n3A_477 = arith.select %ge3A_427, %get3A_364, %broadcast_in_dim3A_476 : vector<16xi1>, vector<16xf32>
    %max3A_478 = arith.maximumf %broadcast_in_dim3A_474, %select_n3A_477 : vector<16xf32>
    %jit3A_479 = arith.constant 0xFF800000 : f32
    %broadcast_in_dim3A_480 = vector.broadcast %jit3A_479 : f32 to vector<16xf32>
    %select_n3A_481 = arith.select %ge3A_430, %get3A_368, %broadcast_in_dim3A_480 : vector<16xi1>, vector<16xf32>
    %max3A_482 = arith.maximumf %max3A_478, %select_n3A_481 : vector<16xf32>
    %jit3A_483 = arith.constant 0xFF800000 : f32
    %broadcast_in_dim3A_484 = vector.broadcast %jit3A_483 : f32 to vector<16xf32>
    %select_n3A_485 = arith.select %ge3A_433, %get3A_372, %broadcast_in_dim3A_484 : vector<16xi1>, vector<16xf32>
    %max3A_486 = arith.maximumf %max3A_482, %select_n3A_485 : vector<16xf32>
    %jit3A_487 = arith.constant 0xFF800000 : f32
    %broadcast_in_dim3A_488 = vector.broadcast %jit3A_487 : f32 to vector<16xf32>
    %select_n3A_489 = arith.select %ge3A_436, %get3A_376, %broadcast_in_dim3A_488 : vector<16xi1>, vector<16xf32>
    %max3A_490 = arith.maximumf %max3A_486, %select_n3A_489 : vector<16xf32>
    %jit3A_491 = arith.constant 0xFF800000 : f32
    %broadcast_in_dim3A_492 = vector.broadcast %jit3A_491 : f32 to vector<16xf32>
    %select_n3A_493 = arith.select %ge3A_439, %get3A_380, %broadcast_in_dim3A_492 : vector<16xi1>, vector<16xf32>
    %max3A_494 = arith.maximumf %max3A_490, %select_n3A_493 : vector<16xf32>
    %jit3A_495 = arith.constant 0xFF800000 : f32
    %broadcast_in_dim3A_496 = vector.broadcast %jit3A_495 : f32 to vector<16xf32>
    %select_n3A_497 = arith.select %ge3A_442, %get3A_384, %broadcast_in_dim3A_496 : vector<16xi1>, vector<16xf32>
    %max3A_498 = arith.maximumf %max3A_494, %select_n3A_497 : vector<16xf32>
    %jit3A_499 = arith.constant 0xFF800000 : f32
    %broadcast_in_dim3A_500 = vector.broadcast %jit3A_499 : f32 to vector<16xf32>
    %select_n3A_501 = arith.select %ge3A_445, %get3A_388, %broadcast_in_dim3A_500 : vector<16xi1>, vector<16xf32>
    %max3A_502 = arith.maximumf %max3A_498, %select_n3A_501 : vector<16xf32>
    %jit3A_503 = arith.constant 0xFF800000 : f32
    %broadcast_in_dim3A_504 = vector.broadcast %jit3A_503 : f32 to vector<16xf32>
    %select_n3A_505 = arith.select %ge3A_448, %get3A_392, %broadcast_in_dim3A_504 : vector<16xi1>, vector<16xf32>
    %max3A_506 = arith.maximumf %max3A_502, %select_n3A_505 : vector<16xf32>
    %jit3A_507 = arith.constant 0xFF800000 : f32
    %broadcast_in_dim3A_508 = vector.broadcast %jit3A_507 : f32 to vector<16xf32>
    %select_n3A_509 = arith.select %ge3A_451, %get3A_396, %broadcast_in_dim3A_508 : vector<16xi1>, vector<16xf32>
    %max3A_510 = arith.maximumf %max3A_506, %select_n3A_509 : vector<16xf32>
    %jit3A_511 = arith.constant 0xFF800000 : f32
    %broadcast_in_dim3A_512 = vector.broadcast %jit3A_511 : f32 to vector<16xf32>
    %select_n3A_513 = arith.select %ge3A_454, %get3A_400, %broadcast_in_dim3A_512 : vector<16xi1>, vector<16xf32>
    %max3A_514 = arith.maximumf %max3A_510, %select_n3A_513 : vector<16xf32>
    %jit3A_515 = arith.constant 0xFF800000 : f32
    %broadcast_in_dim3A_516 = vector.broadcast %jit3A_515 : f32 to vector<16xf32>
    %select_n3A_517 = arith.select %ge3A_457, %get3A_404, %broadcast_in_dim3A_516 : vector<16xi1>, vector<16xf32>
    %max3A_518 = arith.maximumf %max3A_514, %select_n3A_517 : vector<16xf32>
    %jit3A_519 = arith.constant 0xFF800000 : f32
    %broadcast_in_dim3A_520 = vector.broadcast %jit3A_519 : f32 to vector<16xf32>
    %select_n3A_521 = arith.select %ge3A_460, %get3A_408, %broadcast_in_dim3A_520 : vector<16xi1>, vector<16xf32>
    %max3A_522 = arith.maximumf %max3A_518, %select_n3A_521 : vector<16xf32>
    %jit3A_523 = arith.constant 0xFF800000 : f32
    %broadcast_in_dim3A_524 = vector.broadcast %jit3A_523 : f32 to vector<16xf32>
    %select_n3A_525 = arith.select %ge3A_463, %get3A_412, %broadcast_in_dim3A_524 : vector<16xi1>, vector<16xf32>
    %max3A_526 = arith.maximumf %max3A_522, %select_n3A_525 : vector<16xf32>
    %jit3A_527 = arith.constant 0xFF800000 : f32
    %broadcast_in_dim3A_528 = vector.broadcast %jit3A_527 : f32 to vector<16xf32>
    %select_n3A_529 = arith.select %ge3A_466, %get3A_416, %broadcast_in_dim3A_528 : vector<16xi1>, vector<16xf32>
    %max3A_530 = arith.maximumf %max3A_526, %select_n3A_529 : vector<16xf32>
    %jit3A_531 = arith.constant 0xFF800000 : f32
    %broadcast_in_dim3A_532 = vector.broadcast %jit3A_531 : f32 to vector<16xf32>
    %select_n3A_533 = arith.select %ge3A_469, %get3A_420, %broadcast_in_dim3A_532 : vector<16xi1>, vector<16xf32>
    %max3A_534 = arith.maximumf %max3A_530, %select_n3A_533 : vector<16xf32>
    %jit3A_535 = arith.constant 0xFF800000 : f32
    %broadcast_in_dim3A_536 = vector.broadcast %jit3A_535 : f32 to vector<16xf32>
    %select_n3A_537 = arith.select %ge3A_472, %get3A_424, %broadcast_in_dim3A_536 : vector<16xi1>, vector<16xf32>
    %max3A_538 = arith.maximumf %max3A_534, %select_n3A_537 : vector<16xf32>
    %sub3A_539 = arith.subf %get3A_364, %max3A_538 : vector<16xf32>
    %exp3A_540 = math.exp %sub3A_539 : vector<16xf32>
    %jit3A_541 = arith.constant 0.000000e+00 : f32
    %broadcast_in_dim3A_542 = vector.broadcast %jit3A_541 : f32 to vector<16xf32>
    %select_n3A_543 = arith.select %ge3A_427, %exp3A_540, %broadcast_in_dim3A_542 : vector<16xi1>, vector<16xf32>
    %sub3A_544 = arith.subf %get3A_368, %max3A_538 : vector<16xf32>
    %exp3A_545 = math.exp %sub3A_544 : vector<16xf32>
    %jit3A_546 = arith.constant 0.000000e+00 : f32
    %broadcast_in_dim3A_547 = vector.broadcast %jit3A_546 : f32 to vector<16xf32>
    %select_n3A_548 = arith.select %ge3A_430, %exp3A_545, %broadcast_in_dim3A_547 : vector<16xi1>, vector<16xf32>
    %sub3A_549 = arith.subf %get3A_372, %max3A_538 : vector<16xf32>
    %exp3A_550 = math.exp %sub3A_549 : vector<16xf32>
    %jit3A_551 = arith.constant 0.000000e+00 : f32
    %broadcast_in_dim3A_552 = vector.broadcast %jit3A_551 : f32 to vector<16xf32>
    %select_n3A_553 = arith.select %ge3A_433, %exp3A_550, %broadcast_in_dim3A_552 : vector<16xi1>, vector<16xf32>
    %sub3A_554 = arith.subf %get3A_376, %max3A_538 : vector<16xf32>
    %exp3A_555 = math.exp %sub3A_554 : vector<16xf32>
    %jit3A_556 = arith.constant 0.000000e+00 : f32
    %broadcast_in_dim3A_557 = vector.broadcast %jit3A_556 : f32 to vector<16xf32>
    %select_n3A_558 = arith.select %ge3A_436, %exp3A_555, %broadcast_in_dim3A_557 : vector<16xi1>, vector<16xf32>
    %sub3A_559 = arith.subf %get3A_380, %max3A_538 : vector<16xf32>
    %exp3A_560 = math.exp %sub3A_559 : vector<16xf32>
    %jit3A_561 = arith.constant 0.000000e+00 : f32
    %broadcast_in_dim3A_562 = vector.broadcast %jit3A_561 : f32 to vector<16xf32>
    %select_n3A_563 = arith.select %ge3A_439, %exp3A_560, %broadcast_in_dim3A_562 : vector<16xi1>, vector<16xf32>
    %sub3A_564 = arith.subf %get3A_384, %max3A_538 : vector<16xf32>
    %exp3A_565 = math.exp %sub3A_564 : vector<16xf32>
    %jit3A_566 = arith.constant 0.000000e+00 : f32
    %broadcast_in_dim3A_567 = vector.broadcast %jit3A_566 : f32 to vector<16xf32>
    %select_n3A_568 = arith.select %ge3A_442, %exp3A_565, %broadcast_in_dim3A_567 : vector<16xi1>, vector<16xf32>
    %sub3A_569 = arith.subf %get3A_388, %max3A_538 : vector<16xf32>
    %exp3A_570 = math.exp %sub3A_569 : vector<16xf32>
    %jit3A_571 = arith.constant 0.000000e+00 : f32
    %broadcast_in_dim3A_572 = vector.broadcast %jit3A_571 : f32 to vector<16xf32>
    %select_n3A_573 = arith.select %ge3A_445, %exp3A_570, %broadcast_in_dim3A_572 : vector<16xi1>, vector<16xf32>
    %sub3A_574 = arith.subf %get3A_392, %max3A_538 : vector<16xf32>
    %exp3A_575 = math.exp %sub3A_574 : vector<16xf32>
    %jit3A_576 = arith.constant 0.000000e+00 : f32
    %broadcast_in_dim3A_577 = vector.broadcast %jit3A_576 : f32 to vector<16xf32>
    %select_n3A_578 = arith.select %ge3A_448, %exp3A_575, %broadcast_in_dim3A_577 : vector<16xi1>, vector<16xf32>
    %sub3A_579 = arith.subf %get3A_396, %max3A_538 : vector<16xf32>
    %exp3A_580 = math.exp %sub3A_579 : vector<16xf32>
    %jit3A_581 = arith.constant 0.000000e+00 : f32
    %broadcast_in_dim3A_582 = vector.broadcast %jit3A_581 : f32 to vector<16xf32>
    %select_n3A_583 = arith.select %ge3A_451, %exp3A_580, %broadcast_in_dim3A_582 : vector<16xi1>, vector<16xf32>
    %sub3A_584 = arith.subf %get3A_400, %max3A_538 : vector<16xf32>
    %exp3A_585 = math.exp %sub3A_584 : vector<16xf32>
    %jit3A_586 = arith.constant 0.000000e+00 : f32
    %broadcast_in_dim3A_587 = vector.broadcast %jit3A_586 : f32 to vector<16xf32>
    %select_n3A_588 = arith.select %ge3A_454, %exp3A_585, %broadcast_in_dim3A_587 : vector<16xi1>, vector<16xf32>
    %sub3A_589 = arith.subf %get3A_404, %max3A_538 : vector<16xf32>
    %exp3A_590 = math.exp %sub3A_589 : vector<16xf32>
    %jit3A_591 = arith.constant 0.000000e+00 : f32
    %broadcast_in_dim3A_592 = vector.broadcast %jit3A_591 : f32 to vector<16xf32>
    %select_n3A_593 = arith.select %ge3A_457, %exp3A_590, %broadcast_in_dim3A_592 : vector<16xi1>, vector<16xf32>
    %sub3A_594 = arith.subf %get3A_408, %max3A_538 : vector<16xf32>
    %exp3A_595 = math.exp %sub3A_594 : vector<16xf32>
    %jit3A_596 = arith.constant 0.000000e+00 : f32
    %broadcast_in_dim3A_597 = vector.broadcast %jit3A_596 : f32 to vector<16xf32>
    %select_n3A_598 = arith.select %ge3A_460, %exp3A_595, %broadcast_in_dim3A_597 : vector<16xi1>, vector<16xf32>
    %sub3A_599 = arith.subf %get3A_412, %max3A_538 : vector<16xf32>
    %exp3A_600 = math.exp %sub3A_599 : vector<16xf32>
    %jit3A_601 = arith.constant 0.000000e+00 : f32
    %broadcast_in_dim3A_602 = vector.broadcast %jit3A_601 : f32 to vector<16xf32>
    %select_n3A_603 = arith.select %ge3A_463, %exp3A_600, %broadcast_in_dim3A_602 : vector<16xi1>, vector<16xf32>
    %sub3A_604 = arith.subf %get3A_416, %max3A_538 : vector<16xf32>
    %exp3A_605 = math.exp %sub3A_604 : vector<16xf32>
    %jit3A_606 = arith.constant 0.000000e+00 : f32
    %broadcast_in_dim3A_607 = vector.broadcast %jit3A_606 : f32 to vector<16xf32>
    %select_n3A_608 = arith.select %ge3A_466, %exp3A_605, %broadcast_in_dim3A_607 : vector<16xi1>, vector<16xf32>
    %sub3A_609 = arith.subf %get3A_420, %max3A_538 : vector<16xf32>
    %exp3A_610 = math.exp %sub3A_609 : vector<16xf32>
    %jit3A_611 = arith.constant 0.000000e+00 : f32
    %broadcast_in_dim3A_612 = vector.broadcast %jit3A_611 : f32 to vector<16xf32>
    %select_n3A_613 = arith.select %ge3A_469, %exp3A_610, %broadcast_in_dim3A_612 : vector<16xi1>, vector<16xf32>
    %sub3A_614 = arith.subf %get3A_424, %max3A_538 : vector<16xf32>
    %exp3A_615 = math.exp %sub3A_614 : vector<16xf32>
    %jit3A_616 = arith.constant 0.000000e+00 : f32
    %broadcast_in_dim3A_617 = vector.broadcast %jit3A_616 : f32 to vector<16xf32>
    %select_n3A_618 = arith.select %ge3A_472, %exp3A_615, %broadcast_in_dim3A_617 : vector<16xi1>, vector<16xf32>
    %broadcast_in_dim3A_619 = arith.constant 0.000000e+00 : f32
    %broadcast_in_dim3A_620 = vector.broadcast %broadcast_in_dim3A_619 : f32 to vector<16xf32>
    %sub3A_621 = arith.subf %broadcast_in_dim3A_620, %max3A_538 : vector<16xf32>
    %exp3A_622 = math.exp %sub3A_621 : vector<16xf32>
    %sub3A_623 = arith.constant 3.000000e+01 : f32
    %sub3A_624 = vector.broadcast %sub3A_623 : f32 to vector<16xf32>
    %sub3A_625 = arith.subf %sub3A_624, %max3A_359 : vector<16xf32>
    %mul3A_626 = arith.mulf %sub3A_625, %exp3A_622 : vector<16xf32>
    %add3A_627 = arith.addf %mul3A_626, %select_n3A_543 : vector<16xf32>
    %add3A_628 = arith.addf %add3A_627, %select_n3A_548 : vector<16xf32>
    %add3A_629 = arith.addf %add3A_628, %select_n3A_553 : vector<16xf32>
    %add3A_630 = arith.addf %add3A_629, %select_n3A_558 : vector<16xf32>
    %add3A_631 = arith.addf %add3A_630, %select_n3A_563 : vector<16xf32>
    %add3A_632 = arith.addf %add3A_631, %select_n3A_568 : vector<16xf32>
    %add3A_633 = arith.addf %add3A_632, %select_n3A_573 : vector<16xf32>
    %add3A_634 = arith.addf %add3A_633, %select_n3A_578 : vector<16xf32>
    %add3A_635 = arith.addf %add3A_634, %select_n3A_583 : vector<16xf32>
    %add3A_636 = arith.addf %add3A_635, %select_n3A_588 : vector<16xf32>
    %add3A_637 = arith.addf %add3A_636, %select_n3A_593 : vector<16xf32>
    %add3A_638 = arith.addf %add3A_637, %select_n3A_598 : vector<16xf32>
    %add3A_639 = arith.addf %add3A_638, %select_n3A_603 : vector<16xf32>
    %add3A_640 = arith.addf %add3A_639, %select_n3A_608 : vector<16xf32>
    %add3A_641 = arith.addf %add3A_640, %select_n3A_613 : vector<16xf32>
    %add3A_642 = arith.addf %add3A_641, %select_n3A_618 : vector<16xf32>
    %div3A_643 = arith.divf %exp3A_622, %add3A_642 : vector<16xf32>
    %mul3A_644 = arith.mulf %sub3A_625, %div3A_643 : vector<16xf32>
    %div3A_645 = arith.divf %select_n3A_543, %add3A_642 : vector<16xf32>
    %add3A_646 = arith.addf %mul3A_644, %div3A_645 : vector<16xf32>
    %div3A_647 = arith.divf %select_n3A_548, %add3A_642 : vector<16xf32>
    %add3A_648 = arith.addf %add3A_646, %div3A_647 : vector<16xf32>
    %div3A_649 = arith.divf %select_n3A_553, %add3A_642 : vector<16xf32>
    %add3A_650 = arith.addf %add3A_648, %div3A_649 : vector<16xf32>
    %div3A_651 = arith.divf %select_n3A_558, %add3A_642 : vector<16xf32>
    %add3A_652 = arith.addf %add3A_650, %div3A_651 : vector<16xf32>
    %div3A_653 = arith.divf %select_n3A_563, %add3A_642 : vector<16xf32>
    %add3A_654 = arith.addf %add3A_652, %div3A_653 : vector<16xf32>
    %div3A_655 = arith.divf %select_n3A_568, %add3A_642 : vector<16xf32>
    %add3A_656 = arith.addf %add3A_654, %div3A_655 : vector<16xf32>
    %div3A_657 = arith.divf %select_n3A_573, %add3A_642 : vector<16xf32>
    %add3A_658 = arith.addf %add3A_656, %div3A_657 : vector<16xf32>
    %div3A_659 = arith.divf %select_n3A_578, %add3A_642 : vector<16xf32>
    %add3A_660 = arith.addf %add3A_658, %div3A_659 : vector<16xf32>
    %div3A_661 = arith.divf %select_n3A_583, %add3A_642 : vector<16xf32>
    %add3A_662 = arith.addf %add3A_660, %div3A_661 : vector<16xf32>
    %div3A_663 = arith.divf %select_n3A_588, %add3A_642 : vector<16xf32>
    %add3A_664 = arith.addf %add3A_662, %div3A_663 : vector<16xf32>
    %div3A_665 = arith.divf %select_n3A_593, %add3A_642 : vector<16xf32>
    %add3A_666 = arith.addf %add3A_664, %div3A_665 : vector<16xf32>
    %div3A_667 = arith.divf %select_n3A_598, %add3A_642 : vector<16xf32>
    %add3A_668 = arith.addf %add3A_666, %div3A_667 : vector<16xf32>
    %div3A_669 = arith.divf %select_n3A_603, %add3A_642 : vector<16xf32>
    %add3A_670 = arith.addf %add3A_668, %div3A_669 : vector<16xf32>
    %div3A_671 = arith.divf %select_n3A_608, %add3A_642 : vector<16xf32>
    %add3A_672 = arith.addf %add3A_670, %div3A_671 : vector<16xf32>
    %div3A_673 = arith.divf %select_n3A_613, %add3A_642 : vector<16xf32>
    %add3A_674 = arith.addf %add3A_672, %div3A_673 : vector<16xf32>
    %div3A_675 = arith.divf %select_n3A_618, %add3A_642 : vector<16xf32>
    %add3A_676 = arith.addf %add3A_674, %div3A_675 : vector<16xf32>
    %swap3A_677 = arith.constant 16 : index
    %swap3A_678 = tpu.vector_load %arg7[%swap3A_677] {strides = array<i32>} : memref<128xf32, #tpu.memory_space<vmem>>, vector<16xf32>,
    tpu.vector_store %arg7[%swap3A_677], %add3A_676 {strides = array<i32>} : memref<128xf32, #tpu.memory_space<vmem>>, vector<16xf32>,
    %add3A_679 = arith.constant 64 : i32
    %add3A_680 = vector.broadcast %add3A_679 : i32 to vector<16xi32>
    %add3A_681 = arith.addi %mul3A_29, %add3A_680 : vector<16xi32>
    %gather3A_682 = tpu.vector_load_idx %arg6[%add3A_681] : memref<256xf32, #tpu.memory_space<vmem>>[vector<16xi32>], vector<16xf32>,
    %add3A_683 = arith.constant 65 : i32
    %add3A_684 = vector.broadcast %add3A_683 : i32 to vector<16xi32>
    %add3A_685 = arith.addi %mul3A_29, %add3A_684 : vector<16xi32>
    %gather3A_686 = tpu.vector_load_idx %arg6[%add3A_685] : memref<256xf32, #tpu.memory_space<vmem>>[vector<16xi32>], vector<16xf32>,
    %neg3A_687 = arith.constant 0.000000e+00 : f32
    %neg3A_688 = vector.broadcast %neg3A_687 : f32 to vector<16xf32>
    %neg3A_689 = arith.subf %neg3A_688, %gather3A_686 : vector<16xf32>
    %max3A_690 = arith.maximumf %gather3A_682, %neg3A_689 : vector<16xf32>
    %convert_element_type3A_691 = arith.fptosi %max3A_690 : vector<16xf32> to vector<16xi32>
    %get3A_692 = arith.constant 0 : i32
    %get3A_693 = arith.index_cast %get3A_692 : i32 to index
    %get3A_694 = arith.constant 32 : index
    %get3A_695 = tpu.vector_load %arg5[%get3A_693, %get3A_694] {strides = array<i32>} : memref<16x128xf32, #tpu.memory_space<vmem>>, vector<16xf32>,
    %get3A_696 = arith.constant 1 : i32
    %get3A_697 = arith.index_cast %get3A_696 : i32 to index
    %get3A_698 = arith.constant 32 : index
    %get3A_699 = tpu.vector_load %arg5[%get3A_697, %get3A_698] {strides = array<i32>} : memref<16x128xf32, #tpu.memory_space<vmem>>, vector<16xf32>,
    %get3A_700 = arith.constant 2 : i32
    %get3A_701 = arith.index_cast %get3A_700 : i32 to index
    %get3A_702 = arith.constant 32 : index
    %get3A_703 = tpu.vector_load %arg5[%get3A_701, %get3A_702] {strides = array<i32>} : memref<16x128xf32, #tpu.memory_space<vmem>>, vector<16xf32>,
    %get3A_704 = arith.constant 3 : i32
    %get3A_705 = arith.index_cast %get3A_704 : i32 to index
    %get3A_706 = arith.constant 32 : index
    %get3A_707 = tpu.vector_load %arg5[%get3A_705, %get3A_706] {strides = array<i32>} : memref<16x128xf32, #tpu.memory_space<vmem>>, vector<16xf32>,
    %get3A_708 = arith.constant 4 : i32
    %get3A_709 = arith.index_cast %get3A_708 : i32 to index
    %get3A_710 = arith.constant 32 : index
    %get3A_711 = tpu.vector_load %arg5[%get3A_709, %get3A_710] {strides = array<i32>} : memref<16x128xf32, #tpu.memory_space<vmem>>, vector<16xf32>,
    %get3A_712 = arith.constant 5 : i32
    %get3A_713 = arith.index_cast %get3A_712 : i32 to index
    %get3A_714 = arith.constant 32 : index
    %get3A_715 = tpu.vector_load %arg5[%get3A_713, %get3A_714] {strides = array<i32>} : memref<16x128xf32, #tpu.memory_space<vmem>>, vector<16xf32>,
    %get3A_716 = arith.constant 6 : i32
    %get3A_717 = arith.index_cast %get3A_716 : i32 to index
    %get3A_718 = arith.constant 32 : index
    %get3A_719 = tpu.vector_load %arg5[%get3A_717, %get3A_718] {strides = array<i32>} : memref<16x128xf32, #tpu.memory_space<vmem>>, vector<16xf32>,
    %get3A_720 = arith.constant 7 : i32
    %get3A_721 = arith.index_cast %get3A_720 : i32 to index
    %get3A_722 = arith.constant 32 : index
    %get3A_723 = tpu.vector_load %arg5[%get3A_721, %get3A_722] {strides = array<i32>} : memref<16x128xf32, #tpu.memory_space<vmem>>, vector<16xf32>,
    %get3A_724 = arith.constant 8 : i32
    %get3A_725 = arith.index_cast %get3A_724 : i32 to index
    %get3A_726 = arith.constant 32 : index
    %get3A_727 = tpu.vector_load %arg5[%get3A_725, %get3A_726] {strides = array<i32>} : memref<16x128xf32, #tpu.memory_space<vmem>>, vector<16xf32>,
    %get3A_728 = arith.constant 9 : i32
    %get3A_729 = arith.index_cast %get3A_728 : i32 to index
    %get3A_730 = arith.constant 32 : index
    %get3A_731 = tpu.vector_load %arg5[%get3A_729, %get3A_730] {strides = array<i32>} : memref<16x128xf32, #tpu.memory_space<vmem>>, vector<16xf32>,
    %get3A_732 = arith.constant 10 : i32
    %get3A_733 = arith.index_cast %get3A_732 : i32 to index
    %get3A_734 = arith.constant 32 : index
    %get3A_735 = tpu.vector_load %arg5[%get3A_733, %get3A_734] {strides = array<i32>} : memref<16x128xf32, #tpu.memory_space<vmem>>, vector<16xf32>,
    %get3A_736 = arith.constant 11 : i32
    %get3A_737 = arith.index_cast %get3A_736 : i32 to index
    %get3A_738 = arith.constant 32 : index
    %get3A_739 = tpu.vector_load %arg5[%get3A_737, %get3A_738] {strides = array<i32>} : memref<16x128xf32, #tpu.memory_space<vmem>>, vector<16xf32>,
    %get3A_740 = arith.constant 12 : i32
    %get3A_741 = arith.index_cast %get3A_740 : i32 to index
    %get3A_742 = arith.constant 32 : index
    %get3A_743 = tpu.vector_load %arg5[%get3A_741, %get3A_742] {strides = array<i32>} : memref<16x128xf32, #tpu.memory_space<vmem>>, vector<16xf32>,
    %get3A_744 = arith.constant 13 : i32
    %get3A_745 = arith.index_cast %get3A_744 : i32 to index
    %get3A_746 = arith.constant 32 : index
    %get3A_747 = tpu.vector_load %arg5[%get3A_745, %get3A_746] {strides = array<i32>} : memref<16x128xf32, #tpu.memory_space<vmem>>, vector<16xf32>,
    %get3A_748 = arith.constant 14 : i32
    %get3A_749 = arith.index_cast %get3A_748 : i32 to index
    %get3A_750 = arith.constant 32 : index
    %get3A_751 = tpu.vector_load %arg5[%get3A_749, %get3A_750] {strides = array<i32>} : memref<16x128xf32, #tpu.memory_space<vmem>>, vector<16xf32>,
    %get3A_752 = arith.constant 15 : i32
    %get3A_753 = arith.index_cast %get3A_752 : i32 to index
    %get3A_754 = arith.constant 32 : index
    %get3A_755 = tpu.vector_load %arg5[%get3A_753, %get3A_754] {strides = array<i32>} : memref<16x128xf32, #tpu.memory_space<vmem>>, vector<16xf32>,
    %ge3A_756 = arith.constant 0 : i32
    %ge3A_757 = vector.broadcast %ge3A_756 : i32 to vector<16xi32>
    %ge3A_758 = arith.cmpi sge, %convert_element_type3A_691, %ge3A_757 : vector<16xi32>
    %ge3A_759 = arith.constant 1 : i32
    %ge3A_760 = vector.broadcast %ge3A_759 : i32 to vector<16xi32>
    %ge3A_761 = arith.cmpi sge, %convert_element_type3A_691, %ge3A_760 : vector<16xi32>
    %ge3A_762 = arith.constant 2 : i32
    %ge3A_763 = vector.broadcast %ge3A_762 : i32 to vector<16xi32>
    %ge3A_764 = arith.cmpi sge, %convert_element_type3A_691, %ge3A_763 : vector<16xi32>
    %ge3A_765 = arith.constant 3 : i32
    %ge3A_766 = vector.broadcast %ge3A_765 : i32 to vector<16xi32>
    %ge3A_767 = arith.cmpi sge, %convert_element_type3A_691, %ge3A_766 : vector<16xi32>
    %ge3A_768 = arith.constant 4 : i32
    %ge3A_769 = vector.broadcast %ge3A_768 : i32 to vector<16xi32>
    %ge3A_770 = arith.cmpi sge, %convert_element_type3A_691, %ge3A_769 : vector<16xi32>
    %ge3A_771 = arith.constant 5 : i32
    %ge3A_772 = vector.broadcast %ge3A_771 : i32 to vector<16xi32>
    %ge3A_773 = arith.cmpi sge, %convert_element_type3A_691, %ge3A_772 : vector<16xi32>
    %ge3A_774 = arith.constant 6 : i32
    %ge3A_775 = vector.broadcast %ge3A_774 : i32 to vector<16xi32>
    %ge3A_776 = arith.cmpi sge, %convert_element_type3A_691, %ge3A_775 : vector<16xi32>
    %ge3A_777 = arith.constant 7 : i32
    %ge3A_778 = vector.broadcast %ge3A_777 : i32 to vector<16xi32>
    %ge3A_779 = arith.cmpi sge, %convert_element_type3A_691, %ge3A_778 : vector<16xi32>
    %ge3A_780 = arith.constant 8 : i32
    %ge3A_781 = vector.broadcast %ge3A_780 : i32 to vector<16xi32>
    %ge3A_782 = arith.cmpi sge, %convert_element_type3A_691, %ge3A_781 : vector<16xi32>
    %ge3A_783 = arith.constant 9 : i32
    %ge3A_784 = vector.broadcast %ge3A_783 : i32 to vector<16xi32>
    %ge3A_785 = arith.cmpi sge, %convert_element_type3A_691, %ge3A_784 : vector<16xi32>
    %ge3A_786 = arith.constant 10 : i32
    %ge3A_787 = vector.broadcast %ge3A_786 : i32 to vector<16xi32>
    %ge3A_788 = arith.cmpi sge, %convert_element_type3A_691, %ge3A_787 : vector<16xi32>
    %ge3A_789 = arith.constant 11 : i32
    %ge3A_790 = vector.broadcast %ge3A_789 : i32 to vector<16xi32>
    %ge3A_791 = arith.cmpi sge, %convert_element_type3A_691, %ge3A_790 : vector<16xi32>
    %ge3A_792 = arith.constant 12 : i32
    %ge3A_793 = vector.broadcast %ge3A_792 : i32 to vector<16xi32>
    %ge3A_794 = arith.cmpi sge, %convert_element_type3A_691, %ge3A_793 : vector<16xi32>
    %ge3A_795 = arith.constant 13 : i32
    %ge3A_796 = vector.broadcast %ge3A_795 : i32 to vector<16xi32>
    %ge3A_797 = arith.cmpi sge, %convert_element_type3A_691, %ge3A_796 : vector<16xi32>
    %ge3A_798 = arith.constant 14 : i32
    %ge3A_799 = vector.broadcast %ge3A_798 : i32 to vector<16xi32>
    %ge3A_800 = arith.cmpi sge, %convert_element_type3A_691, %ge3A_799 : vector<16xi32>
    %ge3A_801 = arith.constant 15 : i32
    %ge3A_802 = vector.broadcast %ge3A_801 : i32 to vector<16xi32>
    %ge3A_803 = arith.cmpi sge, %convert_element_type3A_691, %ge3A_802 : vector<16xi32>
    %broadcast_in_dim3A_804 = arith.constant 0.000000e+00 : f32
    %broadcast_in_dim3A_805 = vector.broadcast %broadcast_in_dim3A_804 : f32 to vector<16xf32>
    %jit3A_806 = arith.constant 0xFF800000 : f32
    %broadcast_in_dim3A_807 = vector.broadcast %jit3A_806 : f32 to vector<16xf32>
    %select_n3A_808 = arith.select %ge3A_758, %get3A_695, %broadcast_in_dim3A_807 : vector<16xi1>, vector<16xf32>
    %max3A_809 = arith.maximumf %broadcast_in_dim3A_805, %select_n3A_808 : vector<16xf32>
    %jit3A_810 = arith.constant 0xFF800000 : f32
    %broadcast_in_dim3A_811 = vector.broadcast %jit3A_810 : f32 to vector<16xf32>
    %select_n3A_812 = arith.select %ge3A_761, %get3A_699, %broadcast_in_dim3A_811 : vector<16xi1>, vector<16xf32>
    %max3A_813 = arith.maximumf %max3A_809, %select_n3A_812 : vector<16xf32>
    %jit3A_814 = arith.constant 0xFF800000 : f32
    %broadcast_in_dim3A_815 = vector.broadcast %jit3A_814 : f32 to vector<16xf32>
    %select_n3A_816 = arith.select %ge3A_764, %get3A_703, %broadcast_in_dim3A_815 : vector<16xi1>, vector<16xf32>
    %max3A_817 = arith.maximumf %max3A_813, %select_n3A_816 : vector<16xf32>
    %jit3A_818 = arith.constant 0xFF800000 : f32
    %broadcast_in_dim3A_819 = vector.broadcast %jit3A_818 : f32 to vector<16xf32>
    %select_n3A_820 = arith.select %ge3A_767, %get3A_707, %broadcast_in_dim3A_819 : vector<16xi1>, vector<16xf32>
    %max3A_821 = arith.maximumf %max3A_817, %select_n3A_820 : vector<16xf32>
    %jit3A_822 = arith.constant 0xFF800000 : f32
    %broadcast_in_dim3A_823 = vector.broadcast %jit3A_822 : f32 to vector<16xf32>
    %select_n3A_824 = arith.select %ge3A_770, %get3A_711, %broadcast_in_dim3A_823 : vector<16xi1>, vector<16xf32>
    %max3A_825 = arith.maximumf %max3A_821, %select_n3A_824 : vector<16xf32>
    %jit3A_826 = arith.constant 0xFF800000 : f32
    %broadcast_in_dim3A_827 = vector.broadcast %jit3A_826 : f32 to vector<16xf32>
    %select_n3A_828 = arith.select %ge3A_773, %get3A_715, %broadcast_in_dim3A_827 : vector<16xi1>, vector<16xf32>
    %max3A_829 = arith.maximumf %max3A_825, %select_n3A_828 : vector<16xf32>
    %jit3A_830 = arith.constant 0xFF800000 : f32
    %broadcast_in_dim3A_831 = vector.broadcast %jit3A_830 : f32 to vector<16xf32>
    %select_n3A_832 = arith.select %ge3A_776, %get3A_719, %broadcast_in_dim3A_831 : vector<16xi1>, vector<16xf32>
    %max3A_833 = arith.maximumf %max3A_829, %select_n3A_832 : vector<16xf32>
    %jit3A_834 = arith.constant 0xFF800000 : f32
    %broadcast_in_dim3A_835 = vector.broadcast %jit3A_834 : f32 to vector<16xf32>
    %select_n3A_836 = arith.select %ge3A_779, %get3A_723, %broadcast_in_dim3A_835 : vector<16xi1>, vector<16xf32>
    %max3A_837 = arith.maximumf %max3A_833, %select_n3A_836 : vector<16xf32>
    %jit3A_838 = arith.constant 0xFF800000 : f32
    %broadcast_in_dim3A_839 = vector.broadcast %jit3A_838 : f32 to vector<16xf32>
    %select_n3A_840 = arith.select %ge3A_782, %get3A_727, %broadcast_in_dim3A_839 : vector<16xi1>, vector<16xf32>
    %max3A_841 = arith.maximumf %max3A_837, %select_n3A_840 : vector<16xf32>
    %jit3A_842 = arith.constant 0xFF800000 : f32
    %broadcast_in_dim3A_843 = vector.broadcast %jit3A_842 : f32 to vector<16xf32>
    %select_n3A_844 = arith.select %ge3A_785, %get3A_731, %broadcast_in_dim3A_843 : vector<16xi1>, vector<16xf32>
    %max3A_845 = arith.maximumf %max3A_841, %select_n3A_844 : vector<16xf32>
    %jit3A_846 = arith.constant 0xFF800000 : f32
    %broadcast_in_dim3A_847 = vector.broadcast %jit3A_846 : f32 to vector<16xf32>
    %select_n3A_848 = arith.select %ge3A_788, %get3A_735, %broadcast_in_dim3A_847 : vector<16xi1>, vector<16xf32>
    %max3A_849 = arith.maximumf %max3A_845, %select_n3A_848 : vector<16xf32>
    %jit3A_850 = arith.constant 0xFF800000 : f32
    %broadcast_in_dim3A_851 = vector.broadcast %jit3A_850 : f32 to vector<16xf32>
    %select_n3A_852 = arith.select %ge3A_791, %get3A_739, %broadcast_in_dim3A_851 : vector<16xi1>, vector<16xf32>
    %max3A_853 = arith.maximumf %max3A_849, %select_n3A_852 : vector<16xf32>
    %jit3A_854 = arith.constant 0xFF800000 : f32
    %broadcast_in_dim3A_855 = vector.broadcast %jit3A_854 : f32 to vector<16xf32>
    %select_n3A_856 = arith.select %ge3A_794, %get3A_743, %broadcast_in_dim3A_855 : vector<16xi1>, vector<16xf32>
    %max3A_857 = arith.maximumf %max3A_853, %select_n3A_856 : vector<16xf32>
    %jit3A_858 = arith.constant 0xFF800000 : f32
    %broadcast_in_dim3A_859 = vector.broadcast %jit3A_858 : f32 to vector<16xf32>
    %select_n3A_860 = arith.select %ge3A_797, %get3A_747, %broadcast_in_dim3A_859 : vector<16xi1>, vector<16xf32>
    %max3A_861 = arith.maximumf %max3A_857, %select_n3A_860 : vector<16xf32>
    %jit3A_862 = arith.constant 0xFF800000 : f32
    %broadcast_in_dim3A_863 = vector.broadcast %jit3A_862 : f32 to vector<16xf32>
    %select_n3A_864 = arith.select %ge3A_800, %get3A_751, %broadcast_in_dim3A_863 : vector<16xi1>, vector<16xf32>
    %max3A_865 = arith.maximumf %max3A_861, %select_n3A_864 : vector<16xf32>
    %jit3A_866 = arith.constant 0xFF800000 : f32
    %broadcast_in_dim3A_867 = vector.broadcast %jit3A_866 : f32 to vector<16xf32>
    %select_n3A_868 = arith.select %ge3A_803, %get3A_755, %broadcast_in_dim3A_867 : vector<16xi1>, vector<16xf32>
    %max3A_869 = arith.maximumf %max3A_865, %select_n3A_868 : vector<16xf32>
    %sub3A_870 = arith.subf %get3A_695, %max3A_869 : vector<16xf32>
    %exp3A_871 = math.exp %sub3A_870 : vector<16xf32>
    %jit3A_872 = arith.constant 0.000000e+00 : f32
    %broadcast_in_dim3A_873 = vector.broadcast %jit3A_872 : f32 to vector<16xf32>
    %select_n3A_874 = arith.select %ge3A_758, %exp3A_871, %broadcast_in_dim3A_873 : vector<16xi1>, vector<16xf32>
    %sub3A_875 = arith.subf %get3A_699, %max3A_869 : vector<16xf32>
    %exp3A_876 = math.exp %sub3A_875 : vector<16xf32>
    %jit3A_877 = arith.constant 0.000000e+00 : f32
    %broadcast_in_dim3A_878 = vector.broadcast %jit3A_877 : f32 to vector<16xf32>
    %select_n3A_879 = arith.select %ge3A_761, %exp3A_876, %broadcast_in_dim3A_878 : vector<16xi1>, vector<16xf32>
    %sub3A_880 = arith.subf %get3A_703, %max3A_869 : vector<16xf32>
    %exp3A_881 = math.exp %sub3A_880 : vector<16xf32>
    %jit3A_882 = arith.constant 0.000000e+00 : f32
    %broadcast_in_dim3A_883 = vector.broadcast %jit3A_882 : f32 to vector<16xf32>
    %select_n3A_884 = arith.select %ge3A_764, %exp3A_881, %broadcast_in_dim3A_883 : vector<16xi1>, vector<16xf32>
    %sub3A_885 = arith.subf %get3A_707, %max3A_869 : vector<16xf32>
    %exp3A_886 = math.exp %sub3A_885 : vector<16xf32>
    %jit3A_887 = arith.constant 0.000000e+00 : f32
    %broadcast_in_dim3A_888 = vector.broadcast %jit3A_887 : f32 to vector<16xf32>
    %select_n3A_889 = arith.select %ge3A_767, %exp3A_886, %broadcast_in_dim3A_888 : vector<16xi1>, vector<16xf32>
    %sub3A_890 = arith.subf %get3A_711, %max3A_869 : vector<16xf32>
    %exp3A_891 = math.exp %sub3A_890 : vector<16xf32>
    %jit3A_892 = arith.constant 0.000000e+00 : f32
    %broadcast_in_dim3A_893 = vector.broadcast %jit3A_892 : f32 to vector<16xf32>
    %select_n3A_894 = arith.select %ge3A_770, %exp3A_891, %broadcast_in_dim3A_893 : vector<16xi1>, vector<16xf32>
    %sub3A_895 = arith.subf %get3A_715, %max3A_869 : vector<16xf32>
    %exp3A_896 = math.exp %sub3A_895 : vector<16xf32>
    %jit3A_897 = arith.constant 0.000000e+00 : f32
    %broadcast_in_dim3A_898 = vector.broadcast %jit3A_897 : f32 to vector<16xf32>
    %select_n3A_899 = arith.select %ge3A_773, %exp3A_896, %broadcast_in_dim3A_898 : vector<16xi1>, vector<16xf32>
    %sub3A_900 = arith.subf %get3A_719, %max3A_869 : vector<16xf32>
    %exp3A_901 = math.exp %sub3A_900 : vector<16xf32>
    %jit3A_902 = arith.constant 0.000000e+00 : f32
    %broadcast_in_dim3A_903 = vector.broadcast %jit3A_902 : f32 to vector<16xf32>
    %select_n3A_904 = arith.select %ge3A_776, %exp3A_901, %broadcast_in_dim3A_903 : vector<16xi1>, vector<16xf32>
    %sub3A_905 = arith.subf %get3A_723, %max3A_869 : vector<16xf32>
    %exp3A_906 = math.exp %sub3A_905 : vector<16xf32>
    %jit3A_907 = arith.constant 0.000000e+00 : f32
    %broadcast_in_dim3A_908 = vector.broadcast %jit3A_907 : f32 to vector<16xf32>
    %select_n3A_909 = arith.select %ge3A_779, %exp3A_906, %broadcast_in_dim3A_908 : vector<16xi1>, vector<16xf32>
    %sub3A_910 = arith.subf %get3A_727, %max3A_869 : vector<16xf32>
    %exp3A_911 = math.exp %sub3A_910 : vector<16xf32>
    %jit3A_912 = arith.constant 0.000000e+00 : f32
    %broadcast_in_dim3A_913 = vector.broadcast %jit3A_912 : f32 to vector<16xf32>
    %select_n3A_914 = arith.select %ge3A_782, %exp3A_911, %broadcast_in_dim3A_913 : vector<16xi1>, vector<16xf32>
    %sub3A_915 = arith.subf %get3A_731, %max3A_869 : vector<16xf32>
    %exp3A_916 = math.exp %sub3A_915 : vector<16xf32>
    %jit3A_917 = arith.constant 0.000000e+00 : f32
    %broadcast_in_dim3A_918 = vector.broadcast %jit3A_917 : f32 to vector<16xf32>
    %select_n3A_919 = arith.select %ge3A_785, %exp3A_916, %broadcast_in_dim3A_918 : vector<16xi1>, vector<16xf32>
    %sub3A_920 = arith.subf %get3A_735, %max3A_869 : vector<16xf32>
    %exp3A_921 = math.exp %sub3A_920 : vector<16xf32>
    %jit3A_922 = arith.constant 0.000000e+00 : f32
    %broadcast_in_dim3A_923 = vector.broadcast %jit3A_922 : f32 to vector<16xf32>
    %select_n3A_924 = arith.select %ge3A_788, %exp3A_921, %broadcast_in_dim3A_923 : vector<16xi1>, vector<16xf32>
    %sub3A_925 = arith.subf %get3A_739, %max3A_869 : vector<16xf32>
    %exp3A_926 = math.exp %sub3A_925 : vector<16xf32>
    %jit3A_927 = arith.constant 0.000000e+00 : f32
    %broadcast_in_dim3A_928 = vector.broadcast %jit3A_927 : f32 to vector<16xf32>
    %select_n3A_929 = arith.select %ge3A_791, %exp3A_926, %broadcast_in_dim3A_928 : vector<16xi1>, vector<16xf32>
    %sub3A_930 = arith.subf %get3A_743, %max3A_869 : vector<16xf32>
    %exp3A_931 = math.exp %sub3A_930 : vector<16xf32>
    %jit3A_932 = arith.constant 0.000000e+00 : f32
    %broadcast_in_dim3A_933 = vector.broadcast %jit3A_932 : f32 to vector<16xf32>
    %select_n3A_934 = arith.select %ge3A_794, %exp3A_931, %broadcast_in_dim3A_933 : vector<16xi1>, vector<16xf32>
    %sub3A_935 = arith.subf %get3A_747, %max3A_869 : vector<16xf32>
    %exp3A_936 = math.exp %sub3A_935 : vector<16xf32>
    %jit3A_937 = arith.constant 0.000000e+00 : f32
    %broadcast_in_dim3A_938 = vector.broadcast %jit3A_937 : f32 to vector<16xf32>
    %select_n3A_939 = arith.select %ge3A_797, %exp3A_936, %broadcast_in_dim3A_938 : vector<16xi1>, vector<16xf32>
    %sub3A_940 = arith.subf %get3A_751, %max3A_869 : vector<16xf32>
    %exp3A_941 = math.exp %sub3A_940 : vector<16xf32>
    %jit3A_942 = arith.constant 0.000000e+00 : f32
    %broadcast_in_dim3A_943 = vector.broadcast %jit3A_942 : f32 to vector<16xf32>
    %select_n3A_944 = arith.select %ge3A_800, %exp3A_941, %broadcast_in_dim3A_943 : vector<16xi1>, vector<16xf32>
    %sub3A_945 = arith.subf %get3A_755, %max3A_869 : vector<16xf32>
    %exp3A_946 = math.exp %sub3A_945 : vector<16xf32>
    %jit3A_947 = arith.constant 0.000000e+00 : f32
    %broadcast_in_dim3A_948 = vector.broadcast %jit3A_947 : f32 to vector<16xf32>
    %select_n3A_949 = arith.select %ge3A_803, %exp3A_946, %broadcast_in_dim3A_948 : vector<16xi1>, vector<16xf32>
    %broadcast_in_dim3A_950 = arith.constant 0.000000e+00 : f32
    %broadcast_in_dim3A_951 = vector.broadcast %broadcast_in_dim3A_950 : f32 to vector<16xf32>
    %sub3A_952 = arith.subf %broadcast_in_dim3A_951, %max3A_869 : vector<16xf32>
    %exp3A_953 = math.exp %sub3A_952 : vector<16xf32>
    %sub3A_954 = arith.constant 3.000000e+01 : f32
    %sub3A_955 = vector.broadcast %sub3A_954 : f32 to vector<16xf32>
    %sub3A_956 = arith.subf %sub3A_955, %max3A_690 : vector<16xf32>
    %mul3A_957 = arith.mulf %sub3A_956, %exp3A_953 : vector<16xf32>
    %add3A_958 = arith.addf %mul3A_957, %select_n3A_874 : vector<16xf32>
    %add3A_959 = arith.addf %add3A_958, %select_n3A_879 : vector<16xf32>
    %add3A_960 = arith.addf %add3A_959, %select_n3A_884 : vector<16xf32>
    %add3A_961 = arith.addf %add3A_960, %select_n3A_889 : vector<16xf32>
    %add3A_962 = arith.addf %add3A_961, %select_n3A_894 : vector<16xf32>
    %add3A_963 = arith.addf %add3A_962, %select_n3A_899 : vector<16xf32>
    %add3A_964 = arith.addf %add3A_963, %select_n3A_904 : vector<16xf32>
    %add3A_965 = arith.addf %add3A_964, %select_n3A_909 : vector<16xf32>
    %add3A_966 = arith.addf %add3A_965, %select_n3A_914 : vector<16xf32>
    %add3A_967 = arith.addf %add3A_966, %select_n3A_919 : vector<16xf32>
    %add3A_968 = arith.addf %add3A_967, %select_n3A_924 : vector<16xf32>
    %add3A_969 = arith.addf %add3A_968, %select_n3A_929 : vector<16xf32>
    %add3A_970 = arith.addf %add3A_969, %select_n3A_934 : vector<16xf32>
    %add3A_971 = arith.addf %add3A_970, %select_n3A_939 : vector<16xf32>
    %add3A_972 = arith.addf %add3A_971, %select_n3A_944 : vector<16xf32>
    %add3A_973 = arith.addf %add3A_972, %select_n3A_949 : vector<16xf32>
    %div3A_974 = arith.divf %exp3A_953, %add3A_973 : vector<16xf32>
    %mul3A_975 = arith.mulf %sub3A_956, %div3A_974 : vector<16xf32>
    %div3A_976 = arith.divf %select_n3A_874, %add3A_973 : vector<16xf32>
    %add3A_977 = arith.addf %mul3A_975, %div3A_976 : vector<16xf32>
    %div3A_978 = arith.divf %select_n3A_879, %add3A_973 : vector<16xf32>
    %add3A_979 = arith.addf %add3A_977, %div3A_978 : vector<16xf32>
    %div3A_980 = arith.divf %select_n3A_884, %add3A_973 : vector<16xf32>
    %add3A_981 = arith.addf %add3A_979, %div3A_980 : vector<16xf32>
    %div3A_982 = arith.divf %select_n3A_889, %add3A_973 : vector<16xf32>
    %add3A_983 = arith.addf %add3A_981, %div3A_982 : vector<16xf32>
    %div3A_984 = arith.divf %select_n3A_894, %add3A_973 : vector<16xf32>
    %add3A_985 = arith.addf %add3A_983, %div3A_984 : vector<16xf32>
    %div3A_986 = arith.divf %select_n3A_899, %add3A_973 : vector<16xf32>
    %add3A_987 = arith.addf %add3A_985, %div3A_986 : vector<16xf32>
    %div3A_988 = arith.divf %select_n3A_904, %add3A_973 : vector<16xf32>
    %add3A_989 = arith.addf %add3A_987, %div3A_988 : vector<16xf32>
    %div3A_990 = arith.divf %select_n3A_909, %add3A_973 : vector<16xf32>
    %add3A_991 = arith.addf %add3A_989, %div3A_990 : vector<16xf32>
    %div3A_992 = arith.divf %select_n3A_914, %add3A_973 : vector<16xf32>
    %add3A_993 = arith.addf %add3A_991, %div3A_992 : vector<16xf32>
    %div3A_994 = arith.divf %select_n3A_919, %add3A_973 : vector<16xf32>
    %add3A_995 = arith.addf %add3A_993, %div3A_994 : vector<16xf32>
    %div3A_996 = arith.divf %select_n3A_924, %add3A_973 : vector<16xf32>
    %add3A_997 = arith.addf %add3A_995, %div3A_996 : vector<16xf32>
    %div3A_998 = arith.divf %select_n3A_929, %add3A_973 : vector<16xf32>
    %add3A_999 = arith.addf %add3A_997, %div3A_998 : vector<16xf32>
    %div3A_1000 = arith.divf %select_n3A_934, %add3A_973 : vector<16xf32>
    %add3A_1001 = arith.addf %add3A_999, %div3A_1000 : vector<16xf32>
    %div3A_1002 = arith.divf %select_n3A_939, %add3A_973 : vector<16xf32>
    %add3A_1003 = arith.addf %add3A_1001, %div3A_1002 : vector<16xf32>
    %div3A_1004 = arith.divf %select_n3A_944, %add3A_973 : vector<16xf32>
    %add3A_1005 = arith.addf %add3A_1003, %div3A_1004 : vector<16xf32>
    %div3A_1006 = arith.divf %select_n3A_949, %add3A_973 : vector<16xf32>
    %add3A_1007 = arith.addf %add3A_1005, %div3A_1006 : vector<16xf32>
    %swap3A_1008 = arith.constant 32 : index
    %swap3A_1009 = tpu.vector_load %arg7[%swap3A_1008] {strides = array<i32>} : memref<128xf32, #tpu.memory_space<vmem>>, vector<16xf32>,
    tpu.vector_store %arg7[%swap3A_1008], %add3A_1007 {strides = array<i32>} : memref<128xf32, #tpu.memory_space<vmem>>, vector<16xf32>,
    %add3A_1010 = arith.constant 96 : i32
    %add3A_1011 = vector.broadcast %add3A_1010 : i32 to vector<16xi32>
    %add3A_1012 = arith.addi %mul3A_29, %add3A_1011 : vector<16xi32>
    %gather3A_1013 = tpu.vector_load_idx %arg6[%add3A_1012] : memref<256xf32, #tpu.memory_space<vmem>>[vector<16xi32>], vector<16xf32>,
    %add3A_1014 = arith.constant 97 : i32
    %add3A_1015 = vector.broadcast %add3A_1014 : i32 to vector<16xi32>
    %add3A_1016 = arith.addi %mul3A_29, %add3A_1015 : vector<16xi32>
    %gather3A_1017 = tpu.vector_load_idx %arg6[%add3A_1016] : memref<256xf32, #tpu.memory_space<vmem>>[vector<16xi32>], vector<16xf32>,
    %neg3A_1018 = arith.constant 0.000000e+00 : f32
    %neg3A_1019 = vector.broadcast %neg3A_1018 : f32 to vector<16xf32>
    %neg3A_1020 = arith.subf %neg3A_1019, %gather3A_1017 : vector<16xf32>
    %max3A_1021 = arith.maximumf %gather3A_1013, %neg3A_1020 : vector<16xf32>
    %convert_element_type3A_1022 = arith.fptosi %max3A_1021 : vector<16xf32> to vector<16xi32>
    %get3A_1023 = arith.constant 0 : i32
    %get3A_1024 = arith.index_cast %get3A_1023 : i32 to index
    %get3A_1025 = arith.constant 48 : index
    %get3A_1026 = tpu.vector_load %arg5[%get3A_1024, %get3A_1025] {strides = array<i32>} : memref<16x128xf32, #tpu.memory_space<vmem>>, vector<16xf32>,
    %get3A_1027 = arith.constant 1 : i32
    %get3A_1028 = arith.index_cast %get3A_1027 : i32 to index
    %get3A_1029 = arith.constant 48 : index
    %get3A_1030 = tpu.vector_load %arg5[%get3A_1028, %get3A_1029] {strides = array<i32>} : memref<16x128xf32, #tpu.memory_space<vmem>>, vector<16xf32>,
    %get3A_1031 = arith.constant 2 : i32
    %get3A_1032 = arith.index_cast %get3A_1031 : i32 to index
    %get3A_1033 = arith.constant 48 : index
    %get3A_1034 = tpu.vector_load %arg5[%get3A_1032, %get3A_1033] {strides = array<i32>} : memref<16x128xf32, #tpu.memory_space<vmem>>, vector<16xf32>,
    %get3A_1035 = arith.constant 3 : i32
    %get3A_1036 = arith.index_cast %get3A_1035 : i32 to index
    %get3A_1037 = arith.constant 48 : index
    %get3A_1038 = tpu.vector_load %arg5[%get3A_1036, %get3A_1037] {strides = array<i32>} : memref<16x128xf32, #tpu.memory_space<vmem>>, vector<16xf32>,
    %get3A_1039 = arith.constant 4 : i32
    %get3A_1040 = arith.index_cast %get3A_1039 : i32 to index
    %get3A_1041 = arith.constant 48 : index
    %get3A_1042 = tpu.vector_load %arg5[%get3A_1040, %get3A_1041] {strides = array<i32>} : memref<16x128xf32, #tpu.memory_space<vmem>>, vector<16xf32>,
    %get3A_1043 = arith.constant 5 : i32
    %get3A_1044 = arith.index_cast %get3A_1043 : i32 to index
    %get3A_1045 = arith.constant 48 : index
    %get3A_1046 = tpu.vector_load %arg5[%get3A_1044, %get3A_1045] {strides = array<i32>} : memref<16x128xf32, #tpu.memory_space<vmem>>, vector<16xf32>,
    %get3A_1047 = arith.constant 6 : i32
    %get3A_1048 = arith.index_cast %get3A_1047 : i32 to index
    %get3A_1049 = arith.constant 48 : index
    %get3A_1050 = tpu.vector_load %arg5[%get3A_1048, %get3A_1049] {strides = array<i32>} : memref<16x128xf32, #tpu.memory_space<vmem>>, vector<16xf32>,
    %get3A_1051 = arith.constant 7 : i32
    %get3A_1052 = arith.index_cast %get3A_1051 : i32 to index
    %get3A_1053 = arith.constant 48 : index
    %get3A_1054 = tpu.vector_load %arg5[%get3A_1052, %get3A_1053] {strides = array<i32>} : memref<16x128xf32, #tpu.memory_space<vmem>>, vector<16xf32>,
    %get3A_1055 = arith.constant 8 : i32
    %get3A_1056 = arith.index_cast %get3A_1055 : i32 to index
    %get3A_1057 = arith.constant 48 : index
    %get3A_1058 = tpu.vector_load %arg5[%get3A_1056, %get3A_1057] {strides = array<i32>} : memref<16x128xf32, #tpu.memory_space<vmem>>, vector<16xf32>,
    %get3A_1059 = arith.constant 9 : i32
    %get3A_1060 = arith.index_cast %get3A_1059 : i32 to index
    %get3A_1061 = arith.constant 48 : index
    %get3A_1062 = tpu.vector_load %arg5[%get3A_1060, %get3A_1061] {strides = array<i32>} : memref<16x128xf32, #tpu.memory_space<vmem>>, vector<16xf32>,
    %get3A_1063 = arith.constant 10 : i32
    %get3A_1064 = arith.index_cast %get3A_1063 : i32 to index
    %get3A_1065 = arith.constant 48 : index
    %get3A_1066 = tpu.vector_load %arg5[%get3A_1064, %get3A_1065] {strides = array<i32>} : memref<16x128xf32, #tpu.memory_space<vmem>>, vector<16xf32>,
    %get3A_1067 = arith.constant 11 : i32
    %get3A_1068 = arith.index_cast %get3A_1067 : i32 to index
    %get3A_1069 = arith.constant 48 : index
    %get3A_1070 = tpu.vector_load %arg5[%get3A_1068, %get3A_1069] {strides = array<i32>} : memref<16x128xf32, #tpu.memory_space<vmem>>, vector<16xf32>,
    %get3A_1071 = arith.constant 12 : i32
    %get3A_1072 = arith.index_cast %get3A_1071 : i32 to index
    %get3A_1073 = arith.constant 48 : index
    %get3A_1074 = tpu.vector_load %arg5[%get3A_1072, %get3A_1073] {strides = array<i32>} : memref<16x128xf32, #tpu.memory_space<vmem>>, vector<16xf32>,
    %get3A_1075 = arith.constant 13 : i32
    %get3A_1076 = arith.index_cast %get3A_1075 : i32 to index
    %get3A_1077 = arith.constant 48 : index
    %get3A_1078 = tpu.vector_load %arg5[%get3A_1076, %get3A_1077] {strides = array<i32>} : memref<16x128xf32, #tpu.memory_space<vmem>>, vector<16xf32>,
    %get3A_1079 = arith.constant 14 : i32
    %get3A_1080 = arith.index_cast %get3A_1079 : i32 to index
    %get3A_1081 = arith.constant 48 : index
    %get3A_1082 = tpu.vector_load %arg5[%get3A_1080, %get3A_1081] {strides = array<i32>} : memref<16x128xf32, #tpu.memory_space<vmem>>, vector<16xf32>,
    %get3A_1083 = arith.constant 15 : i32
    %get3A_1084 = arith.index_cast %get3A_1083 : i32 to index
    %get3A_1085 = arith.constant 48 : index
    %get3A_1086 = tpu.vector_load %arg5[%get3A_1084, %get3A_1085] {strides = array<i32>} : memref<16x128xf32, #tpu.memory_space<vmem>>, vector<16xf32>,
    %ge3A_1087 = arith.constant 0 : i32
    %ge3A_1088 = vector.broadcast %ge3A_1087 : i32 to vector<16xi32>
    %ge3A_1089 = arith.cmpi sge, %convert_element_type3A_1022, %ge3A_1088 : vector<16xi32>
    %ge3A_1090 = arith.constant 1 : i32
    %ge3A_1091 = vector.broadcast %ge3A_1090 : i32 to vector<16xi32>
    %ge3A_1092 = arith.cmpi sge, %convert_element_type3A_1022, %ge3A_1091 : vector<16xi32>
    %ge3A_1093 = arith.constant 2 : i32
    %ge3A_1094 = vector.broadcast %ge3A_1093 : i32 to vector<16xi32>
    %ge3A_1095 = arith.cmpi sge, %convert_element_type3A_1022, %ge3A_1094 : vector<16xi32>
    %ge3A_1096 = arith.constant 3 : i32
    %ge3A_1097 = vector.broadcast %ge3A_1096 : i32 to vector<16xi32>
    %ge3A_1098 = arith.cmpi sge, %convert_element_type3A_1022, %ge3A_1097 : vector<16xi32>
    %ge3A_1099 = arith.constant 4 : i32
    %ge3A_1100 = vector.broadcast %ge3A_1099 : i32 to vector<16xi32>
    %ge3A_1101 = arith.cmpi sge, %convert_element_type3A_1022, %ge3A_1100 : vector<16xi32>
    %ge3A_1102 = arith.constant 5 : i32
    %ge3A_1103 = vector.broadcast %ge3A_1102 : i32 to vector<16xi32>
    %ge3A_1104 = arith.cmpi sge, %convert_element_type3A_1022, %ge3A_1103 : vector<16xi32>
    %ge3A_1105 = arith.constant 6 : i32
    %ge3A_1106 = vector.broadcast %ge3A_1105 : i32 to vector<16xi32>
    %ge3A_1107 = arith.cmpi sge, %convert_element_type3A_1022, %ge3A_1106 : vector<16xi32>
    %ge3A_1108 = arith.constant 7 : i32
    %ge3A_1109 = vector.broadcast %ge3A_1108 : i32 to vector<16xi32>
    %ge3A_1110 = arith.cmpi sge, %convert_element_type3A_1022, %ge3A_1109 : vector<16xi32>
    %ge3A_1111 = arith.constant 8 : i32
    %ge3A_1112 = vector.broadcast %ge3A_1111 : i32 to vector<16xi32>
    %ge3A_1113 = arith.cmpi sge, %convert_element_type3A_1022, %ge3A_1112 : vector<16xi32>
    %ge3A_1114 = arith.constant 9 : i32
    %ge3A_1115 = vector.broadcast %ge3A_1114 : i32 to vector<16xi32>
    %ge3A_1116 = arith.cmpi sge, %convert_element_type3A_1022, %ge3A_1115 : vector<16xi32>
    %ge3A_1117 = arith.constant 10 : i32
    %ge3A_1118 = vector.broadcast %ge3A_1117 : i32 to vector<16xi32>
    %ge3A_1119 = arith.cmpi sge, %convert_element_type3A_1022, %ge3A_1118 : vector<16xi32>
    %ge3A_1120 = arith.constant 11 : i32
    %ge3A_1121 = vector.broadcast %ge3A_1120 : i32 to vector<16xi32>
    %ge3A_1122 = arith.cmpi sge, %convert_element_type3A_1022, %ge3A_1121 : vector<16xi32>
    %ge3A_1123 = arith.constant 12 : i32
    %ge3A_1124 = vector.broadcast %ge3A_1123 : i32 to vector<16xi32>
    %ge3A_1125 = arith.cmpi sge, %convert_element_type3A_1022, %ge3A_1124 : vector<16xi32>
    %ge3A_1126 = arith.constant 13 : i32
    %ge3A_1127 = vector.broadcast %ge3A_1126 : i32 to vector<16xi32>
    %ge3A_1128 = arith.cmpi sge, %convert_element_type3A_1022, %ge3A_1127 : vector<16xi32>
    %ge3A_1129 = arith.constant 14 : i32
    %ge3A_1130 = vector.broadcast %ge3A_1129 : i32 to vector<16xi32>
    %ge3A_1131 = arith.cmpi sge, %convert_element_type3A_1022, %ge3A_1130 : vector<16xi32>
    %ge3A_1132 = arith.constant 15 : i32
    %ge3A_1133 = vector.broadcast %ge3A_1132 : i32 to vector<16xi32>
    %ge3A_1134 = arith.cmpi sge, %convert_element_type3A_1022, %ge3A_1133 : vector<16xi32>
    %broadcast_in_dim3A_1135 = arith.constant 0.000000e+00 : f32
    %broadcast_in_dim3A_1136 = vector.broadcast %broadcast_in_dim3A_1135 : f32 to vector<16xf32>
    %jit3A_1137 = arith.constant 0xFF800000 : f32
    %broadcast_in_dim3A_1138 = vector.broadcast %jit3A_1137 : f32 to vector<16xf32>
    %select_n3A_1139 = arith.select %ge3A_1089, %get3A_1026, %broadcast_in_dim3A_1138 : vector<16xi1>, vector<16xf32>
    %max3A_1140 = arith.maximumf %broadcast_in_dim3A_1136, %select_n3A_1139 : vector<16xf32>
    %jit3A_1141 = arith.constant 0xFF800000 : f32
    %broadcast_in_dim3A_1142 = vector.broadcast %jit3A_1141 : f32 to vector<16xf32>
    %select_n3A_1143 = arith.select %ge3A_1092, %get3A_1030, %broadcast_in_dim3A_1142 : vector<16xi1>, vector<16xf32>
    %max3A_1144 = arith.maximumf %max3A_1140, %select_n3A_1143 : vector<16xf32>
    %jit3A_1145 = arith.constant 0xFF800000 : f32
    %broadcast_in_dim3A_1146 = vector.broadcast %jit3A_1145 : f32 to vector<16xf32>
    %select_n3A_1147 = arith.select %ge3A_1095, %get3A_1034, %broadcast_in_dim3A_1146 : vector<16xi1>, vector<16xf32>
    %max3A_1148 = arith.maximumf %max3A_1144, %select_n3A_1147 : vector<16xf32>
    %jit3A_1149 = arith.constant 0xFF800000 : f32
    %broadcast_in_dim3A_1150 = vector.broadcast %jit3A_1149 : f32 to vector<16xf32>
    %select_n3A_1151 = arith.select %ge3A_1098, %get3A_1038, %broadcast_in_dim3A_1150 : vector<16xi1>, vector<16xf32>
    %max3A_1152 = arith.maximumf %max3A_1148, %select_n3A_1151 : vector<16xf32>
    %jit3A_1153 = arith.constant 0xFF800000 : f32
    %broadcast_in_dim3A_1154 = vector.broadcast %jit3A_1153 : f32 to vector<16xf32>
    %select_n3A_1155 = arith.select %ge3A_1101, %get3A_1042, %broadcast_in_dim3A_1154 : vector<16xi1>, vector<16xf32>
    %max3A_1156 = arith.maximumf %max3A_1152, %select_n3A_1155 : vector<16xf32>
    %jit3A_1157 = arith.constant 0xFF800000 : f32
    %broadcast_in_dim3A_1158 = vector.broadcast %jit3A_1157 : f32 to vector<16xf32>
    %select_n3A_1159 = arith.select %ge3A_1104, %get3A_1046, %broadcast_in_dim3A_1158 : vector<16xi1>, vector<16xf32>
    %max3A_1160 = arith.maximumf %max3A_1156, %select_n3A_1159 : vector<16xf32>
    %jit3A_1161 = arith.constant 0xFF800000 : f32
    %broadcast_in_dim3A_1162 = vector.broadcast %jit3A_1161 : f32 to vector<16xf32>
    %select_n3A_1163 = arith.select %ge3A_1107, %get3A_1050, %broadcast_in_dim3A_1162 : vector<16xi1>, vector<16xf32>
    %max3A_1164 = arith.maximumf %max3A_1160, %select_n3A_1163 : vector<16xf32>
    %jit3A_1165 = arith.constant 0xFF800000 : f32
    %broadcast_in_dim3A_1166 = vector.broadcast %jit3A_1165 : f32 to vector<16xf32>
    %select_n3A_1167 = arith.select %ge3A_1110, %get3A_1054, %broadcast_in_dim3A_1166 : vector<16xi1>, vector<16xf32>
    %max3A_1168 = arith.maximumf %max3A_1164, %select_n3A_1167 : vector<16xf32>
    %jit3A_1169 = arith.constant 0xFF800000 : f32
    %broadcast_in_dim3A_1170 = vector.broadcast %jit3A_1169 : f32 to vector<16xf32>
    %select_n3A_1171 = arith.select %ge3A_1113, %get3A_1058, %broadcast_in_dim3A_1170 : vector<16xi1>, vector<16xf32>
    %max3A_1172 = arith.maximumf %max3A_1168, %select_n3A_1171 : vector<16xf32>
    %jit3A_1173 = arith.constant 0xFF800000 : f32
    %broadcast_in_dim3A_1174 = vector.broadcast %jit3A_1173 : f32 to vector<16xf32>
    %select_n3A_1175 = arith.select %ge3A_1116, %get3A_1062, %broadcast_in_dim3A_1174 : vector<16xi1>, vector<16xf32>
    %max3A_1176 = arith.maximumf %max3A_1172, %select_n3A_1175 : vector<16xf32>
    %jit3A_1177 = arith.constant 0xFF800000 : f32
    %broadcast_in_dim3A_1178 = vector.broadcast %jit3A_1177 : f32 to vector<16xf32>
    %select_n3A_1179 = arith.select %ge3A_1119, %get3A_1066, %broadcast_in_dim3A_1178 : vector<16xi1>, vector<16xf32>
    %max3A_1180 = arith.maximumf %max3A_1176, %select_n3A_1179 : vector<16xf32>
    %jit3A_1181 = arith.constant 0xFF800000 : f32
    %broadcast_in_dim3A_1182 = vector.broadcast %jit3A_1181 : f32 to vector<16xf32>
    %select_n3A_1183 = arith.select %ge3A_1122, %get3A_1070, %broadcast_in_dim3A_1182 : vector<16xi1>, vector<16xf32>
    %max3A_1184 = arith.maximumf %max3A_1180, %select_n3A_1183 : vector<16xf32>
    %jit3A_1185 = arith.constant 0xFF800000 : f32
    %broadcast_in_dim3A_1186 = vector.broadcast %jit3A_1185 : f32 to vector<16xf32>
    %select_n3A_1187 = arith.select %ge3A_1125, %get3A_1074, %broadcast_in_dim3A_1186 : vector<16xi1>, vector<16xf32>
    %max3A_1188 = arith.maximumf %max3A_1184, %select_n3A_1187 : vector<16xf32>
    %jit3A_1189 = arith.constant 0xFF800000 : f32
    %broadcast_in_dim3A_1190 = vector.broadcast %jit3A_1189 : f32 to vector<16xf32>
    %select_n3A_1191 = arith.select %ge3A_1128, %get3A_1078, %broadcast_in_dim3A_1190 : vector<16xi1>, vector<16xf32>
    %max3A_1192 = arith.maximumf %max3A_1188, %select_n3A_1191 : vector<16xf32>
    %jit3A_1193 = arith.constant 0xFF800000 : f32
    %broadcast_in_dim3A_1194 = vector.broadcast %jit3A_1193 : f32 to vector<16xf32>
    %select_n3A_1195 = arith.select %ge3A_1131, %get3A_1082, %broadcast_in_dim3A_1194 : vector<16xi1>, vector<16xf32>
    %max3A_1196 = arith.maximumf %max3A_1192, %select_n3A_1195 : vector<16xf32>
    %jit3A_1197 = arith.constant 0xFF800000 : f32
    %broadcast_in_dim3A_1198 = vector.broadcast %jit3A_1197 : f32 to vector<16xf32>
    %select_n3A_1199 = arith.select %ge3A_1134, %get3A_1086, %broadcast_in_dim3A_1198 : vector<16xi1>, vector<16xf32>
    %max3A_1200 = arith.maximumf %max3A_1196, %select_n3A_1199 : vector<16xf32>
    %sub3A_1201 = arith.subf %get3A_1026, %max3A_1200 : vector<16xf32>
    %exp3A_1202 = math.exp %sub3A_1201 : vector<16xf32>
    %jit3A_1203 = arith.constant 0.000000e+00 : f32
    %broadcast_in_dim3A_1204 = vector.broadcast %jit3A_1203 : f32 to vector<16xf32>
    %select_n3A_1205 = arith.select %ge3A_1089, %exp3A_1202, %broadcast_in_dim3A_1204 : vector<16xi1>, vector<16xf32>
    %sub3A_1206 = arith.subf %get3A_1030, %max3A_1200 : vector<16xf32>
    %exp3A_1207 = math.exp %sub3A_1206 : vector<16xf32>
    %jit3A_1208 = arith.constant 0.000000e+00 : f32
    %broadcast_in_dim3A_1209 = vector.broadcast %jit3A_1208 : f32 to vector<16xf32>
    %select_n3A_1210 = arith.select %ge3A_1092, %exp3A_1207, %broadcast_in_dim3A_1209 : vector<16xi1>, vector<16xf32>
    %sub3A_1211 = arith.subf %get3A_1034, %max3A_1200 : vector<16xf32>
    %exp3A_1212 = math.exp %sub3A_1211 : vector<16xf32>
    %jit3A_1213 = arith.constant 0.000000e+00 : f32
    %broadcast_in_dim3A_1214 = vector.broadcast %jit3A_1213 : f32 to vector<16xf32>
    %select_n3A_1215 = arith.select %ge3A_1095, %exp3A_1212, %broadcast_in_dim3A_1214 : vector<16xi1>, vector<16xf32>
    %sub3A_1216 = arith.subf %get3A_1038, %max3A_1200 : vector<16xf32>
    %exp3A_1217 = math.exp %sub3A_1216 : vector<16xf32>
    %jit3A_1218 = arith.constant 0.000000e+00 : f32
    %broadcast_in_dim3A_1219 = vector.broadcast %jit3A_1218 : f32 to vector<16xf32>
    %select_n3A_1220 = arith.select %ge3A_1098, %exp3A_1217, %broadcast_in_dim3A_1219 : vector<16xi1>, vector<16xf32>
    %sub3A_1221 = arith.subf %get3A_1042, %max3A_1200 : vector<16xf32>
    %exp3A_1222 = math.exp %sub3A_1221 : vector<16xf32>
    %jit3A_1223 = arith.constant 0.000000e+00 : f32
    %broadcast_in_dim3A_1224 = vector.broadcast %jit3A_1223 : f32 to vector<16xf32>
    %select_n3A_1225 = arith.select %ge3A_1101, %exp3A_1222, %broadcast_in_dim3A_1224 : vector<16xi1>, vector<16xf32>
    %sub3A_1226 = arith.subf %get3A_1046, %max3A_1200 : vector<16xf32>
    %exp3A_1227 = math.exp %sub3A_1226 : vector<16xf32>
    %jit3A_1228 = arith.constant 0.000000e+00 : f32
    %broadcast_in_dim3A_1229 = vector.broadcast %jit3A_1228 : f32 to vector<16xf32>
    %select_n3A_1230 = arith.select %ge3A_1104, %exp3A_1227, %broadcast_in_dim3A_1229 : vector<16xi1>, vector<16xf32>
    %sub3A_1231 = arith.subf %get3A_1050, %max3A_1200 : vector<16xf32>
    %exp3A_1232 = math.exp %sub3A_1231 : vector<16xf32>
    %jit3A_1233 = arith.constant 0.000000e+00 : f32
    %broadcast_in_dim3A_1234 = vector.broadcast %jit3A_1233 : f32 to vector<16xf32>
    %select_n3A_1235 = arith.select %ge3A_1107, %exp3A_1232, %broadcast_in_dim3A_1234 : vector<16xi1>, vector<16xf32>
    %sub3A_1236 = arith.subf %get3A_1054, %max3A_1200 : vector<16xf32>
    %exp3A_1237 = math.exp %sub3A_1236 : vector<16xf32>
    %jit3A_1238 = arith.constant 0.000000e+00 : f32
    %broadcast_in_dim3A_1239 = vector.broadcast %jit3A_1238 : f32 to vector<16xf32>
    %select_n3A_1240 = arith.select %ge3A_1110, %exp3A_1237, %broadcast_in_dim3A_1239 : vector<16xi1>, vector<16xf32>
    %sub3A_1241 = arith.subf %get3A_1058, %max3A_1200 : vector<16xf32>
    %exp3A_1242 = math.exp %sub3A_1241 : vector<16xf32>
    %jit3A_1243 = arith.constant 0.000000e+00 : f32
    %broadcast_in_dim3A_1244 = vector.broadcast %jit3A_1243 : f32 to vector<16xf32>
    %select_n3A_1245 = arith.select %ge3A_1113, %exp3A_1242, %broadcast_in_dim3A_1244 : vector<16xi1>, vector<16xf32>
    %sub3A_1246 = arith.subf %get3A_1062, %max3A_1200 : vector<16xf32>
    %exp3A_1247 = math.exp %sub3A_1246 : vector<16xf32>
    %jit3A_1248 = arith.constant 0.000000e+00 : f32
    %broadcast_in_dim3A_1249 = vector.broadcast %jit3A_1248 : f32 to vector<16xf32>
    %select_n3A_1250 = arith.select %ge3A_1116, %exp3A_1247, %broadcast_in_dim3A_1249 : vector<16xi1>, vector<16xf32>
    %sub3A_1251 = arith.subf %get3A_1066, %max3A_1200 : vector<16xf32>
    %exp3A_1252 = math.exp %sub3A_1251 : vector<16xf32>
    %jit3A_1253 = arith.constant 0.000000e+00 : f32
    %broadcast_in_dim3A_1254 = vector.broadcast %jit3A_1253 : f32 to vector<16xf32>
    %select_n3A_1255 = arith.select %ge3A_1119, %exp3A_1252, %broadcast_in_dim3A_1254 : vector<16xi1>, vector<16xf32>
    %sub3A_1256 = arith.subf %get3A_1070, %max3A_1200 : vector<16xf32>
    %exp3A_1257 = math.exp %sub3A_1256 : vector<16xf32>
    %jit3A_1258 = arith.constant 0.000000e+00 : f32
    %broadcast_in_dim3A_1259 = vector.broadcast %jit3A_1258 : f32 to vector<16xf32>
    %select_n3A_1260 = arith.select %ge3A_1122, %exp3A_1257, %broadcast_in_dim3A_1259 : vector<16xi1>, vector<16xf32>
    %sub3A_1261 = arith.subf %get3A_1074, %max3A_1200 : vector<16xf32>
    %exp3A_1262 = math.exp %sub3A_1261 : vector<16xf32>
    %jit3A_1263 = arith.constant 0.000000e+00 : f32
    %broadcast_in_dim3A_1264 = vector.broadcast %jit3A_1263 : f32 to vector<16xf32>
    %select_n3A_1265 = arith.select %ge3A_1125, %exp3A_1262, %broadcast_in_dim3A_1264 : vector<16xi1>, vector<16xf32>
    %sub3A_1266 = arith.subf %get3A_1078, %max3A_1200 : vector<16xf32>
    %exp3A_1267 = math.exp %sub3A_1266 : vector<16xf32>
    %jit3A_1268 = arith.constant 0.000000e+00 : f32
    %broadcast_in_dim3A_1269 = vector.broadcast %jit3A_1268 : f32 to vector<16xf32>
    %select_n3A_1270 = arith.select %ge3A_1128, %exp3A_1267, %broadcast_in_dim3A_1269 : vector<16xi1>, vector<16xf32>
    %sub3A_1271 = arith.subf %get3A_1082, %max3A_1200 : vector<16xf32>
    %exp3A_1272 = math.exp %sub3A_1271 : vector<16xf32>
    %jit3A_1273 = arith.constant 0.000000e+00 : f32
    %broadcast_in_dim3A_1274 = vector.broadcast %jit3A_1273 : f32 to vector<16xf32>
    %select_n3A_1275 = arith.select %ge3A_1131, %exp3A_1272, %broadcast_in_dim3A_1274 : vector<16xi1>, vector<16xf32>
    %sub3A_1276 = arith.subf %get3A_1086, %max3A_1200 : vector<16xf32>
    %exp3A_1277 = math.exp %sub3A_1276 : vector<16xf32>
    %jit3A_1278 = arith.constant 0.000000e+00 : f32
    %broadcast_in_dim3A_1279 = vector.broadcast %jit3A_1278 : f32 to vector<16xf32>
    %select_n3A_1280 = arith.select %ge3A_1134, %exp3A_1277, %broadcast_in_dim3A_1279 : vector<16xi1>, vector<16xf32>
    %broadcast_in_dim3A_1281 = arith.constant 0.000000e+00 : f32
    %broadcast_in_dim3A_1282 = vector.broadcast %broadcast_in_dim3A_1281 : f32 to vector<16xf32>
    %sub3A_1283 = arith.subf %broadcast_in_dim3A_1282, %max3A_1200 : vector<16xf32>
    %exp3A_1284 = math.exp %sub3A_1283 : vector<16xf32>
    %sub3A_1285 = arith.constant 3.000000e+01 : f32
    %sub3A_1286 = vector.broadcast %sub3A_1285 : f32 to vector<16xf32>
    %sub3A_1287 = arith.subf %sub3A_1286, %max3A_1021 : vector<16xf32>
    %mul3A_1288 = arith.mulf %sub3A_1287, %exp3A_1284 : vector<16xf32>
    %add3A_1289 = arith.addf %mul3A_1288, %select_n3A_1205 : vector<16xf32>
    %add3A_1290 = arith.addf %add3A_1289, %select_n3A_1210 : vector<16xf32>
    %add3A_1291 = arith.addf %add3A_1290, %select_n3A_1215 : vector<16xf32>
    %add3A_1292 = arith.addf %add3A_1291, %select_n3A_1220 : vector<16xf32>
    %add3A_1293 = arith.addf %add3A_1292, %select_n3A_1225 : vector<16xf32>
    %add3A_1294 = arith.addf %add3A_1293, %select_n3A_1230 : vector<16xf32>
    %add3A_1295 = arith.addf %add3A_1294, %select_n3A_1235 : vector<16xf32>
    %add3A_1296 = arith.addf %add3A_1295, %select_n3A_1240 : vector<16xf32>
    %add3A_1297 = arith.addf %add3A_1296, %select_n3A_1245 : vector<16xf32>
    %add3A_1298 = arith.addf %add3A_1297, %select_n3A_1250 : vector<16xf32>
    %add3A_1299 = arith.addf %add3A_1298, %select_n3A_1255 : vector<16xf32>
    %add3A_1300 = arith.addf %add3A_1299, %select_n3A_1260 : vector<16xf32>
    %add3A_1301 = arith.addf %add3A_1300, %select_n3A_1265 : vector<16xf32>
    %add3A_1302 = arith.addf %add3A_1301, %select_n3A_1270 : vector<16xf32>
    %add3A_1303 = arith.addf %add3A_1302, %select_n3A_1275 : vector<16xf32>
    %add3A_1304 = arith.addf %add3A_1303, %select_n3A_1280 : vector<16xf32>
    %div3A_1305 = arith.divf %exp3A_1284, %add3A_1304 : vector<16xf32>
    %mul3A_1306 = arith.mulf %sub3A_1287, %div3A_1305 : vector<16xf32>
    %div3A_1307 = arith.divf %select_n3A_1205, %add3A_1304 : vector<16xf32>
    %add3A_1308 = arith.addf %mul3A_1306, %div3A_1307 : vector<16xf32>
    %div3A_1309 = arith.divf %select_n3A_1210, %add3A_1304 : vector<16xf32>
    %add3A_1310 = arith.addf %add3A_1308, %div3A_1309 : vector<16xf32>
    %div3A_1311 = arith.divf %select_n3A_1215, %add3A_1304 : vector<16xf32>
    %add3A_1312 = arith.addf %add3A_1310, %div3A_1311 : vector<16xf32>
    %div3A_1313 = arith.divf %select_n3A_1220, %add3A_1304 : vector<16xf32>
    %add3A_1314 = arith.addf %add3A_1312, %div3A_1313 : vector<16xf32>
    %div3A_1315 = arith.divf %select_n3A_1225, %add3A_1304 : vector<16xf32>
    %add3A_1316 = arith.addf %add3A_1314, %div3A_1315 : vector<16xf32>
    %div3A_1317 = arith.divf %select_n3A_1230, %add3A_1304 : vector<16xf32>
    %add3A_1318 = arith.addf %add3A_1316, %div3A_1317 : vector<16xf32>
    %div3A_1319 = arith.divf %select_n3A_1235, %add3A_1304 : vector<16xf32>
    %add3A_1320 = arith.addf %add3A_1318, %div3A_1319 : vector<16xf32>
    %div3A_1321 = arith.divf %select_n3A_1240, %add3A_1304 : vector<16xf32>
    %add3A_1322 = arith.addf %add3A_1320, %div3A_1321 : vector<16xf32>
    %div3A_1323 = arith.divf %select_n3A_1245, %add3A_1304 : vector<16xf32>
    %add3A_1324 = arith.addf %add3A_1322, %div3A_1323 : vector<16xf32>
    %div3A_1325 = arith.divf %select_n3A_1250, %add3A_1304 : vector<16xf32>
    %add3A_1326 = arith.addf %add3A_1324, %div3A_1325 : vector<16xf32>
    %div3A_1327 = arith.divf %select_n3A_1255, %add3A_1304 : vector<16xf32>
    %add3A_1328 = arith.addf %add3A_1326, %div3A_1327 : vector<16xf32>
    %div3A_1329 = arith.divf %select_n3A_1260, %add3A_1304 : vector<16xf32>
    %add3A_1330 = arith.addf %add3A_1328, %div3A_1329 : vector<16xf32>
    %div3A_1331 = arith.divf %select_n3A_1265, %add3A_1304 : vector<16xf32>
    %add3A_1332 = arith.addf %add3A_1330, %div3A_1331 : vector<16xf32>
    %div3A_1333 = arith.divf %select_n3A_1270, %add3A_1304 : vector<16xf32>
    %add3A_1334 = arith.addf %add3A_1332, %div3A_1333 : vector<16xf32>
    %div3A_1335 = arith.divf %select_n3A_1275, %add3A_1304 : vector<16xf32>
    %add3A_1336 = arith.addf %add3A_1334, %div3A_1335 : vector<16xf32>
    %div3A_1337 = arith.divf %select_n3A_1280, %add3A_1304 : vector<16xf32>
    %add3A_1338 = arith.addf %add3A_1336, %div3A_1337 : vector<16xf32>
    %swap3A_1339 = arith.constant 48 : index
    %swap3A_1340 = tpu.vector_load %arg7[%swap3A_1339] {strides = array<i32>} : memref<128xf32, #tpu.memory_space<vmem>>, vector<16xf32>,
    tpu.vector_store %arg7[%swap3A_1339], %add3A_1338 {strides = array<i32>} : memref<128xf32, #tpu.memory_space<vmem>>, vector<16xf32>,
    %add3A_1341 = arith.constant 128 : i32
    %add3A_1342 = vector.broadcast %add3A_1341 : i32 to vector<16xi32>
    %add3A_1343 = arith.addi %mul3A_29, %add3A_1342 : vector<16xi32>
    %gather3A_1344 = tpu.vector_load_idx %arg6[%add3A_1343] : memref<256xf32, #tpu.memory_space<vmem>>[vector<16xi32>], vector<16xf32>,
    %add3A_1345 = arith.constant 129 : i32
    %add3A_1346 = vector.broadcast %add3A_1345 : i32 to vector<16xi32>
    %add3A_1347 = arith.addi %mul3A_29, %add3A_1346 : vector<16xi32>
    %gather3A_1348 = tpu.vector_load_idx %arg6[%add3A_1347] : memref<256xf32, #tpu.memory_space<vmem>>[vector<16xi32>], vector<16xf32>,
    %neg3A_1349 = arith.constant 0.000000e+00 : f32
    %neg3A_1350 = vector.broadcast %neg3A_1349 : f32 to vector<16xf32>
    %neg3A_1351 = arith.subf %neg3A_1350, %gather3A_1348 : vector<16xf32>
    %max3A_1352 = arith.maximumf %gather3A_1344, %neg3A_1351 : vector<16xf32>
    %convert_element_type3A_1353 = arith.fptosi %max3A_1352 : vector<16xf32> to vector<16xi32>
    %get3A_1354 = arith.constant 0 : i32
    %get3A_1355 = arith.index_cast %get3A_1354 : i32 to index
    %get3A_1356 = arith.constant 64 : index
    %get3A_1357 = tpu.vector_load %arg5[%get3A_1355, %get3A_1356] {strides = array<i32>} : memref<16x128xf32, #tpu.memory_space<vmem>>, vector<16xf32>,
    %get3A_1358 = arith.constant 1 : i32
    %get3A_1359 = arith.index_cast %get3A_1358 : i32 to index
    %get3A_1360 = arith.constant 64 : index
    %get3A_1361 = tpu.vector_load %arg5[%get3A_1359, %get3A_1360] {strides = array<i32>} : memref<16x128xf32, #tpu.memory_space<vmem>>, vector<16xf32>,
    %get3A_1362 = arith.constant 2 : i32
    %get3A_1363 = arith.index_cast %get3A_1362 : i32 to index
    %get3A_1364 = arith.constant 64 : index
    %get3A_1365 = tpu.vector_load %arg5[%get3A_1363, %get3A_1364] {strides = array<i32>} : memref<16x128xf32, #tpu.memory_space<vmem>>, vector<16xf32>,
    %get3A_1366 = arith.constant 3 : i32
    %get3A_1367 = arith.index_cast %get3A_1366 : i32 to index
    %get3A_1368 = arith.constant 64 : index
    %get3A_1369 = tpu.vector_load %arg5[%get3A_1367, %get3A_1368] {strides = array<i32>} : memref<16x128xf32, #tpu.memory_space<vmem>>, vector<16xf32>,
    %get3A_1370 = arith.constant 4 : i32
    %get3A_1371 = arith.index_cast %get3A_1370 : i32 to index
    %get3A_1372 = arith.constant 64 : index
    %get3A_1373 = tpu.vector_load %arg5[%get3A_1371, %get3A_1372] {strides = array<i32>} : memref<16x128xf32, #tpu.memory_space<vmem>>, vector<16xf32>,
    %get3A_1374 = arith.constant 5 : i32
    %get3A_1375 = arith.index_cast %get3A_1374 : i32 to index
    %get3A_1376 = arith.constant 64 : index
    %get3A_1377 = tpu.vector_load %arg5[%get3A_1375, %get3A_1376] {strides = array<i32>} : memref<16x128xf32, #tpu.memory_space<vmem>>, vector<16xf32>,
    %get3A_1378 = arith.constant 6 : i32
    %get3A_1379 = arith.index_cast %get3A_1378 : i32 to index
    %get3A_1380 = arith.constant 64 : index
    %get3A_1381 = tpu.vector_load %arg5[%get3A_1379, %get3A_1380] {strides = array<i32>} : memref<16x128xf32, #tpu.memory_space<vmem>>, vector<16xf32>,
    %get3A_1382 = arith.constant 7 : i32
    %get3A_1383 = arith.index_cast %get3A_1382 : i32 to index
    %get3A_1384 = arith.constant 64 : index
    %get3A_1385 = tpu.vector_load %arg5[%get3A_1383, %get3A_1384] {strides = array<i32>} : memref<16x128xf32, #tpu.memory_space<vmem>>, vector<16xf32>,
    %get3A_1386 = arith.constant 8 : i32
    %get3A_1387 = arith.index_cast %get3A_1386 : i32 to index
    %get3A_1388 = arith.constant 64 : index
    %get3A_1389 = tpu.vector_load %arg5[%get3A_1387, %get3A_1388] {strides = array<i32>} : memref<16x128xf32, #tpu.memory_space<vmem>>, vector<16xf32>,
    %get3A_1390 = arith.constant 9 : i32
    %get3A_1391 = arith.index_cast %get3A_1390 : i32 to index
    %get3A_1392 = arith.constant 64 : index
    %get3A_1393 = tpu.vector_load %arg5[%get3A_1391, %get3A_1392] {strides = array<i32>} : memref<16x128xf32, #tpu.memory_space<vmem>>, vector<16xf32>,
    %get3A_1394 = arith.constant 10 : i32
    %get3A_1395 = arith.index_cast %get3A_1394 : i32 to index
    %get3A_1396 = arith.constant 64 : index
    %get3A_1397 = tpu.vector_load %arg5[%get3A_1395, %get3A_1396] {strides = array<i32>} : memref<16x128xf32, #tpu.memory_space<vmem>>, vector<16xf32>,
    %get3A_1398 = arith.constant 11 : i32
    %get3A_1399 = arith.index_cast %get3A_1398 : i32 to index
    %get3A_1400 = arith.constant 64 : index
    %get3A_1401 = tpu.vector_load %arg5[%get3A_1399, %get3A_1400] {strides = array<i32>} : memref<16x128xf32, #tpu.memory_space<vmem>>, vector<16xf32>,
    %get3A_1402 = arith.constant 12 : i32
    %get3A_1403 = arith.index_cast %get3A_1402 : i32 to index
    %get3A_1404 = arith.constant 64 : index
    %get3A_1405 = tpu.vector_load %arg5[%get3A_1403, %get3A_1404] {strides = array<i32>} : memref<16x128xf32, #tpu.memory_space<vmem>>, vector<16xf32>,
    %get3A_1406 = arith.constant 13 : i32
    %get3A_1407 = arith.index_cast %get3A_1406 : i32 to index
    %get3A_1408 = arith.constant 64 : index
    %get3A_1409 = tpu.vector_load %arg5[%get3A_1407, %get3A_1408] {strides = array<i32>} : memref<16x128xf32, #tpu.memory_space<vmem>>, vector<16xf32>,
    %get3A_1410 = arith.constant 14 : i32
    %get3A_1411 = arith.index_cast %get3A_1410 : i32 to index
    %get3A_1412 = arith.constant 64 : index
    %get3A_1413 = tpu.vector_load %arg5[%get3A_1411, %get3A_1412] {strides = array<i32>} : memref<16x128xf32, #tpu.memory_space<vmem>>, vector<16xf32>,
    %get3A_1414 = arith.constant 15 : i32
    %get3A_1415 = arith.index_cast %get3A_1414 : i32 to index
    %get3A_1416 = arith.constant 64 : index
    %get3A_1417 = tpu.vector_load %arg5[%get3A_1415, %get3A_1416] {strides = array<i32>} : memref<16x128xf32, #tpu.memory_space<vmem>>, vector<16xf32>,
    %ge3A_1418 = arith.constant 0 : i32
    %ge3A_1419 = vector.broadcast %ge3A_1418 : i32 to vector<16xi32>
    %ge3A_1420 = arith.cmpi sge, %convert_element_type3A_1353, %ge3A_1419 : vector<16xi32>
    %ge3A_1421 = arith.constant 1 : i32
    %ge3A_1422 = vector.broadcast %ge3A_1421 : i32 to vector<16xi32>
    %ge3A_1423 = arith.cmpi sge, %convert_element_type3A_1353, %ge3A_1422 : vector<16xi32>
    %ge3A_1424 = arith.constant 2 : i32
    %ge3A_1425 = vector.broadcast %ge3A_1424 : i32 to vector<16xi32>
    %ge3A_1426 = arith.cmpi sge, %convert_element_type3A_1353, %ge3A_1425 : vector<16xi32>
    %ge3A_1427 = arith.constant 3 : i32
    %ge3A_1428 = vector.broadcast %ge3A_1427 : i32 to vector<16xi32>
    %ge3A_1429 = arith.cmpi sge, %convert_element_type3A_1353, %ge3A_1428 : vector<16xi32>
    %ge3A_1430 = arith.constant 4 : i32
    %ge3A_1431 = vector.broadcast %ge3A_1430 : i32 to vector<16xi32>
    %ge3A_1432 = arith.cmpi sge, %convert_element_type3A_1353, %ge3A_1431 : vector<16xi32>
    %ge3A_1433 = arith.constant 5 : i32
    %ge3A_1434 = vector.broadcast %ge3A_1433 : i32 to vector<16xi32>
    %ge3A_1435 = arith.cmpi sge, %convert_element_type3A_1353, %ge3A_1434 : vector<16xi32>
    %ge3A_1436 = arith.constant 6 : i32
    %ge3A_1437 = vector.broadcast %ge3A_1436 : i32 to vector<16xi32>
    %ge3A_1438 = arith.cmpi sge, %convert_element_type3A_1353, %ge3A_1437 : vector<16xi32>
    %ge3A_1439 = arith.constant 7 : i32
    %ge3A_1440 = vector.broadcast %ge3A_1439 : i32 to vector<16xi32>
    %ge3A_1441 = arith.cmpi sge, %convert_element_type3A_1353, %ge3A_1440 : vector<16xi32>
    %ge3A_1442 = arith.constant 8 : i32
    %ge3A_1443 = vector.broadcast %ge3A_1442 : i32 to vector<16xi32>
    %ge3A_1444 = arith.cmpi sge, %convert_element_type3A_1353, %ge3A_1443 : vector<16xi32>
    %ge3A_1445 = arith.constant 9 : i32
    %ge3A_1446 = vector.broadcast %ge3A_1445 : i32 to vector<16xi32>
    %ge3A_1447 = arith.cmpi sge, %convert_element_type3A_1353, %ge3A_1446 : vector<16xi32>
    %ge3A_1448 = arith.constant 10 : i32
    %ge3A_1449 = vector.broadcast %ge3A_1448 : i32 to vector<16xi32>
    %ge3A_1450 = arith.cmpi sge, %convert_element_type3A_1353, %ge3A_1449 : vector<16xi32>
    %ge3A_1451 = arith.constant 11 : i32
    %ge3A_1452 = vector.broadcast %ge3A_1451 : i32 to vector<16xi32>
    %ge3A_1453 = arith.cmpi sge, %convert_element_type3A_1353, %ge3A_1452 : vector<16xi32>
    %ge3A_1454 = arith.constant 12 : i32
    %ge3A_1455 = vector.broadcast %ge3A_1454 : i32 to vector<16xi32>
    %ge3A_1456 = arith.cmpi sge, %convert_element_type3A_1353, %ge3A_1455 : vector<16xi32>
    %ge3A_1457 = arith.constant 13 : i32
    %ge3A_1458 = vector.broadcast %ge3A_1457 : i32 to vector<16xi32>
    %ge3A_1459 = arith.cmpi sge, %convert_element_type3A_1353, %ge3A_1458 : vector<16xi32>
    %ge3A_1460 = arith.constant 14 : i32
    %ge3A_1461 = vector.broadcast %ge3A_1460 : i32 to vector<16xi32>
    %ge3A_1462 = arith.cmpi sge, %convert_element_type3A_1353, %ge3A_1461 : vector<16xi32>
    %ge3A_1463 = arith.constant 15 : i32
    %ge3A_1464 = vector.broadcast %ge3A_1463 : i32 to vector<16xi32>
    %ge3A_1465 = arith.cmpi sge, %convert_element_type3A_1353, %ge3A_1464 : vector<16xi32>
    %broadcast_in_dim3A_1466 = arith.constant 0.000000e+00 : f32
    %broadcast_in_dim3A_1467 = vector.broadcast %broadcast_in_dim3A_1466 : f32 to vector<16xf32>
    %jit3A_1468 = arith.constant 0xFF800000 : f32
    %broadcast_in_dim3A_1469 = vector.broadcast %jit3A_1468 : f32 to vector<16xf32>
    %select_n3A_1470 = arith.select %ge3A_1420, %get3A_1357, %broadcast_in_dim3A_1469 : vector<16xi1>, vector<16xf32>
    %max3A_1471 = arith.maximumf %broadcast_in_dim3A_1467, %select_n3A_1470 : vector<16xf32>
    %jit3A_1472 = arith.constant 0xFF800000 : f32
    %broadcast_in_dim3A_1473 = vector.broadcast %jit3A_1472 : f32 to vector<16xf32>
    %select_n3A_1474 = arith.select %ge3A_1423, %get3A_1361, %broadcast_in_dim3A_1473 : vector<16xi1>, vector<16xf32>
    %max3A_1475 = arith.maximumf %max3A_1471, %select_n3A_1474 : vector<16xf32>
    %jit3A_1476 = arith.constant 0xFF800000 : f32
    %broadcast_in_dim3A_1477 = vector.broadcast %jit3A_1476 : f32 to vector<16xf32>
    %select_n3A_1478 = arith.select %ge3A_1426, %get3A_1365, %broadcast_in_dim3A_1477 : vector<16xi1>, vector<16xf32>
    %max3A_1479 = arith.maximumf %max3A_1475, %select_n3A_1478 : vector<16xf32>
    %jit3A_1480 = arith.constant 0xFF800000 : f32
    %broadcast_in_dim3A_1481 = vector.broadcast %jit3A_1480 : f32 to vector<16xf32>
    %select_n3A_1482 = arith.select %ge3A_1429, %get3A_1369, %broadcast_in_dim3A_1481 : vector<16xi1>, vector<16xf32>
    %max3A_1483 = arith.maximumf %max3A_1479, %select_n3A_1482 : vector<16xf32>
    %jit3A_1484 = arith.constant 0xFF800000 : f32
    %broadcast_in_dim3A_1485 = vector.broadcast %jit3A_1484 : f32 to vector<16xf32>
    %select_n3A_1486 = arith.select %ge3A_1432, %get3A_1373, %broadcast_in_dim3A_1485 : vector<16xi1>, vector<16xf32>
    %max3A_1487 = arith.maximumf %max3A_1483, %select_n3A_1486 : vector<16xf32>
    %jit3A_1488 = arith.constant 0xFF800000 : f32
    %broadcast_in_dim3A_1489 = vector.broadcast %jit3A_1488 : f32 to vector<16xf32>
    %select_n3A_1490 = arith.select %ge3A_1435, %get3A_1377, %broadcast_in_dim3A_1489 : vector<16xi1>, vector<16xf32>
    %max3A_1491 = arith.maximumf %max3A_1487, %select_n3A_1490 : vector<16xf32>
    %jit3A_1492 = arith.constant 0xFF800000 : f32
    %broadcast_in_dim3A_1493 = vector.broadcast %jit3A_1492 : f32 to vector<16xf32>
    %select_n3A_1494 = arith.select %ge3A_1438, %get3A_1381, %broadcast_in_dim3A_1493 : vector<16xi1>, vector<16xf32>
    %max3A_1495 = arith.maximumf %max3A_1491, %select_n3A_1494 : vector<16xf32>
    %jit3A_1496 = arith.constant 0xFF800000 : f32
    %broadcast_in_dim3A_1497 = vector.broadcast %jit3A_1496 : f32 to vector<16xf32>
    %select_n3A_1498 = arith.select %ge3A_1441, %get3A_1385, %broadcast_in_dim3A_1497 : vector<16xi1>, vector<16xf32>
    %max3A_1499 = arith.maximumf %max3A_1495, %select_n3A_1498 : vector<16xf32>
    %jit3A_1500 = arith.constant 0xFF800000 : f32
    %broadcast_in_dim3A_1501 = vector.broadcast %jit3A_1500 : f32 to vector<16xf32>
    %select_n3A_1502 = arith.select %ge3A_1444, %get3A_1389, %broadcast_in_dim3A_1501 : vector<16xi1>, vector<16xf32>
    %max3A_1503 = arith.maximumf %max3A_1499, %select_n3A_1502 : vector<16xf32>
    %jit3A_1504 = arith.constant 0xFF800000 : f32
    %broadcast_in_dim3A_1505 = vector.broadcast %jit3A_1504 : f32 to vector<16xf32>
    %select_n3A_1506 = arith.select %ge3A_1447, %get3A_1393, %broadcast_in_dim3A_1505 : vector<16xi1>, vector<16xf32>
    %max3A_1507 = arith.maximumf %max3A_1503, %select_n3A_1506 : vector<16xf32>
    %jit3A_1508 = arith.constant 0xFF800000 : f32
    %broadcast_in_dim3A_1509 = vector.broadcast %jit3A_1508 : f32 to vector<16xf32>
    %select_n3A_1510 = arith.select %ge3A_1450, %get3A_1397, %broadcast_in_dim3A_1509 : vector<16xi1>, vector<16xf32>
    %max3A_1511 = arith.maximumf %max3A_1507, %select_n3A_1510 : vector<16xf32>
    %jit3A_1512 = arith.constant 0xFF800000 : f32
    %broadcast_in_dim3A_1513 = vector.broadcast %jit3A_1512 : f32 to vector<16xf32>
    %select_n3A_1514 = arith.select %ge3A_1453, %get3A_1401, %broadcast_in_dim3A_1513 : vector<16xi1>, vector<16xf32>
    %max3A_1515 = arith.maximumf %max3A_1511, %select_n3A_1514 : vector<16xf32>
    %jit3A_1516 = arith.constant 0xFF800000 : f32
    %broadcast_in_dim3A_1517 = vector.broadcast %jit3A_1516 : f32 to vector<16xf32>
    %select_n3A_1518 = arith.select %ge3A_1456, %get3A_1405, %broadcast_in_dim3A_1517 : vector<16xi1>, vector<16xf32>
    %max3A_1519 = arith.maximumf %max3A_1515, %select_n3A_1518 : vector<16xf32>
    %jit3A_1520 = arith.constant 0xFF800000 : f32
    %broadcast_in_dim3A_1521 = vector.broadcast %jit3A_1520 : f32 to vector<16xf32>
    %select_n3A_1522 = arith.select %ge3A_1459, %get3A_1409, %broadcast_in_dim3A_1521 : vector<16xi1>, vector<16xf32>
    %max3A_1523 = arith.maximumf %max3A_1519, %select_n3A_1522 : vector<16xf32>
    %jit3A_1524 = arith.constant 0xFF800000 : f32
    %broadcast_in_dim3A_1525 = vector.broadcast %jit3A_1524 : f32 to vector<16xf32>
    %select_n3A_1526 = arith.select %ge3A_1462, %get3A_1413, %broadcast_in_dim3A_1525 : vector<16xi1>, vector<16xf32>
    %max3A_1527 = arith.maximumf %max3A_1523, %select_n3A_1526 : vector<16xf32>
    %jit3A_1528 = arith.constant 0xFF800000 : f32
    %broadcast_in_dim3A_1529 = vector.broadcast %jit3A_1528 : f32 to vector<16xf32>
    %select_n3A_1530 = arith.select %ge3A_1465, %get3A_1417, %broadcast_in_dim3A_1529 : vector<16xi1>, vector<16xf32>
    %max3A_1531 = arith.maximumf %max3A_1527, %select_n3A_1530 : vector<16xf32>
    %sub3A_1532 = arith.subf %get3A_1357, %max3A_1531 : vector<16xf32>
    %exp3A_1533 = math.exp %sub3A_1532 : vector<16xf32>
    %jit3A_1534 = arith.constant 0.000000e+00 : f32
    %broadcast_in_dim3A_1535 = vector.broadcast %jit3A_1534 : f32 to vector<16xf32>
    %select_n3A_1536 = arith.select %ge3A_1420, %exp3A_1533, %broadcast_in_dim3A_1535 : vector<16xi1>, vector<16xf32>
    %sub3A_1537 = arith.subf %get3A_1361, %max3A_1531 : vector<16xf32>
    %exp3A_1538 = math.exp %sub3A_1537 : vector<16xf32>
    %jit3A_1539 = arith.constant 0.000000e+00 : f32
    %broadcast_in_dim3A_1540 = vector.broadcast %jit3A_1539 : f32 to vector<16xf32>
    %select_n3A_1541 = arith.select %ge3A_1423, %exp3A_1538, %broadcast_in_dim3A_1540 : vector<16xi1>, vector<16xf32>
    %sub3A_1542 = arith.subf %get3A_1365, %max3A_1531 : vector<16xf32>
    %exp3A_1543 = math.exp %sub3A_1542 : vector<16xf32>
    %jit3A_1544 = arith.constant 0.000000e+00 : f32
    %broadcast_in_dim3A_1545 = vector.broadcast %jit3A_1544 : f32 to vector<16xf32>
    %select_n3A_1546 = arith.select %ge3A_1426, %exp3A_1543, %broadcast_in_dim3A_1545 : vector<16xi1>, vector<16xf32>
    %sub3A_1547 = arith.subf %get3A_1369, %max3A_1531 : vector<16xf32>
    %exp3A_1548 = math.exp %sub3A_1547 : vector<16xf32>
    %jit3A_1549 = arith.constant 0.000000e+00 : f32
    %broadcast_in_dim3A_1550 = vector.broadcast %jit3A_1549 : f32 to vector<16xf32>
    %select_n3A_1551 = arith.select %ge3A_1429, %exp3A_1548, %broadcast_in_dim3A_1550 : vector<16xi1>, vector<16xf32>
    %sub3A_1552 = arith.subf %get3A_1373, %max3A_1531 : vector<16xf32>
    %exp3A_1553 = math.exp %sub3A_1552 : vector<16xf32>
    %jit3A_1554 = arith.constant 0.000000e+00 : f32
    %broadcast_in_dim3A_1555 = vector.broadcast %jit3A_1554 : f32 to vector<16xf32>
    %select_n3A_1556 = arith.select %ge3A_1432, %exp3A_1553, %broadcast_in_dim3A_1555 : vector<16xi1>, vector<16xf32>
    %sub3A_1557 = arith.subf %get3A_1377, %max3A_1531 : vector<16xf32>
    %exp3A_1558 = math.exp %sub3A_1557 : vector<16xf32>
    %jit3A_1559 = arith.constant 0.000000e+00 : f32
    %broadcast_in_dim3A_1560 = vector.broadcast %jit3A_1559 : f32 to vector<16xf32>
    %select_n3A_1561 = arith.select %ge3A_1435, %exp3A_1558, %broadcast_in_dim3A_1560 : vector<16xi1>, vector<16xf32>
    %sub3A_1562 = arith.subf %get3A_1381, %max3A_1531 : vector<16xf32>
    %exp3A_1563 = math.exp %sub3A_1562 : vector<16xf32>
    %jit3A_1564 = arith.constant 0.000000e+00 : f32
    %broadcast_in_dim3A_1565 = vector.broadcast %jit3A_1564 : f32 to vector<16xf32>
    %select_n3A_1566 = arith.select %ge3A_1438, %exp3A_1563, %broadcast_in_dim3A_1565 : vector<16xi1>, vector<16xf32>
    %sub3A_1567 = arith.subf %get3A_1385, %max3A_1531 : vector<16xf32>
    %exp3A_1568 = math.exp %sub3A_1567 : vector<16xf32>
    %jit3A_1569 = arith.constant 0.000000e+00 : f32
    %broadcast_in_dim3A_1570 = vector.broadcast %jit3A_1569 : f32 to vector<16xf32>
    %select_n3A_1571 = arith.select %ge3A_1441, %exp3A_1568, %broadcast_in_dim3A_1570 : vector<16xi1>, vector<16xf32>
    %sub3A_1572 = arith.subf %get3A_1389, %max3A_1531 : vector<16xf32>
    %exp3A_1573 = math.exp %sub3A_1572 : vector<16xf32>
    %jit3A_1574 = arith.constant 0.000000e+00 : f32
    %broadcast_in_dim3A_1575 = vector.broadcast %jit3A_1574 : f32 to vector<16xf32>
    %select_n3A_1576 = arith.select %ge3A_1444, %exp3A_1573, %broadcast_in_dim3A_1575 : vector<16xi1>, vector<16xf32>
    %sub3A_1577 = arith.subf %get3A_1393, %max3A_1531 : vector<16xf32>
    %exp3A_1578 = math.exp %sub3A_1577 : vector<16xf32>
    %jit3A_1579 = arith.constant 0.000000e+00 : f32
    %broadcast_in_dim3A_1580 = vector.broadcast %jit3A_1579 : f32 to vector<16xf32>
    %select_n3A_1581 = arith.select %ge3A_1447, %exp3A_1578, %broadcast_in_dim3A_1580 : vector<16xi1>, vector<16xf32>
    %sub3A_1582 = arith.subf %get3A_1397, %max3A_1531 : vector<16xf32>
    %exp3A_1583 = math.exp %sub3A_1582 : vector<16xf32>
    %jit3A_1584 = arith.constant 0.000000e+00 : f32
    %broadcast_in_dim3A_1585 = vector.broadcast %jit3A_1584 : f32 to vector<16xf32>
    %select_n3A_1586 = arith.select %ge3A_1450, %exp3A_1583, %broadcast_in_dim3A_1585 : vector<16xi1>, vector<16xf32>
    %sub3A_1587 = arith.subf %get3A_1401, %max3A_1531 : vector<16xf32>
    %exp3A_1588 = math.exp %sub3A_1587 : vector<16xf32>
    %jit3A_1589 = arith.constant 0.000000e+00 : f32
    %broadcast_in_dim3A_1590 = vector.broadcast %jit3A_1589 : f32 to vector<16xf32>
    %select_n3A_1591 = arith.select %ge3A_1453, %exp3A_1588, %broadcast_in_dim3A_1590 : vector<16xi1>, vector<16xf32>
    %sub3A_1592 = arith.subf %get3A_1405, %max3A_1531 : vector<16xf32>
    %exp3A_1593 = math.exp %sub3A_1592 : vector<16xf32>
    %jit3A_1594 = arith.constant 0.000000e+00 : f32
    %broadcast_in_dim3A_1595 = vector.broadcast %jit3A_1594 : f32 to vector<16xf32>
    %select_n3A_1596 = arith.select %ge3A_1456, %exp3A_1593, %broadcast_in_dim3A_1595 : vector<16xi1>, vector<16xf32>
    %sub3A_1597 = arith.subf %get3A_1409, %max3A_1531 : vector<16xf32>
    %exp3A_1598 = math.exp %sub3A_1597 : vector<16xf32>
    %jit3A_1599 = arith.constant 0.000000e+00 : f32
    %broadcast_in_dim3A_1600 = vector.broadcast %jit3A_1599 : f32 to vector<16xf32>
    %select_n3A_1601 = arith.select %ge3A_1459, %exp3A_1598, %broadcast_in_dim3A_1600 : vector<16xi1>, vector<16xf32>
    %sub3A_1602 = arith.subf %get3A_1413, %max3A_1531 : vector<16xf32>
    %exp3A_1603 = math.exp %sub3A_1602 : vector<16xf32>
    %jit3A_1604 = arith.constant 0.000000e+00 : f32
    %broadcast_in_dim3A_1605 = vector.broadcast %jit3A_1604 : f32 to vector<16xf32>
    %select_n3A_1606 = arith.select %ge3A_1462, %exp3A_1603, %broadcast_in_dim3A_1605 : vector<16xi1>, vector<16xf32>
    %sub3A_1607 = arith.subf %get3A_1417, %max3A_1531 : vector<16xf32>
    %exp3A_1608 = math.exp %sub3A_1607 : vector<16xf32>
    %jit3A_1609 = arith.constant 0.000000e+00 : f32
    %broadcast_in_dim3A_1610 = vector.broadcast %jit3A_1609 : f32 to vector<16xf32>
    %select_n3A_1611 = arith.select %ge3A_1465, %exp3A_1608, %broadcast_in_dim3A_1610 : vector<16xi1>, vector<16xf32>
    %broadcast_in_dim3A_1612 = arith.constant 0.000000e+00 : f32
    %broadcast_in_dim3A_1613 = vector.broadcast %broadcast_in_dim3A_1612 : f32 to vector<16xf32>
    %sub3A_1614 = arith.subf %broadcast_in_dim3A_1613, %max3A_1531 : vector<16xf32>
    %exp3A_1615 = math.exp %sub3A_1614 : vector<16xf32>
    %sub3A_1616 = arith.constant 3.000000e+01 : f32
    %sub3A_1617 = vector.broadcast %sub3A_1616 : f32 to vector<16xf32>
    %sub3A_1618 = arith.subf %sub3A_1617, %max3A_1352 : vector<16xf32>
    %mul3A_1619 = arith.mulf %sub3A_1618, %exp3A_1615 : vector<16xf32>
    %add3A_1620 = arith.addf %mul3A_1619, %select_n3A_1536 : vector<16xf32>
    %add3A_1621 = arith.addf %add3A_1620, %select_n3A_1541 : vector<16xf32>
    %add3A_1622 = arith.addf %add3A_1621, %select_n3A_1546 : vector<16xf32>
    %add3A_1623 = arith.addf %add3A_1622, %select_n3A_1551 : vector<16xf32>
    %add3A_1624 = arith.addf %add3A_1623, %select_n3A_1556 : vector<16xf32>
    %add3A_1625 = arith.addf %add3A_1624, %select_n3A_1561 : vector<16xf32>
    %add3A_1626 = arith.addf %add3A_1625, %select_n3A_1566 : vector<16xf32>
    %add3A_1627 = arith.addf %add3A_1626, %select_n3A_1571 : vector<16xf32>
    %add3A_1628 = arith.addf %add3A_1627, %select_n3A_1576 : vector<16xf32>
    %add3A_1629 = arith.addf %add3A_1628, %select_n3A_1581 : vector<16xf32>
    %add3A_1630 = arith.addf %add3A_1629, %select_n3A_1586 : vector<16xf32>
    %add3A_1631 = arith.addf %add3A_1630, %select_n3A_1591 : vector<16xf32>
    %add3A_1632 = arith.addf %add3A_1631, %select_n3A_1596 : vector<16xf32>
    %add3A_1633 = arith.addf %add3A_1632, %select_n3A_1601 : vector<16xf32>
    %add3A_1634 = arith.addf %add3A_1633, %select_n3A_1606 : vector<16xf32>
    %add3A_1635 = arith.addf %add3A_1634, %select_n3A_1611 : vector<16xf32>
    %div3A_1636 = arith.divf %exp3A_1615, %add3A_1635 : vector<16xf32>
    %mul3A_1637 = arith.mulf %sub3A_1618, %div3A_1636 : vector<16xf32>
    %div3A_1638 = arith.divf %select_n3A_1536, %add3A_1635 : vector<16xf32>
    %add3A_1639 = arith.addf %mul3A_1637, %div3A_1638 : vector<16xf32>
    %div3A_1640 = arith.divf %select_n3A_1541, %add3A_1635 : vector<16xf32>
    %add3A_1641 = arith.addf %add3A_1639, %div3A_1640 : vector<16xf32>
    %div3A_1642 = arith.divf %select_n3A_1546, %add3A_1635 : vector<16xf32>
    %add3A_1643 = arith.addf %add3A_1641, %div3A_1642 : vector<16xf32>
    %div3A_1644 = arith.divf %select_n3A_1551, %add3A_1635 : vector<16xf32>
    %add3A_1645 = arith.addf %add3A_1643, %div3A_1644 : vector<16xf32>
    %div3A_1646 = arith.divf %select_n3A_1556, %add3A_1635 : vector<16xf32>
    %add3A_1647 = arith.addf %add3A_1645, %div3A_1646 : vector<16xf32>
    %div3A_1648 = arith.divf %select_n3A_1561, %add3A_1635 : vector<16xf32>
    %add3A_1649 = arith.addf %add3A_1647, %div3A_1648 : vector<16xf32>
    %div3A_1650 = arith.divf %select_n3A_1566, %add3A_1635 : vector<16xf32>
    %add3A_1651 = arith.addf %add3A_1649, %div3A_1650 : vector<16xf32>
    %div3A_1652 = arith.divf %select_n3A_1571, %add3A_1635 : vector<16xf32>
    %add3A_1653 = arith.addf %add3A_1651, %div3A_1652 : vector<16xf32>
    %div3A_1654 = arith.divf %select_n3A_1576, %add3A_1635 : vector<16xf32>
    %add3A_1655 = arith.addf %add3A_1653, %div3A_1654 : vector<16xf32>
    %div3A_1656 = arith.divf %select_n3A_1581, %add3A_1635 : vector<16xf32>
    %add3A_1657 = arith.addf %add3A_1655, %div3A_1656 : vector<16xf32>
    %div3A_1658 = arith.divf %select_n3A_1586, %add3A_1635 : vector<16xf32>
    %add3A_1659 = arith.addf %add3A_1657, %div3A_1658 : vector<16xf32>
    %div3A_1660 = arith.divf %select_n3A_1591, %add3A_1635 : vector<16xf32>
    %add3A_1661 = arith.addf %add3A_1659, %div3A_1660 : vector<16xf32>
    %div3A_1662 = arith.divf %select_n3A_1596, %add3A_1635 : vector<16xf32>
    %add3A_1663 = arith.addf %add3A_1661, %div3A_1662 : vector<16xf32>
    %div3A_1664 = arith.divf %select_n3A_1601, %add3A_1635 : vector<16xf32>
    %add3A_1665 = arith.addf %add3A_1663, %div3A_1664 : vector<16xf32>
    %div3A_1666 = arith.divf %select_n3A_1606, %add3A_1635 : vector<16xf32>
    %add3A_1667 = arith.addf %add3A_1665, %div3A_1666 : vector<16xf32>
    %div3A_1668 = arith.divf %select_n3A_1611, %add3A_1635 : vector<16xf32>
    %add3A_1669 = arith.addf %add3A_1667, %div3A_1668 : vector<16xf32>
    %swap3A_1670 = arith.constant 64 : index
    %swap3A_1671 = tpu.vector_load %arg7[%swap3A_1670] {strides = array<i32>} : memref<128xf32, #tpu.memory_space<vmem>>, vector<16xf32>,
    tpu.vector_store %arg7[%swap3A_1670], %add3A_1669 {strides = array<i32>} : memref<128xf32, #tpu.memory_space<vmem>>, vector<16xf32>,
    %add3A_1672 = arith.constant 160 : i32
    %add3A_1673 = vector.broadcast %add3A_1672 : i32 to vector<16xi32>
    %add3A_1674 = arith.addi %mul3A_29, %add3A_1673 : vector<16xi32>
    %gather3A_1675 = tpu.vector_load_idx %arg6[%add3A_1674] : memref<256xf32, #tpu.memory_space<vmem>>[vector<16xi32>], vector<16xf32>,
    %add3A_1676 = arith.constant 161 : i32
    %add3A_1677 = vector.broadcast %add3A_1676 : i32 to vector<16xi32>
    %add3A_1678 = arith.addi %mul3A_29, %add3A_1677 : vector<16xi32>
    %gather3A_1679 = tpu.vector_load_idx %arg6[%add3A_1678] : memref<256xf32, #tpu.memory_space<vmem>>[vector<16xi32>], vector<16xf32>,
    %neg3A_1680 = arith.constant 0.000000e+00 : f32
    %neg3A_1681 = vector.broadcast %neg3A_1680 : f32 to vector<16xf32>
    %neg3A_1682 = arith.subf %neg3A_1681, %gather3A_1679 : vector<16xf32>
    %max3A_1683 = arith.maximumf %gather3A_1675, %neg3A_1682 : vector<16xf32>
    %convert_element_type3A_1684 = arith.fptosi %max3A_1683 : vector<16xf32> to vector<16xi32>
    %get3A_1685 = arith.constant 0 : i32
    %get3A_1686 = arith.index_cast %get3A_1685 : i32 to index
    %get3A_1687 = arith.constant 80 : index
    %get3A_1688 = tpu.vector_load %arg5[%get3A_1686, %get3A_1687] {strides = array<i32>} : memref<16x128xf32, #tpu.memory_space<vmem>>, vector<16xf32>,
    %get3A_1689 = arith.constant 1 : i32
    %get3A_1690 = arith.index_cast %get3A_1689 : i32 to index
    %get3A_1691 = arith.constant 80 : index
    %get3A_1692 = tpu.vector_load %arg5[%get3A_1690, %get3A_1691] {strides = array<i32>} : memref<16x128xf32, #tpu.memory_space<vmem>>, vector<16xf32>,
    %get3A_1693 = arith.constant 2 : i32
    %get3A_1694 = arith.index_cast %get3A_1693 : i32 to index
    %get3A_1695 = arith.constant 80 : index
    %get3A_1696 = tpu.vector_load %arg5[%get3A_1694, %get3A_1695] {strides = array<i32>} : memref<16x128xf32, #tpu.memory_space<vmem>>, vector<16xf32>,
    %get3A_1697 = arith.constant 3 : i32
    %get3A_1698 = arith.index_cast %get3A_1697 : i32 to index
    %get3A_1699 = arith.constant 80 : index
    %get3A_1700 = tpu.vector_load %arg5[%get3A_1698, %get3A_1699] {strides = array<i32>} : memref<16x128xf32, #tpu.memory_space<vmem>>, vector<16xf32>,
    %get3A_1701 = arith.constant 4 : i32
    %get3A_1702 = arith.index_cast %get3A_1701 : i32 to index
    %get3A_1703 = arith.constant 80 : index
    %get3A_1704 = tpu.vector_load %arg5[%get3A_1702, %get3A_1703] {strides = array<i32>} : memref<16x128xf32, #tpu.memory_space<vmem>>, vector<16xf32>,
    %get3A_1705 = arith.constant 5 : i32
    %get3A_1706 = arith.index_cast %get3A_1705 : i32 to index
    %get3A_1707 = arith.constant 80 : index
    %get3A_1708 = tpu.vector_load %arg5[%get3A_1706, %get3A_1707] {strides = array<i32>} : memref<16x128xf32, #tpu.memory_space<vmem>>, vector<16xf32>,
    %get3A_1709 = arith.constant 6 : i32
    %get3A_1710 = arith.index_cast %get3A_1709 : i32 to index
    %get3A_1711 = arith.constant 80 : index
    %get3A_1712 = tpu.vector_load %arg5[%get3A_1710, %get3A_1711] {strides = array<i32>} : memref<16x128xf32, #tpu.memory_space<vmem>>, vector<16xf32>,
    %get3A_1713 = arith.constant 7 : i32
    %get3A_1714 = arith.index_cast %get3A_1713 : i32 to index
    %get3A_1715 = arith.constant 80 : index
    %get3A_1716 = tpu.vector_load %arg5[%get3A_1714, %get3A_1715] {strides = array<i32>} : memref<16x128xf32, #tpu.memory_space<vmem>>, vector<16xf32>,
    %get3A_1717 = arith.constant 8 : i32
    %get3A_1718 = arith.index_cast %get3A_1717 : i32 to index
    %get3A_1719 = arith.constant 80 : index
    %get3A_1720 = tpu.vector_load %arg5[%get3A_1718, %get3A_1719] {strides = array<i32>} : memref<16x128xf32, #tpu.memory_space<vmem>>, vector<16xf32>,
    %get3A_1721 = arith.constant 9 : i32
    %get3A_1722 = arith.index_cast %get3A_1721 : i32 to index
    %get3A_1723 = arith.constant 80 : index
    %get3A_1724 = tpu.vector_load %arg5[%get3A_1722, %get3A_1723] {strides = array<i32>} : memref<16x128xf32, #tpu.memory_space<vmem>>, vector<16xf32>,
    %get3A_1725 = arith.constant 10 : i32
    %get3A_1726 = arith.index_cast %get3A_1725 : i32 to index
    %get3A_1727 = arith.constant 80 : index
    %get3A_1728 = tpu.vector_load %arg5[%get3A_1726, %get3A_1727] {strides = array<i32>} : memref<16x128xf32, #tpu.memory_space<vmem>>, vector<16xf32>,
    %get3A_1729 = arith.constant 11 : i32
    %get3A_1730 = arith.index_cast %get3A_1729 : i32 to index
    %get3A_1731 = arith.constant 80 : index
    %get3A_1732 = tpu.vector_load %arg5[%get3A_1730, %get3A_1731] {strides = array<i32>} : memref<16x128xf32, #tpu.memory_space<vmem>>, vector<16xf32>,
    %get3A_1733 = arith.constant 12 : i32
    %get3A_1734 = arith.index_cast %get3A_1733 : i32 to index
    %get3A_1735 = arith.constant 80 : index
    %get3A_1736 = tpu.vector_load %arg5[%get3A_1734, %get3A_1735] {strides = array<i32>} : memref<16x128xf32, #tpu.memory_space<vmem>>, vector<16xf32>,
    %get3A_1737 = arith.constant 13 : i32
    %get3A_1738 = arith.index_cast %get3A_1737 : i32 to index
    %get3A_1739 = arith.constant 80 : index
    %get3A_1740 = tpu.vector_load %arg5[%get3A_1738, %get3A_1739] {strides = array<i32>} : memref<16x128xf32, #tpu.memory_space<vmem>>, vector<16xf32>,
    %get3A_1741 = arith.constant 14 : i32
    %get3A_1742 = arith.index_cast %get3A_1741 : i32 to index
    %get3A_1743 = arith.constant 80 : index
    %get3A_1744 = tpu.vector_load %arg5[%get3A_1742, %get3A_1743] {strides = array<i32>} : memref<16x128xf32, #tpu.memory_space<vmem>>, vector<16xf32>,
    %get3A_1745 = arith.constant 15 : i32
    %get3A_1746 = arith.index_cast %get3A_1745 : i32 to index
    %get3A_1747 = arith.constant 80 : index
    %get3A_1748 = tpu.vector_load %arg5[%get3A_1746, %get3A_1747] {strides = array<i32>} : memref<16x128xf32, #tpu.memory_space<vmem>>, vector<16xf32>,
    %ge3A_1749 = arith.constant 0 : i32
    %ge3A_1750 = vector.broadcast %ge3A_1749 : i32 to vector<16xi32>
    %ge3A_1751 = arith.cmpi sge, %convert_element_type3A_1684, %ge3A_1750 : vector<16xi32>
    %ge3A_1752 = arith.constant 1 : i32
    %ge3A_1753 = vector.broadcast %ge3A_1752 : i32 to vector<16xi32>
    %ge3A_1754 = arith.cmpi sge, %convert_element_type3A_1684, %ge3A_1753 : vector<16xi32>
    %ge3A_1755 = arith.constant 2 : i32
    %ge3A_1756 = vector.broadcast %ge3A_1755 : i32 to vector<16xi32>
    %ge3A_1757 = arith.cmpi sge, %convert_element_type3A_1684, %ge3A_1756 : vector<16xi32>
    %ge3A_1758 = arith.constant 3 : i32
    %ge3A_1759 = vector.broadcast %ge3A_1758 : i32 to vector<16xi32>
    %ge3A_1760 = arith.cmpi sge, %convert_element_type3A_1684, %ge3A_1759 : vector<16xi32>
    %ge3A_1761 = arith.constant 4 : i32
    %ge3A_1762 = vector.broadcast %ge3A_1761 : i32 to vector<16xi32>
    %ge3A_1763 = arith.cmpi sge, %convert_element_type3A_1684, %ge3A_1762 : vector<16xi32>
    %ge3A_1764 = arith.constant 5 : i32
    %ge3A_1765 = vector.broadcast %ge3A_1764 : i32 to vector<16xi32>
    %ge3A_1766 = arith.cmpi sge, %convert_element_type3A_1684, %ge3A_1765 : vector<16xi32>
    %ge3A_1767 = arith.constant 6 : i32
    %ge3A_1768 = vector.broadcast %ge3A_1767 : i32 to vector<16xi32>
    %ge3A_1769 = arith.cmpi sge, %convert_element_type3A_1684, %ge3A_1768 : vector<16xi32>
    %ge3A_1770 = arith.constant 7 : i32
    %ge3A_1771 = vector.broadcast %ge3A_1770 : i32 to vector<16xi32>
    %ge3A_1772 = arith.cmpi sge, %convert_element_type3A_1684, %ge3A_1771 : vector<16xi32>
    %ge3A_1773 = arith.constant 8 : i32
    %ge3A_1774 = vector.broadcast %ge3A_1773 : i32 to vector<16xi32>
    %ge3A_1775 = arith.cmpi sge, %convert_element_type3A_1684, %ge3A_1774 : vector<16xi32>
    %ge3A_1776 = arith.constant 9 : i32
    %ge3A_1777 = vector.broadcast %ge3A_1776 : i32 to vector<16xi32>
    %ge3A_1778 = arith.cmpi sge, %convert_element_type3A_1684, %ge3A_1777 : vector<16xi32>
    %ge3A_1779 = arith.constant 10 : i32
    %ge3A_1780 = vector.broadcast %ge3A_1779 : i32 to vector<16xi32>
    %ge3A_1781 = arith.cmpi sge, %convert_element_type3A_1684, %ge3A_1780 : vector<16xi32>
    %ge3A_1782 = arith.constant 11 : i32
    %ge3A_1783 = vector.broadcast %ge3A_1782 : i32 to vector<16xi32>
    %ge3A_1784 = arith.cmpi sge, %convert_element_type3A_1684, %ge3A_1783 : vector<16xi32>
    %ge3A_1785 = arith.constant 12 : i32
    %ge3A_1786 = vector.broadcast %ge3A_1785 : i32 to vector<16xi32>
    %ge3A_1787 = arith.cmpi sge, %convert_element_type3A_1684, %ge3A_1786 : vector<16xi32>
    %ge3A_1788 = arith.constant 13 : i32
    %ge3A_1789 = vector.broadcast %ge3A_1788 : i32 to vector<16xi32>
    %ge3A_1790 = arith.cmpi sge, %convert_element_type3A_1684, %ge3A_1789 : vector<16xi32>
    %ge3A_1791 = arith.constant 14 : i32
    %ge3A_1792 = vector.broadcast %ge3A_1791 : i32 to vector<16xi32>
    %ge3A_1793 = arith.cmpi sge, %convert_element_type3A_1684, %ge3A_1792 : vector<16xi32>
    %ge3A_1794 = arith.constant 15 : i32
    %ge3A_1795 = vector.broadcast %ge3A_1794 : i32 to vector<16xi32>
    %ge3A_1796 = arith.cmpi sge, %convert_element_type3A_1684, %ge3A_1795 : vector<16xi32>
    %broadcast_in_dim3A_1797 = arith.constant 0.000000e+00 : f32
    %broadcast_in_dim3A_1798 = vector.broadcast %broadcast_in_dim3A_1797 : f32 to vector<16xf32>
    %jit3A_1799 = arith.constant 0xFF800000 : f32
    %broadcast_in_dim3A_1800 = vector.broadcast %jit3A_1799 : f32 to vector<16xf32>
    %select_n3A_1801 = arith.select %ge3A_1751, %get3A_1688, %broadcast_in_dim3A_1800 : vector<16xi1>, vector<16xf32>
    %max3A_1802 = arith.maximumf %broadcast_in_dim3A_1798, %select_n3A_1801 : vector<16xf32>
    %jit3A_1803 = arith.constant 0xFF800000 : f32
    %broadcast_in_dim3A_1804 = vector.broadcast %jit3A_1803 : f32 to vector<16xf32>
    %select_n3A_1805 = arith.select %ge3A_1754, %get3A_1692, %broadcast_in_dim3A_1804 : vector<16xi1>, vector<16xf32>
    %max3A_1806 = arith.maximumf %max3A_1802, %select_n3A_1805 : vector<16xf32>
    %jit3A_1807 = arith.constant 0xFF800000 : f32
    %broadcast_in_dim3A_1808 = vector.broadcast %jit3A_1807 : f32 to vector<16xf32>
    %select_n3A_1809 = arith.select %ge3A_1757, %get3A_1696, %broadcast_in_dim3A_1808 : vector<16xi1>, vector<16xf32>
    %max3A_1810 = arith.maximumf %max3A_1806, %select_n3A_1809 : vector<16xf32>
    %jit3A_1811 = arith.constant 0xFF800000 : f32
    %broadcast_in_dim3A_1812 = vector.broadcast %jit3A_1811 : f32 to vector<16xf32>
    %select_n3A_1813 = arith.select %ge3A_1760, %get3A_1700, %broadcast_in_dim3A_1812 : vector<16xi1>, vector<16xf32>
    %max3A_1814 = arith.maximumf %max3A_1810, %select_n3A_1813 : vector<16xf32>
    %jit3A_1815 = arith.constant 0xFF800000 : f32
    %broadcast_in_dim3A_1816 = vector.broadcast %jit3A_1815 : f32 to vector<16xf32>
    %select_n3A_1817 = arith.select %ge3A_1763, %get3A_1704, %broadcast_in_dim3A_1816 : vector<16xi1>, vector<16xf32>
    %max3A_1818 = arith.maximumf %max3A_1814, %select_n3A_1817 : vector<16xf32>
    %jit3A_1819 = arith.constant 0xFF800000 : f32
    %broadcast_in_dim3A_1820 = vector.broadcast %jit3A_1819 : f32 to vector<16xf32>
    %select_n3A_1821 = arith.select %ge3A_1766, %get3A_1708, %broadcast_in_dim3A_1820 : vector<16xi1>, vector<16xf32>
    %max3A_1822 = arith.maximumf %max3A_1818, %select_n3A_1821 : vector<16xf32>
    %jit3A_1823 = arith.constant 0xFF800000 : f32
    %broadcast_in_dim3A_1824 = vector.broadcast %jit3A_1823 : f32 to vector<16xf32>
    %select_n3A_1825 = arith.select %ge3A_1769, %get3A_1712, %broadcast_in_dim3A_1824 : vector<16xi1>, vector<16xf32>
    %max3A_1826 = arith.maximumf %max3A_1822, %select_n3A_1825 : vector<16xf32>
    %jit3A_1827 = arith.constant 0xFF800000 : f32
    %broadcast_in_dim3A_1828 = vector.broadcast %jit3A_1827 : f32 to vector<16xf32>
    %select_n3A_1829 = arith.select %ge3A_1772, %get3A_1716, %broadcast_in_dim3A_1828 : vector<16xi1>, vector<16xf32>
    %max3A_1830 = arith.maximumf %max3A_1826, %select_n3A_1829 : vector<16xf32>
    %jit3A_1831 = arith.constant 0xFF800000 : f32
    %broadcast_in_dim3A_1832 = vector.broadcast %jit3A_1831 : f32 to vector<16xf32>
    %select_n3A_1833 = arith.select %ge3A_1775, %get3A_1720, %broadcast_in_dim3A_1832 : vector<16xi1>, vector<16xf32>
    %max3A_1834 = arith.maximumf %max3A_1830, %select_n3A_1833 : vector<16xf32>
    %jit3A_1835 = arith.constant 0xFF800000 : f32
    %broadcast_in_dim3A_1836 = vector.broadcast %jit3A_1835 : f32 to vector<16xf32>
    %select_n3A_1837 = arith.select %ge3A_1778, %get3A_1724, %broadcast_in_dim3A_1836 : vector<16xi1>, vector<16xf32>
    %max3A_1838 = arith.maximumf %max3A_1834, %select_n3A_1837 : vector<16xf32>
    %jit3A_1839 = arith.constant 0xFF800000 : f32
    %broadcast_in_dim3A_1840 = vector.broadcast %jit3A_1839 : f32 to vector<16xf32>
    %select_n3A_1841 = arith.select %ge3A_1781, %get3A_1728, %broadcast_in_dim3A_1840 : vector<16xi1>, vector<16xf32>
    %max3A_1842 = arith.maximumf %max3A_1838, %select_n3A_1841 : vector<16xf32>
    %jit3A_1843 = arith.constant 0xFF800000 : f32
    %broadcast_in_dim3A_1844 = vector.broadcast %jit3A_1843 : f32 to vector<16xf32>
    %select_n3A_1845 = arith.select %ge3A_1784, %get3A_1732, %broadcast_in_dim3A_1844 : vector<16xi1>, vector<16xf32>
    %max3A_1846 = arith.maximumf %max3A_1842, %select_n3A_1845 : vector<16xf32>
    %jit3A_1847 = arith.constant 0xFF800000 : f32
    %broadcast_in_dim3A_1848 = vector.broadcast %jit3A_1847 : f32 to vector<16xf32>
    %select_n3A_1849 = arith.select %ge3A_1787, %get3A_1736, %broadcast_in_dim3A_1848 : vector<16xi1>, vector<16xf32>
    %max3A_1850 = arith.maximumf %max3A_1846, %select_n3A_1849 : vector<16xf32>
    %jit3A_1851 = arith.constant 0xFF800000 : f32
    %broadcast_in_dim3A_1852 = vector.broadcast %jit3A_1851 : f32 to vector<16xf32>
    %select_n3A_1853 = arith.select %ge3A_1790, %get3A_1740, %broadcast_in_dim3A_1852 : vector<16xi1>, vector<16xf32>
    %max3A_1854 = arith.maximumf %max3A_1850, %select_n3A_1853 : vector<16xf32>
    %jit3A_1855 = arith.constant 0xFF800000 : f32
    %broadcast_in_dim3A_1856 = vector.broadcast %jit3A_1855 : f32 to vector<16xf32>
    %select_n3A_1857 = arith.select %ge3A_1793, %get3A_1744, %broadcast_in_dim3A_1856 : vector<16xi1>, vector<16xf32>
    %max3A_1858 = arith.maximumf %max3A_1854, %select_n3A_1857 : vector<16xf32>
    %jit3A_1859 = arith.constant 0xFF800000 : f32
    %broadcast_in_dim3A_1860 = vector.broadcast %jit3A_1859 : f32 to vector<16xf32>
    %select_n3A_1861 = arith.select %ge3A_1796, %get3A_1748, %broadcast_in_dim3A_1860 : vector<16xi1>, vector<16xf32>
    %max3A_1862 = arith.maximumf %max3A_1858, %select_n3A_1861 : vector<16xf32>
    %sub3A_1863 = arith.subf %get3A_1688, %max3A_1862 : vector<16xf32>
    %exp3A_1864 = math.exp %sub3A_1863 : vector<16xf32>
    %jit3A_1865 = arith.constant 0.000000e+00 : f32
    %broadcast_in_dim3A_1866 = vector.broadcast %jit3A_1865 : f32 to vector<16xf32>
    %select_n3A_1867 = arith.select %ge3A_1751, %exp3A_1864, %broadcast_in_dim3A_1866 : vector<16xi1>, vector<16xf32>
    %sub3A_1868 = arith.subf %get3A_1692, %max3A_1862 : vector<16xf32>
    %exp3A_1869 = math.exp %sub3A_1868 : vector<16xf32>
    %jit3A_1870 = arith.constant 0.000000e+00 : f32
    %broadcast_in_dim3A_1871 = vector.broadcast %jit3A_1870 : f32 to vector<16xf32>
    %select_n3A_1872 = arith.select %ge3A_1754, %exp3A_1869, %broadcast_in_dim3A_1871 : vector<16xi1>, vector<16xf32>
    %sub3A_1873 = arith.subf %get3A_1696, %max3A_1862 : vector<16xf32>
    %exp3A_1874 = math.exp %sub3A_1873 : vector<16xf32>
    %jit3A_1875 = arith.constant 0.000000e+00 : f32
    %broadcast_in_dim3A_1876 = vector.broadcast %jit3A_1875 : f32 to vector<16xf32>
    %select_n3A_1877 = arith.select %ge3A_1757, %exp3A_1874, %broadcast_in_dim3A_1876 : vector<16xi1>, vector<16xf32>
    %sub3A_1878 = arith.subf %get3A_1700, %max3A_1862 : vector<16xf32>
    %exp3A_1879 = math.exp %sub3A_1878 : vector<16xf32>
    %jit3A_1880 = arith.constant 0.000000e+00 : f32
    %broadcast_in_dim3A_1881 = vector.broadcast %jit3A_1880 : f32 to vector<16xf32>
    %select_n3A_1882 = arith.select %ge3A_1760, %exp3A_1879, %broadcast_in_dim3A_1881 : vector<16xi1>, vector<16xf32>
    %sub3A_1883 = arith.subf %get3A_1704, %max3A_1862 : vector<16xf32>
    %exp3A_1884 = math.exp %sub3A_1883 : vector<16xf32>
    %jit3A_1885 = arith.constant 0.000000e+00 : f32
    %broadcast_in_dim3A_1886 = vector.broadcast %jit3A_1885 : f32 to vector<16xf32>
    %select_n3A_1887 = arith.select %ge3A_1763, %exp3A_1884, %broadcast_in_dim3A_1886 : vector<16xi1>, vector<16xf32>
    %sub3A_1888 = arith.subf %get3A_1708, %max3A_1862 : vector<16xf32>
    %exp3A_1889 = math.exp %sub3A_1888 : vector<16xf32>
    %jit3A_1890 = arith.constant 0.000000e+00 : f32
    %broadcast_in_dim3A_1891 = vector.broadcast %jit3A_1890 : f32 to vector<16xf32>
    %select_n3A_1892 = arith.select %ge3A_1766, %exp3A_1889, %broadcast_in_dim3A_1891 : vector<16xi1>, vector<16xf32>
    %sub3A_1893 = arith.subf %get3A_1712, %max3A_1862 : vector<16xf32>
    %exp3A_1894 = math.exp %sub3A_1893 : vector<16xf32>
    %jit3A_1895 = arith.constant 0.000000e+00 : f32
    %broadcast_in_dim3A_1896 = vector.broadcast %jit3A_1895 : f32 to vector<16xf32>
    %select_n3A_1897 = arith.select %ge3A_1769, %exp3A_1894, %broadcast_in_dim3A_1896 : vector<16xi1>, vector<16xf32>
    %sub3A_1898 = arith.subf %get3A_1716, %max3A_1862 : vector<16xf32>
    %exp3A_1899 = math.exp %sub3A_1898 : vector<16xf32>
    %jit3A_1900 = arith.constant 0.000000e+00 : f32
    %broadcast_in_dim3A_1901 = vector.broadcast %jit3A_1900 : f32 to vector<16xf32>
    %select_n3A_1902 = arith.select %ge3A_1772, %exp3A_1899, %broadcast_in_dim3A_1901 : vector<16xi1>, vector<16xf32>
    %sub3A_1903 = arith.subf %get3A_1720, %max3A_1862 : vector<16xf32>
    %exp3A_1904 = math.exp %sub3A_1903 : vector<16xf32>
    %jit3A_1905 = arith.constant 0.000000e+00 : f32
    %broadcast_in_dim3A_1906 = vector.broadcast %jit3A_1905 : f32 to vector<16xf32>
    %select_n3A_1907 = arith.select %ge3A_1775, %exp3A_1904, %broadcast_in_dim3A_1906 : vector<16xi1>, vector<16xf32>
    %sub3A_1908 = arith.subf %get3A_1724, %max3A_1862 : vector<16xf32>
    %exp3A_1909 = math.exp %sub3A_1908 : vector<16xf32>
    %jit3A_1910 = arith.constant 0.000000e+00 : f32
    %broadcast_in_dim3A_1911 = vector.broadcast %jit3A_1910 : f32 to vector<16xf32>
    %select_n3A_1912 = arith.select %ge3A_1778, %exp3A_1909, %broadcast_in_dim3A_1911 : vector<16xi1>, vector<16xf32>
    %sub3A_1913 = arith.subf %get3A_1728, %max3A_1862 : vector<16xf32>
    %exp3A_1914 = math.exp %sub3A_1913 : vector<16xf32>
    %jit3A_1915 = arith.constant 0.000000e+00 : f32
    %broadcast_in_dim3A_1916 = vector.broadcast %jit3A_1915 : f32 to vector<16xf32>
    %select_n3A_1917 = arith.select %ge3A_1781, %exp3A_1914, %broadcast_in_dim3A_1916 : vector<16xi1>, vector<16xf32>
    %sub3A_1918 = arith.subf %get3A_1732, %max3A_1862 : vector<16xf32>
    %exp3A_1919 = math.exp %sub3A_1918 : vector<16xf32>
    %jit3A_1920 = arith.constant 0.000000e+00 : f32
    %broadcast_in_dim3A_1921 = vector.broadcast %jit3A_1920 : f32 to vector<16xf32>
    %select_n3A_1922 = arith.select %ge3A_1784, %exp3A_1919, %broadcast_in_dim3A_1921 : vector<16xi1>, vector<16xf32>
    %sub3A_1923 = arith.subf %get3A_1736, %max3A_1862 : vector<16xf32>
    %exp3A_1924 = math.exp %sub3A_1923 : vector<16xf32>
    %jit3A_1925 = arith.constant 0.000000e+00 : f32
    %broadcast_in_dim3A_1926 = vector.broadcast %jit3A_1925 : f32 to vector<16xf32>
    %select_n3A_1927 = arith.select %ge3A_1787, %exp3A_1924, %broadcast_in_dim3A_1926 : vector<16xi1>, vector<16xf32>
    %sub3A_1928 = arith.subf %get3A_1740, %max3A_1862 : vector<16xf32>
    %exp3A_1929 = math.exp %sub3A_1928 : vector<16xf32>
    %jit3A_1930 = arith.constant 0.000000e+00 : f32
    %broadcast_in_dim3A_1931 = vector.broadcast %jit3A_1930 : f32 to vector<16xf32>
    %select_n3A_1932 = arith.select %ge3A_1790, %exp3A_1929, %broadcast_in_dim3A_1931 : vector<16xi1>, vector<16xf32>
    %sub3A_1933 = arith.subf %get3A_1744, %max3A_1862 : vector<16xf32>
    %exp3A_1934 = math.exp %sub3A_1933 : vector<16xf32>
    %jit3A_1935 = arith.constant 0.000000e+00 : f32
    %broadcast_in_dim3A_1936 = vector.broadcast %jit3A_1935 : f32 to vector<16xf32>
    %select_n3A_1937 = arith.select %ge3A_1793, %exp3A_1934, %broadcast_in_dim3A_1936 : vector<16xi1>, vector<16xf32>
    %sub3A_1938 = arith.subf %get3A_1748, %max3A_1862 : vector<16xf32>
    %exp3A_1939 = math.exp %sub3A_1938 : vector<16xf32>
    %jit3A_1940 = arith.constant 0.000000e+00 : f32
    %broadcast_in_dim3A_1941 = vector.broadcast %jit3A_1940 : f32 to vector<16xf32>
    %select_n3A_1942 = arith.select %ge3A_1796, %exp3A_1939, %broadcast_in_dim3A_1941 : vector<16xi1>, vector<16xf32>
    %broadcast_in_dim3A_1943 = arith.constant 0.000000e+00 : f32
    %broadcast_in_dim3A_1944 = vector.broadcast %broadcast_in_dim3A_1943 : f32 to vector<16xf32>
    %sub3A_1945 = arith.subf %broadcast_in_dim3A_1944, %max3A_1862 : vector<16xf32>
    %exp3A_1946 = math.exp %sub3A_1945 : vector<16xf32>
    %sub3A_1947 = arith.constant 3.000000e+01 : f32
    %sub3A_1948 = vector.broadcast %sub3A_1947 : f32 to vector<16xf32>
    %sub3A_1949 = arith.subf %sub3A_1948, %max3A_1683 : vector<16xf32>
    %mul3A_1950 = arith.mulf %sub3A_1949, %exp3A_1946 : vector<16xf32>
    %add3A_1951 = arith.addf %mul3A_1950, %select_n3A_1867 : vector<16xf32>
    %add3A_1952 = arith.addf %add3A_1951, %select_n3A_1872 : vector<16xf32>
    %add3A_1953 = arith.addf %add3A_1952, %select_n3A_1877 : vector<16xf32>
    %add3A_1954 = arith.addf %add3A_1953, %select_n3A_1882 : vector<16xf32>
    %add3A_1955 = arith.addf %add3A_1954, %select_n3A_1887 : vector<16xf32>
    %add3A_1956 = arith.addf %add3A_1955, %select_n3A_1892 : vector<16xf32>
    %add3A_1957 = arith.addf %add3A_1956, %select_n3A_1897 : vector<16xf32>
    %add3A_1958 = arith.addf %add3A_1957, %select_n3A_1902 : vector<16xf32>
    %add3A_1959 = arith.addf %add3A_1958, %select_n3A_1907 : vector<16xf32>
    %add3A_1960 = arith.addf %add3A_1959, %select_n3A_1912 : vector<16xf32>
    %add3A_1961 = arith.addf %add3A_1960, %select_n3A_1917 : vector<16xf32>
    %add3A_1962 = arith.addf %add3A_1961, %select_n3A_1922 : vector<16xf32>
    %add3A_1963 = arith.addf %add3A_1962, %select_n3A_1927 : vector<16xf32>
    %add3A_1964 = arith.addf %add3A_1963, %select_n3A_1932 : vector<16xf32>
    %add3A_1965 = arith.addf %add3A_1964, %select_n3A_1937 : vector<16xf32>
    %add3A_1966 = arith.addf %add3A_1965, %select_n3A_1942 : vector<16xf32>
    %div3A_1967 = arith.divf %exp3A_1946, %add3A_1966 : vector<16xf32>
    %mul3A_1968 = arith.mulf %sub3A_1949, %div3A_1967 : vector<16xf32>
    %div3A_1969 = arith.divf %select_n3A_1867, %add3A_1966 : vector<16xf32>
    %add3A_1970 = arith.addf %mul3A_1968, %div3A_1969 : vector<16xf32>
    %div3A_1971 = arith.divf %select_n3A_1872, %add3A_1966 : vector<16xf32>
    %add3A_1972 = arith.addf %add3A_1970, %div3A_1971 : vector<16xf32>
    %div3A_1973 = arith.divf %select_n3A_1877, %add3A_1966 : vector<16xf32>
    %add3A_1974 = arith.addf %add3A_1972, %div3A_1973 : vector<16xf32>
    %div3A_1975 = arith.divf %select_n3A_1882, %add3A_1966 : vector<16xf32>
    %add3A_1976 = arith.addf %add3A_1974, %div3A_1975 : vector<16xf32>
    %div3A_1977 = arith.divf %select_n3A_1887, %add3A_1966 : vector<16xf32>
    %add3A_1978 = arith.addf %add3A_1976, %div3A_1977 : vector<16xf32>
    %div3A_1979 = arith.divf %select_n3A_1892, %add3A_1966 : vector<16xf32>
    %add3A_1980 = arith.addf %add3A_1978, %div3A_1979 : vector<16xf32>
    %div3A_1981 = arith.divf %select_n3A_1897, %add3A_1966 : vector<16xf32>
    %add3A_1982 = arith.addf %add3A_1980, %div3A_1981 : vector<16xf32>
    %div3A_1983 = arith.divf %select_n3A_1902, %add3A_1966 : vector<16xf32>
    %add3A_1984 = arith.addf %add3A_1982, %div3A_1983 : vector<16xf32>
    %div3A_1985 = arith.divf %select_n3A_1907, %add3A_1966 : vector<16xf32>
    %add3A_1986 = arith.addf %add3A_1984, %div3A_1985 : vector<16xf32>
    %div3A_1987 = arith.divf %select_n3A_1912, %add3A_1966 : vector<16xf32>
    %add3A_1988 = arith.addf %add3A_1986, %div3A_1987 : vector<16xf32>
    %div3A_1989 = arith.divf %select_n3A_1917, %add3A_1966 : vector<16xf32>
    %add3A_1990 = arith.addf %add3A_1988, %div3A_1989 : vector<16xf32>
    %div3A_1991 = arith.divf %select_n3A_1922, %add3A_1966 : vector<16xf32>
    %add3A_1992 = arith.addf %add3A_1990, %div3A_1991 : vector<16xf32>
    %div3A_1993 = arith.divf %select_n3A_1927, %add3A_1966 : vector<16xf32>
    %add3A_1994 = arith.addf %add3A_1992, %div3A_1993 : vector<16xf32>
    %div3A_1995 = arith.divf %select_n3A_1932, %add3A_1966 : vector<16xf32>
    %add3A_1996 = arith.addf %add3A_1994, %div3A_1995 : vector<16xf32>
    %div3A_1997 = arith.divf %select_n3A_1937, %add3A_1966 : vector<16xf32>
    %add3A_1998 = arith.addf %add3A_1996, %div3A_1997 : vector<16xf32>
    %div3A_1999 = arith.divf %select_n3A_1942, %add3A_1966 : vector<16xf32>
    %add3A_2000 = arith.addf %add3A_1998, %div3A_1999 : vector<16xf32>
    %swap3A_2001 = arith.constant 80 : index
    %swap3A_2002 = tpu.vector_load %arg7[%swap3A_2001] {strides = array<i32>} : memref<128xf32, #tpu.memory_space<vmem>>, vector<16xf32>,
    tpu.vector_store %arg7[%swap3A_2001], %add3A_2000 {strides = array<i32>} : memref<128xf32, #tpu.memory_space<vmem>>, vector<16xf32>,
    %add3A_2003 = arith.constant 192 : i32
    %add3A_2004 = vector.broadcast %add3A_2003 : i32 to vector<16xi32>
    %add3A_2005 = arith.addi %mul3A_29, %add3A_2004 : vector<16xi32>
    %gather3A_2006 = tpu.vector_load_idx %arg6[%add3A_2005] : memref<256xf32, #tpu.memory_space<vmem>>[vector<16xi32>], vector<16xf32>,
    %add3A_2007 = arith.constant 193 : i32
    %add3A_2008 = vector.broadcast %add3A_2007 : i32 to vector<16xi32>
    %add3A_2009 = arith.addi %mul3A_29, %add3A_2008 : vector<16xi32>
    %gather3A_2010 = tpu.vector_load_idx %arg6[%add3A_2009] : memref<256xf32, #tpu.memory_space<vmem>>[vector<16xi32>], vector<16xf32>,
    %neg3A_2011 = arith.constant 0.000000e+00 : f32
    %neg3A_2012 = vector.broadcast %neg3A_2011 : f32 to vector<16xf32>
    %neg3A_2013 = arith.subf %neg3A_2012, %gather3A_2010 : vector<16xf32>
    %max3A_2014 = arith.maximumf %gather3A_2006, %neg3A_2013 : vector<16xf32>
    %convert_element_type3A_2015 = arith.fptosi %max3A_2014 : vector<16xf32> to vector<16xi32>
    %get3A_2016 = arith.constant 0 : i32
    %get3A_2017 = arith.index_cast %get3A_2016 : i32 to index
    %get3A_2018 = arith.constant 96 : index
    %get3A_2019 = tpu.vector_load %arg5[%get3A_2017, %get3A_2018] {strides = array<i32>} : memref<16x128xf32, #tpu.memory_space<vmem>>, vector<16xf32>,
    %get3A_2020 = arith.constant 1 : i32
    %get3A_2021 = arith.index_cast %get3A_2020 : i32 to index
    %get3A_2022 = arith.constant 96 : index
    %get3A_2023 = tpu.vector_load %arg5[%get3A_2021, %get3A_2022] {strides = array<i32>} : memref<16x128xf32, #tpu.memory_space<vmem>>, vector<16xf32>,
    %get3A_2024 = arith.constant 2 : i32
    %get3A_2025 = arith.index_cast %get3A_2024 : i32 to index
    %get3A_2026 = arith.constant 96 : index
    %get3A_2027 = tpu.vector_load %arg5[%get3A_2025, %get3A_2026] {strides = array<i32>} : memref<16x128xf32, #tpu.memory_space<vmem>>, vector<16xf32>,
    %get3A_2028 = arith.constant 3 : i32
    %get3A_2029 = arith.index_cast %get3A_2028 : i32 to index
    %get3A_2030 = arith.constant 96 : index
    %get3A_2031 = tpu.vector_load %arg5[%get3A_2029, %get3A_2030] {strides = array<i32>} : memref<16x128xf32, #tpu.memory_space<vmem>>, vector<16xf32>,
    %get3A_2032 = arith.constant 4 : i32
    %get3A_2033 = arith.index_cast %get3A_2032 : i32 to index
    %get3A_2034 = arith.constant 96 : index
    %get3A_2035 = tpu.vector_load %arg5[%get3A_2033, %get3A_2034] {strides = array<i32>} : memref<16x128xf32, #tpu.memory_space<vmem>>, vector<16xf32>,
    %get3A_2036 = arith.constant 5 : i32
    %get3A_2037 = arith.index_cast %get3A_2036 : i32 to index
    %get3A_2038 = arith.constant 96 : index
    %get3A_2039 = tpu.vector_load %arg5[%get3A_2037, %get3A_2038] {strides = array<i32>} : memref<16x128xf32, #tpu.memory_space<vmem>>, vector<16xf32>,
    %get3A_2040 = arith.constant 6 : i32
    %get3A_2041 = arith.index_cast %get3A_2040 : i32 to index
    %get3A_2042 = arith.constant 96 : index
    %get3A_2043 = tpu.vector_load %arg5[%get3A_2041, %get3A_2042] {strides = array<i32>} : memref<16x128xf32, #tpu.memory_space<vmem>>, vector<16xf32>,
    %get3A_2044 = arith.constant 7 : i32
    %get3A_2045 = arith.index_cast %get3A_2044 : i32 to index
    %get3A_2046 = arith.constant 96 : index
    %get3A_2047 = tpu.vector_load %arg5[%get3A_2045, %get3A_2046] {strides = array<i32>} : memref<16x128xf32, #tpu.memory_space<vmem>>, vector<16xf32>,
    %get3A_2048 = arith.constant 8 : i32
    %get3A_2049 = arith.index_cast %get3A_2048 : i32 to index
    %get3A_2050 = arith.constant 96 : index
    %get3A_2051 = tpu.vector_load %arg5[%get3A_2049, %get3A_2050] {strides = array<i32>} : memref<16x128xf32, #tpu.memory_space<vmem>>, vector<16xf32>,
    %get3A_2052 = arith.constant 9 : i32
    %get3A_2053 = arith.index_cast %get3A_2052 : i32 to index
    %get3A_2054 = arith.constant 96 : index
    %get3A_2055 = tpu.vector_load %arg5[%get3A_2053, %get3A_2054] {strides = array<i32>} : memref<16x128xf32, #tpu.memory_space<vmem>>, vector<16xf32>,
    %get3A_2056 = arith.constant 10 : i32
    %get3A_2057 = arith.index_cast %get3A_2056 : i32 to index
    %get3A_2058 = arith.constant 96 : index
    %get3A_2059 = tpu.vector_load %arg5[%get3A_2057, %get3A_2058] {strides = array<i32>} : memref<16x128xf32, #tpu.memory_space<vmem>>, vector<16xf32>,
    %get3A_2060 = arith.constant 11 : i32
    %get3A_2061 = arith.index_cast %get3A_2060 : i32 to index
    %get3A_2062 = arith.constant 96 : index
    %get3A_2063 = tpu.vector_load %arg5[%get3A_2061, %get3A_2062] {strides = array<i32>} : memref<16x128xf32, #tpu.memory_space<vmem>>, vector<16xf32>,
    %get3A_2064 = arith.constant 12 : i32
    %get3A_2065 = arith.index_cast %get3A_2064 : i32 to index
    %get3A_2066 = arith.constant 96 : index
    %get3A_2067 = tpu.vector_load %arg5[%get3A_2065, %get3A_2066] {strides = array<i32>} : memref<16x128xf32, #tpu.memory_space<vmem>>, vector<16xf32>,
    %get3A_2068 = arith.constant 13 : i32
    %get3A_2069 = arith.index_cast %get3A_2068 : i32 to index
    %get3A_2070 = arith.constant 96 : index
    %get3A_2071 = tpu.vector_load %arg5[%get3A_2069, %get3A_2070] {strides = array<i32>} : memref<16x128xf32, #tpu.memory_space<vmem>>, vector<16xf32>,
    %get3A_2072 = arith.constant 14 : i32
    %get3A_2073 = arith.index_cast %get3A_2072 : i32 to index
    %get3A_2074 = arith.constant 96 : index
    %get3A_2075 = tpu.vector_load %arg5[%get3A_2073, %get3A_2074] {strides = array<i32>} : memref<16x128xf32, #tpu.memory_space<vmem>>, vector<16xf32>,
    %get3A_2076 = arith.constant 15 : i32
    %get3A_2077 = arith.index_cast %get3A_2076 : i32 to index
    %get3A_2078 = arith.constant 96 : index
    %get3A_2079 = tpu.vector_load %arg5[%get3A_2077, %get3A_2078] {strides = array<i32>} : memref<16x128xf32, #tpu.memory_space<vmem>>, vector<16xf32>,
    %ge3A_2080 = arith.constant 0 : i32
    %ge3A_2081 = vector.broadcast %ge3A_2080 : i32 to vector<16xi32>
    %ge3A_2082 = arith.cmpi sge, %convert_element_type3A_2015, %ge3A_2081 : vector<16xi32>
    %ge3A_2083 = arith.constant 1 : i32
    %ge3A_2084 = vector.broadcast %ge3A_2083 : i32 to vector<16xi32>
    %ge3A_2085 = arith.cmpi sge, %convert_element_type3A_2015, %ge3A_2084 : vector<16xi32>
    %ge3A_2086 = arith.constant 2 : i32
    %ge3A_2087 = vector.broadcast %ge3A_2086 : i32 to vector<16xi32>
    %ge3A_2088 = arith.cmpi sge, %convert_element_type3A_2015, %ge3A_2087 : vector<16xi32>
    %ge3A_2089 = arith.constant 3 : i32
    %ge3A_2090 = vector.broadcast %ge3A_2089 : i32 to vector<16xi32>
    %ge3A_2091 = arith.cmpi sge, %convert_element_type3A_2015, %ge3A_2090 : vector<16xi32>
    %ge3A_2092 = arith.constant 4 : i32
    %ge3A_2093 = vector.broadcast %ge3A_2092 : i32 to vector<16xi32>
    %ge3A_2094 = arith.cmpi sge, %convert_element_type3A_2015, %ge3A_2093 : vector<16xi32>
    %ge3A_2095 = arith.constant 5 : i32
    %ge3A_2096 = vector.broadcast %ge3A_2095 : i32 to vector<16xi32>
    %ge3A_2097 = arith.cmpi sge, %convert_element_type3A_2015, %ge3A_2096 : vector<16xi32>
    %ge3A_2098 = arith.constant 6 : i32
    %ge3A_2099 = vector.broadcast %ge3A_2098 : i32 to vector<16xi32>
    %ge3A_2100 = arith.cmpi sge, %convert_element_type3A_2015, %ge3A_2099 : vector<16xi32>
    %ge3A_2101 = arith.constant 7 : i32
    %ge3A_2102 = vector.broadcast %ge3A_2101 : i32 to vector<16xi32>
    %ge3A_2103 = arith.cmpi sge, %convert_element_type3A_2015, %ge3A_2102 : vector<16xi32>
    %ge3A_2104 = arith.constant 8 : i32
    %ge3A_2105 = vector.broadcast %ge3A_2104 : i32 to vector<16xi32>
    %ge3A_2106 = arith.cmpi sge, %convert_element_type3A_2015, %ge3A_2105 : vector<16xi32>
    %ge3A_2107 = arith.constant 9 : i32
    %ge3A_2108 = vector.broadcast %ge3A_2107 : i32 to vector<16xi32>
    %ge3A_2109 = arith.cmpi sge, %convert_element_type3A_2015, %ge3A_2108 : vector<16xi32>
    %ge3A_2110 = arith.constant 10 : i32
    %ge3A_2111 = vector.broadcast %ge3A_2110 : i32 to vector<16xi32>
    %ge3A_2112 = arith.cmpi sge, %convert_element_type3A_2015, %ge3A_2111 : vector<16xi32>
    %ge3A_2113 = arith.constant 11 : i32
    %ge3A_2114 = vector.broadcast %ge3A_2113 : i32 to vector<16xi32>
    %ge3A_2115 = arith.cmpi sge, %convert_element_type3A_2015, %ge3A_2114 : vector<16xi32>
    %ge3A_2116 = arith.constant 12 : i32
    %ge3A_2117 = vector.broadcast %ge3A_2116 : i32 to vector<16xi32>
    %ge3A_2118 = arith.cmpi sge, %convert_element_type3A_2015, %ge3A_2117 : vector<16xi32>
    %ge3A_2119 = arith.constant 13 : i32
    %ge3A_2120 = vector.broadcast %ge3A_2119 : i32 to vector<16xi32>
    %ge3A_2121 = arith.cmpi sge, %convert_element_type3A_2015, %ge3A_2120 : vector<16xi32>
    %ge3A_2122 = arith.constant 14 : i32
    %ge3A_2123 = vector.broadcast %ge3A_2122 : i32 to vector<16xi32>
    %ge3A_2124 = arith.cmpi sge, %convert_element_type3A_2015, %ge3A_2123 : vector<16xi32>
    %ge3A_2125 = arith.constant 15 : i32
    %ge3A_2126 = vector.broadcast %ge3A_2125 : i32 to vector<16xi32>
    %ge3A_2127 = arith.cmpi sge, %convert_element_type3A_2015, %ge3A_2126 : vector<16xi32>
    %broadcast_in_dim3A_2128 = arith.constant 0.000000e+00 : f32
    %broadcast_in_dim3A_2129 = vector.broadcast %broadcast_in_dim3A_2128 : f32 to vector<16xf32>
    %jit3A_2130 = arith.constant 0xFF800000 : f32
    %broadcast_in_dim3A_2131 = vector.broadcast %jit3A_2130 : f32 to vector<16xf32>
    %select_n3A_2132 = arith.select %ge3A_2082, %get3A_2019, %broadcast_in_dim3A_2131 : vector<16xi1>, vector<16xf32>
    %max3A_2133 = arith.maximumf %broadcast_in_dim3A_2129, %select_n3A_2132 : vector<16xf32>
    %jit3A_2134 = arith.constant 0xFF800000 : f32
    %broadcast_in_dim3A_2135 = vector.broadcast %jit3A_2134 : f32 to vector<16xf32>
    %select_n3A_2136 = arith.select %ge3A_2085, %get3A_2023, %broadcast_in_dim3A_2135 : vector<16xi1>, vector<16xf32>
    %max3A_2137 = arith.maximumf %max3A_2133, %select_n3A_2136 : vector<16xf32>
    %jit3A_2138 = arith.constant 0xFF800000 : f32
    %broadcast_in_dim3A_2139 = vector.broadcast %jit3A_2138 : f32 to vector<16xf32>
    %select_n3A_2140 = arith.select %ge3A_2088, %get3A_2027, %broadcast_in_dim3A_2139 : vector<16xi1>, vector<16xf32>
    %max3A_2141 = arith.maximumf %max3A_2137, %select_n3A_2140 : vector<16xf32>
    %jit3A_2142 = arith.constant 0xFF800000 : f32
    %broadcast_in_dim3A_2143 = vector.broadcast %jit3A_2142 : f32 to vector<16xf32>
    %select_n3A_2144 = arith.select %ge3A_2091, %get3A_2031, %broadcast_in_dim3A_2143 : vector<16xi1>, vector<16xf32>
    %max3A_2145 = arith.maximumf %max3A_2141, %select_n3A_2144 : vector<16xf32>
    %jit3A_2146 = arith.constant 0xFF800000 : f32
    %broadcast_in_dim3A_2147 = vector.broadcast %jit3A_2146 : f32 to vector<16xf32>
    %select_n3A_2148 = arith.select %ge3A_2094, %get3A_2035, %broadcast_in_dim3A_2147 : vector<16xi1>, vector<16xf32>
    %max3A_2149 = arith.maximumf %max3A_2145, %select_n3A_2148 : vector<16xf32>
    %jit3A_2150 = arith.constant 0xFF800000 : f32
    %broadcast_in_dim3A_2151 = vector.broadcast %jit3A_2150 : f32 to vector<16xf32>
    %select_n3A_2152 = arith.select %ge3A_2097, %get3A_2039, %broadcast_in_dim3A_2151 : vector<16xi1>, vector<16xf32>
    %max3A_2153 = arith.maximumf %max3A_2149, %select_n3A_2152 : vector<16xf32>
    %jit3A_2154 = arith.constant 0xFF800000 : f32
    %broadcast_in_dim3A_2155 = vector.broadcast %jit3A_2154 : f32 to vector<16xf32>
    %select_n3A_2156 = arith.select %ge3A_2100, %get3A_2043, %broadcast_in_dim3A_2155 : vector<16xi1>, vector<16xf32>
    %max3A_2157 = arith.maximumf %max3A_2153, %select_n3A_2156 : vector<16xf32>
    %jit3A_2158 = arith.constant 0xFF800000 : f32
    %broadcast_in_dim3A_2159 = vector.broadcast %jit3A_2158 : f32 to vector<16xf32>
    %select_n3A_2160 = arith.select %ge3A_2103, %get3A_2047, %broadcast_in_dim3A_2159 : vector<16xi1>, vector<16xf32>
    %max3A_2161 = arith.maximumf %max3A_2157, %select_n3A_2160 : vector<16xf32>
    %jit3A_2162 = arith.constant 0xFF800000 : f32
    %broadcast_in_dim3A_2163 = vector.broadcast %jit3A_2162 : f32 to vector<16xf32>
    %select_n3A_2164 = arith.select %ge3A_2106, %get3A_2051, %broadcast_in_dim3A_2163 : vector<16xi1>, vector<16xf32>
    %max3A_2165 = arith.maximumf %max3A_2161, %select_n3A_2164 : vector<16xf32>
    %jit3A_2166 = arith.constant 0xFF800000 : f32
    %broadcast_in_dim3A_2167 = vector.broadcast %jit3A_2166 : f32 to vector<16xf32>
    %select_n3A_2168 = arith.select %ge3A_2109, %get3A_2055, %broadcast_in_dim3A_2167 : vector<16xi1>, vector<16xf32>
    %max3A_2169 = arith.maximumf %max3A_2165, %select_n3A_2168 : vector<16xf32>
    %jit3A_2170 = arith.constant 0xFF800000 : f32
    %broadcast_in_dim3A_2171 = vector.broadcast %jit3A_2170 : f32 to vector<16xf32>
    %select_n3A_2172 = arith.select %ge3A_2112, %get3A_2059, %broadcast_in_dim3A_2171 : vector<16xi1>, vector<16xf32>
    %max3A_2173 = arith.maximumf %max3A_2169, %select_n3A_2172 : vector<16xf32>
    %jit3A_2174 = arith.constant 0xFF800000 : f32
    %broadcast_in_dim3A_2175 = vector.broadcast %jit3A_2174 : f32 to vector<16xf32>
    %select_n3A_2176 = arith.select %ge3A_2115, %get3A_2063, %broadcast_in_dim3A_2175 : vector<16xi1>, vector<16xf32>
    %max3A_2177 = arith.maximumf %max3A_2173, %select_n3A_2176 : vector<16xf32>
    %jit3A_2178 = arith.constant 0xFF800000 : f32
    %broadcast_in_dim3A_2179 = vector.broadcast %jit3A_2178 : f32 to vector<16xf32>
    %select_n3A_2180 = arith.select %ge3A_2118, %get3A_2067, %broadcast_in_dim3A_2179 : vector<16xi1>, vector<16xf32>
    %max3A_2181 = arith.maximumf %max3A_2177, %select_n3A_2180 : vector<16xf32>
    %jit3A_2182 = arith.constant 0xFF800000 : f32
    %broadcast_in_dim3A_2183 = vector.broadcast %jit3A_2182 : f32 to vector<16xf32>
    %select_n3A_2184 = arith.select %ge3A_2121, %get3A_2071, %broadcast_in_dim3A_2183 : vector<16xi1>, vector<16xf32>
    %max3A_2185 = arith.maximumf %max3A_2181, %select_n3A_2184 : vector<16xf32>
    %jit3A_2186 = arith.constant 0xFF800000 : f32
    %broadcast_in_dim3A_2187 = vector.broadcast %jit3A_2186 : f32 to vector<16xf32>
    %select_n3A_2188 = arith.select %ge3A_2124, %get3A_2075, %broadcast_in_dim3A_2187 : vector<16xi1>, vector<16xf32>
    %max3A_2189 = arith.maximumf %max3A_2185, %select_n3A_2188 : vector<16xf32>
    %jit3A_2190 = arith.constant 0xFF800000 : f32
    %broadcast_in_dim3A_2191 = vector.broadcast %jit3A_2190 : f32 to vector<16xf32>
    %select_n3A_2192 = arith.select %ge3A_2127, %get3A_2079, %broadcast_in_dim3A_2191 : vector<16xi1>, vector<16xf32>
    %max3A_2193 = arith.maximumf %max3A_2189, %select_n3A_2192 : vector<16xf32>
    %sub3A_2194 = arith.subf %get3A_2019, %max3A_2193 : vector<16xf32>
    %exp3A_2195 = math.exp %sub3A_2194 : vector<16xf32>
    %jit3A_2196 = arith.constant 0.000000e+00 : f32
    %broadcast_in_dim3A_2197 = vector.broadcast %jit3A_2196 : f32 to vector<16xf32>
    %select_n3A_2198 = arith.select %ge3A_2082, %exp3A_2195, %broadcast_in_dim3A_2197 : vector<16xi1>, vector<16xf32>
    %sub3A_2199 = arith.subf %get3A_2023, %max3A_2193 : vector<16xf32>
    %exp3A_2200 = math.exp %sub3A_2199 : vector<16xf32>
    %jit3A_2201 = arith.constant 0.000000e+00 : f32
    %broadcast_in_dim3A_2202 = vector.broadcast %jit3A_2201 : f32 to vector<16xf32>
    %select_n3A_2203 = arith.select %ge3A_2085, %exp3A_2200, %broadcast_in_dim3A_2202 : vector<16xi1>, vector<16xf32>
    %sub3A_2204 = arith.subf %get3A_2027, %max3A_2193 : vector<16xf32>
    %exp3A_2205 = math.exp %sub3A_2204 : vector<16xf32>
    %jit3A_2206 = arith.constant 0.000000e+00 : f32
    %broadcast_in_dim3A_2207 = vector.broadcast %jit3A_2206 : f32 to vector<16xf32>
    %select_n3A_2208 = arith.select %ge3A_2088, %exp3A_2205, %broadcast_in_dim3A_2207 : vector<16xi1>, vector<16xf32>
    %sub3A_2209 = arith.subf %get3A_2031, %max3A_2193 : vector<16xf32>
    %exp3A_2210 = math.exp %sub3A_2209 : vector<16xf32>
    %jit3A_2211 = arith.constant 0.000000e+00 : f32
    %broadcast_in_dim3A_2212 = vector.broadcast %jit3A_2211 : f32 to vector<16xf32>
    %select_n3A_2213 = arith.select %ge3A_2091, %exp3A_2210, %broadcast_in_dim3A_2212 : vector<16xi1>, vector<16xf32>
    %sub3A_2214 = arith.subf %get3A_2035, %max3A_2193 : vector<16xf32>
    %exp3A_2215 = math.exp %sub3A_2214 : vector<16xf32>
    %jit3A_2216 = arith.constant 0.000000e+00 : f32
    %broadcast_in_dim3A_2217 = vector.broadcast %jit3A_2216 : f32 to vector<16xf32>
    %select_n3A_2218 = arith.select %ge3A_2094, %exp3A_2215, %broadcast_in_dim3A_2217 : vector<16xi1>, vector<16xf32>
    %sub3A_2219 = arith.subf %get3A_2039, %max3A_2193 : vector<16xf32>
    %exp3A_2220 = math.exp %sub3A_2219 : vector<16xf32>
    %jit3A_2221 = arith.constant 0.000000e+00 : f32
    %broadcast_in_dim3A_2222 = vector.broadcast %jit3A_2221 : f32 to vector<16xf32>
    %select_n3A_2223 = arith.select %ge3A_2097, %exp3A_2220, %broadcast_in_dim3A_2222 : vector<16xi1>, vector<16xf32>
    %sub3A_2224 = arith.subf %get3A_2043, %max3A_2193 : vector<16xf32>
    %exp3A_2225 = math.exp %sub3A_2224 : vector<16xf32>
    %jit3A_2226 = arith.constant 0.000000e+00 : f32
    %broadcast_in_dim3A_2227 = vector.broadcast %jit3A_2226 : f32 to vector<16xf32>
    %select_n3A_2228 = arith.select %ge3A_2100, %exp3A_2225, %broadcast_in_dim3A_2227 : vector<16xi1>, vector<16xf32>
    %sub3A_2229 = arith.subf %get3A_2047, %max3A_2193 : vector<16xf32>
    %exp3A_2230 = math.exp %sub3A_2229 : vector<16xf32>
    %jit3A_2231 = arith.constant 0.000000e+00 : f32
    %broadcast_in_dim3A_2232 = vector.broadcast %jit3A_2231 : f32 to vector<16xf32>
    %select_n3A_2233 = arith.select %ge3A_2103, %exp3A_2230, %broadcast_in_dim3A_2232 : vector<16xi1>, vector<16xf32>
    %sub3A_2234 = arith.subf %get3A_2051, %max3A_2193 : vector<16xf32>
    %exp3A_2235 = math.exp %sub3A_2234 : vector<16xf32>
    %jit3A_2236 = arith.constant 0.000000e+00 : f32
    %broadcast_in_dim3A_2237 = vector.broadcast %jit3A_2236 : f32 to vector<16xf32>
    %select_n3A_2238 = arith.select %ge3A_2106, %exp3A_2235, %broadcast_in_dim3A_2237 : vector<16xi1>, vector<16xf32>
    %sub3A_2239 = arith.subf %get3A_2055, %max3A_2193 : vector<16xf32>
    %exp3A_2240 = math.exp %sub3A_2239 : vector<16xf32>
    %jit3A_2241 = arith.constant 0.000000e+00 : f32
    %broadcast_in_dim3A_2242 = vector.broadcast %jit3A_2241 : f32 to vector<16xf32>
    %select_n3A_2243 = arith.select %ge3A_2109, %exp3A_2240, %broadcast_in_dim3A_2242 : vector<16xi1>, vector<16xf32>
    %sub3A_2244 = arith.subf %get3A_2059, %max3A_2193 : vector<16xf32>
    %exp3A_2245 = math.exp %sub3A_2244 : vector<16xf32>
    %jit3A_2246 = arith.constant 0.000000e+00 : f32
    %broadcast_in_dim3A_2247 = vector.broadcast %jit3A_2246 : f32 to vector<16xf32>
    %select_n3A_2248 = arith.select %ge3A_2112, %exp3A_2245, %broadcast_in_dim3A_2247 : vector<16xi1>, vector<16xf32>
    %sub3A_2249 = arith.subf %get3A_2063, %max3A_2193 : vector<16xf32>
    %exp3A_2250 = math.exp %sub3A_2249 : vector<16xf32>
    %jit3A_2251 = arith.constant 0.000000e+00 : f32
    %broadcast_in_dim3A_2252 = vector.broadcast %jit3A_2251 : f32 to vector<16xf32>
    %select_n3A_2253 = arith.select %ge3A_2115, %exp3A_2250, %broadcast_in_dim3A_2252 : vector<16xi1>, vector<16xf32>
    %sub3A_2254 = arith.subf %get3A_2067, %max3A_2193 : vector<16xf32>
    %exp3A_2255 = math.exp %sub3A_2254 : vector<16xf32>
    %jit3A_2256 = arith.constant 0.000000e+00 : f32
    %broadcast_in_dim3A_2257 = vector.broadcast %jit3A_2256 : f32 to vector<16xf32>
    %select_n3A_2258 = arith.select %ge3A_2118, %exp3A_2255, %broadcast_in_dim3A_2257 : vector<16xi1>, vector<16xf32>
    %sub3A_2259 = arith.subf %get3A_2071, %max3A_2193 : vector<16xf32>
    %exp3A_2260 = math.exp %sub3A_2259 : vector<16xf32>
    %jit3A_2261 = arith.constant 0.000000e+00 : f32
    %broadcast_in_dim3A_2262 = vector.broadcast %jit3A_2261 : f32 to vector<16xf32>
    %select_n3A_2263 = arith.select %ge3A_2121, %exp3A_2260, %broadcast_in_dim3A_2262 : vector<16xi1>, vector<16xf32>
    %sub3A_2264 = arith.subf %get3A_2075, %max3A_2193 : vector<16xf32>
    %exp3A_2265 = math.exp %sub3A_2264 : vector<16xf32>
    %jit3A_2266 = arith.constant 0.000000e+00 : f32
    %broadcast_in_dim3A_2267 = vector.broadcast %jit3A_2266 : f32 to vector<16xf32>
    %select_n3A_2268 = arith.select %ge3A_2124, %exp3A_2265, %broadcast_in_dim3A_2267 : vector<16xi1>, vector<16xf32>
    %sub3A_2269 = arith.subf %get3A_2079, %max3A_2193 : vector<16xf32>
    %exp3A_2270 = math.exp %sub3A_2269 : vector<16xf32>
    %jit3A_2271 = arith.constant 0.000000e+00 : f32
    %broadcast_in_dim3A_2272 = vector.broadcast %jit3A_2271 : f32 to vector<16xf32>
    %select_n3A_2273 = arith.select %ge3A_2127, %exp3A_2270, %broadcast_in_dim3A_2272 : vector<16xi1>, vector<16xf32>
    %broadcast_in_dim3A_2274 = arith.constant 0.000000e+00 : f32
    %broadcast_in_dim3A_2275 = vector.broadcast %broadcast_in_dim3A_2274 : f32 to vector<16xf32>
    %sub3A_2276 = arith.subf %broadcast_in_dim3A_2275, %max3A_2193 : vector<16xf32>
    %exp3A_2277 = math.exp %sub3A_2276 : vector<16xf32>
    %sub3A_2278 = arith.constant 3.000000e+01 : f32
    %sub3A_2279 = vector.broadcast %sub3A_2278 : f32 to vector<16xf32>
    %sub3A_2280 = arith.subf %sub3A_2279, %max3A_2014 : vector<16xf32>
    %mul3A_2281 = arith.mulf %sub3A_2280, %exp3A_2277 : vector<16xf32>
    %add3A_2282 = arith.addf %mul3A_2281, %select_n3A_2198 : vector<16xf32>
    %add3A_2283 = arith.addf %add3A_2282, %select_n3A_2203 : vector<16xf32>
    %add3A_2284 = arith.addf %add3A_2283, %select_n3A_2208 : vector<16xf32>
    %add3A_2285 = arith.addf %add3A_2284, %select_n3A_2213 : vector<16xf32>
    %add3A_2286 = arith.addf %add3A_2285, %select_n3A_2218 : vector<16xf32>
    %add3A_2287 = arith.addf %add3A_2286, %select_n3A_2223 : vector<16xf32>
    %add3A_2288 = arith.addf %add3A_2287, %select_n3A_2228 : vector<16xf32>
    %add3A_2289 = arith.addf %add3A_2288, %select_n3A_2233 : vector<16xf32>
    %add3A_2290 = arith.addf %add3A_2289, %select_n3A_2238 : vector<16xf32>
    %add3A_2291 = arith.addf %add3A_2290, %select_n3A_2243 : vector<16xf32>
    %add3A_2292 = arith.addf %add3A_2291, %select_n3A_2248 : vector<16xf32>
    %add3A_2293 = arith.addf %add3A_2292, %select_n3A_2253 : vector<16xf32>
    %add3A_2294 = arith.addf %add3A_2293, %select_n3A_2258 : vector<16xf32>
    %add3A_2295 = arith.addf %add3A_2294, %select_n3A_2263 : vector<16xf32>
    %add3A_2296 = arith.addf %add3A_2295, %select_n3A_2268 : vector<16xf32>
    %add3A_2297 = arith.addf %add3A_2296, %select_n3A_2273 : vector<16xf32>
    %div3A_2298 = arith.divf %exp3A_2277, %add3A_2297 : vector<16xf32>
    %mul3A_2299 = arith.mulf %sub3A_2280, %div3A_2298 : vector<16xf32>
    %div3A_2300 = arith.divf %select_n3A_2198, %add3A_2297 : vector<16xf32>
    %add3A_2301 = arith.addf %mul3A_2299, %div3A_2300 : vector<16xf32>
    %div3A_2302 = arith.divf %select_n3A_2203, %add3A_2297 : vector<16xf32>
    %add3A_2303 = arith.addf %add3A_2301, %div3A_2302 : vector<16xf32>
    %div3A_2304 = arith.divf %select_n3A_2208, %add3A_2297 : vector<16xf32>
    %add3A_2305 = arith.addf %add3A_2303, %div3A_2304 : vector<16xf32>
    %div3A_2306 = arith.divf %select_n3A_2213, %add3A_2297 : vector<16xf32>
    %add3A_2307 = arith.addf %add3A_2305, %div3A_2306 : vector<16xf32>
    %div3A_2308 = arith.divf %select_n3A_2218, %add3A_2297 : vector<16xf32>
    %add3A_2309 = arith.addf %add3A_2307, %div3A_2308 : vector<16xf32>
    %div3A_2310 = arith.divf %select_n3A_2223, %add3A_2297 : vector<16xf32>
    %add3A_2311 = arith.addf %add3A_2309, %div3A_2310 : vector<16xf32>
    %div3A_2312 = arith.divf %select_n3A_2228, %add3A_2297 : vector<16xf32>
    %add3A_2313 = arith.addf %add3A_2311, %div3A_2312 : vector<16xf32>
    %div3A_2314 = arith.divf %select_n3A_2233, %add3A_2297 : vector<16xf32>
    %add3A_2315 = arith.addf %add3A_2313, %div3A_2314 : vector<16xf32>
    %div3A_2316 = arith.divf %select_n3A_2238, %add3A_2297 : vector<16xf32>
    %add3A_2317 = arith.addf %add3A_2315, %div3A_2316 : vector<16xf32>
    %div3A_2318 = arith.divf %select_n3A_2243, %add3A_2297 : vector<16xf32>
    %add3A_2319 = arith.addf %add3A_2317, %div3A_2318 : vector<16xf32>
    %div3A_2320 = arith.divf %select_n3A_2248, %add3A_2297 : vector<16xf32>
    %add3A_2321 = arith.addf %add3A_2319, %div3A_2320 : vector<16xf32>
    %div3A_2322 = arith.divf %select_n3A_2253, %add3A_2297 : vector<16xf32>
    %add3A_2323 = arith.addf %add3A_2321, %div3A_2322 : vector<16xf32>
    %div3A_2324 = arith.divf %select_n3A_2258, %add3A_2297 : vector<16xf32>
    %add3A_2325 = arith.addf %add3A_2323, %div3A_2324 : vector<16xf32>
    %div3A_2326 = arith.divf %select_n3A_2263, %add3A_2297 : vector<16xf32>
    %add3A_2327 = arith.addf %add3A_2325, %div3A_2326 : vector<16xf32>
    %div3A_2328 = arith.divf %select_n3A_2268, %add3A_2297 : vector<16xf32>
    %add3A_2329 = arith.addf %add3A_2327, %div3A_2328 : vector<16xf32>
    %div3A_2330 = arith.divf %select_n3A_2273, %add3A_2297 : vector<16xf32>
    %add3A_2331 = arith.addf %add3A_2329, %div3A_2330 : vector<16xf32>
    %swap3A_2332 = arith.constant 96 : index
    %swap3A_2333 = tpu.vector_load %arg7[%swap3A_2332] {strides = array<i32>} : memref<128xf32, #tpu.memory_space<vmem>>, vector<16xf32>,
    tpu.vector_store %arg7[%swap3A_2332], %add3A_2331 {strides = array<i32>} : memref<128xf32, #tpu.memory_space<vmem>>, vector<16xf32>,
    %add3A_2334 = arith.constant 224 : i32
    %add3A_2335 = vector.broadcast %add3A_2334 : i32 to vector<16xi32>
    %add3A_2336 = arith.addi %mul3A_29, %add3A_2335 : vector<16xi32>
    %gather3A_2337 = tpu.vector_load_idx %arg6[%add3A_2336] : memref<256xf32, #tpu.memory_space<vmem>>[vector<16xi32>], vector<16xf32>,
    %add3A_2338 = arith.constant 225 : i32
    %add3A_2339 = vector.broadcast %add3A_2338 : i32 to vector<16xi32>
    %add3A_2340 = arith.addi %mul3A_29, %add3A_2339 : vector<16xi32>
    %gather3A_2341 = tpu.vector_load_idx %arg6[%add3A_2340] : memref<256xf32, #tpu.memory_space<vmem>>[vector<16xi32>], vector<16xf32>,
    %neg3A_2342 = arith.constant 0.000000e+00 : f32
    %neg3A_2343 = vector.broadcast %neg3A_2342 : f32 to vector<16xf32>
    %neg3A_2344 = arith.subf %neg3A_2343, %gather3A_2341 : vector<16xf32>
    %max3A_2345 = arith.maximumf %gather3A_2337, %neg3A_2344 : vector<16xf32>
    %convert_element_type3A_2346 = arith.fptosi %max3A_2345 : vector<16xf32> to vector<16xi32>
    %get3A_2347 = arith.constant 0 : i32
    %get3A_2348 = arith.index_cast %get3A_2347 : i32 to index
    %get3A_2349 = arith.constant 112 : index
    %get3A_2350 = tpu.vector_load %arg5[%get3A_2348, %get3A_2349] {strides = array<i32>} : memref<16x128xf32, #tpu.memory_space<vmem>>, vector<16xf32>,
    %get3A_2351 = arith.constant 1 : i32
    %get3A_2352 = arith.index_cast %get3A_2351 : i32 to index
    %get3A_2353 = arith.constant 112 : index
    %get3A_2354 = tpu.vector_load %arg5[%get3A_2352, %get3A_2353] {strides = array<i32>} : memref<16x128xf32, #tpu.memory_space<vmem>>, vector<16xf32>,
    %get3A_2355 = arith.constant 2 : i32
    %get3A_2356 = arith.index_cast %get3A_2355 : i32 to index
    %get3A_2357 = arith.constant 112 : index
    %get3A_2358 = tpu.vector_load %arg5[%get3A_2356, %get3A_2357] {strides = array<i32>} : memref<16x128xf32, #tpu.memory_space<vmem>>, vector<16xf32>,
    %get3A_2359 = arith.constant 3 : i32
    %get3A_2360 = arith.index_cast %get3A_2359 : i32 to index
    %get3A_2361 = arith.constant 112 : index
    %get3A_2362 = tpu.vector_load %arg5[%get3A_2360, %get3A_2361] {strides = array<i32>} : memref<16x128xf32, #tpu.memory_space<vmem>>, vector<16xf32>,
    %get3A_2363 = arith.constant 4 : i32
    %get3A_2364 = arith.index_cast %get3A_2363 : i32 to index
    %get3A_2365 = arith.constant 112 : index
    %get3A_2366 = tpu.vector_load %arg5[%get3A_2364, %get3A_2365] {strides = array<i32>} : memref<16x128xf32, #tpu.memory_space<vmem>>, vector<16xf32>,
    %get3A_2367 = arith.constant 5 : i32
    %get3A_2368 = arith.index_cast %get3A_2367 : i32 to index
    %get3A_2369 = arith.constant 112 : index
    %get3A_2370 = tpu.vector_load %arg5[%get3A_2368, %get3A_2369] {strides = array<i32>} : memref<16x128xf32, #tpu.memory_space<vmem>>, vector<16xf32>,
    %get3A_2371 = arith.constant 6 : i32
    %get3A_2372 = arith.index_cast %get3A_2371 : i32 to index
    %get3A_2373 = arith.constant 112 : index
    %get3A_2374 = tpu.vector_load %arg5[%get3A_2372, %get3A_2373] {strides = array<i32>} : memref<16x128xf32, #tpu.memory_space<vmem>>, vector<16xf32>,
    %get3A_2375 = arith.constant 7 : i32
    %get3A_2376 = arith.index_cast %get3A_2375 : i32 to index
    %get3A_2377 = arith.constant 112 : index
    %get3A_2378 = tpu.vector_load %arg5[%get3A_2376, %get3A_2377] {strides = array<i32>} : memref<16x128xf32, #tpu.memory_space<vmem>>, vector<16xf32>,
    %get3A_2379 = arith.constant 8 : i32
    %get3A_2380 = arith.index_cast %get3A_2379 : i32 to index
    %get3A_2381 = arith.constant 112 : index
    %get3A_2382 = tpu.vector_load %arg5[%get3A_2380, %get3A_2381] {strides = array<i32>} : memref<16x128xf32, #tpu.memory_space<vmem>>, vector<16xf32>,
    %get3A_2383 = arith.constant 9 : i32
    %get3A_2384 = arith.index_cast %get3A_2383 : i32 to index
    %get3A_2385 = arith.constant 112 : index
    %get3A_2386 = tpu.vector_load %arg5[%get3A_2384, %get3A_2385] {strides = array<i32>} : memref<16x128xf32, #tpu.memory_space<vmem>>, vector<16xf32>,
    %get3A_2387 = arith.constant 10 : i32
    %get3A_2388 = arith.index_cast %get3A_2387 : i32 to index
    %get3A_2389 = arith.constant 112 : index
    %get3A_2390 = tpu.vector_load %arg5[%get3A_2388, %get3A_2389] {strides = array<i32>} : memref<16x128xf32, #tpu.memory_space<vmem>>, vector<16xf32>,
    %get3A_2391 = arith.constant 11 : i32
    %get3A_2392 = arith.index_cast %get3A_2391 : i32 to index
    %get3A_2393 = arith.constant 112 : index
    %get3A_2394 = tpu.vector_load %arg5[%get3A_2392, %get3A_2393] {strides = array<i32>} : memref<16x128xf32, #tpu.memory_space<vmem>>, vector<16xf32>,
    %get3A_2395 = arith.constant 12 : i32
    %get3A_2396 = arith.index_cast %get3A_2395 : i32 to index
    %get3A_2397 = arith.constant 112 : index
    %get3A_2398 = tpu.vector_load %arg5[%get3A_2396, %get3A_2397] {strides = array<i32>} : memref<16x128xf32, #tpu.memory_space<vmem>>, vector<16xf32>,
    %get3A_2399 = arith.constant 13 : i32
    %get3A_2400 = arith.index_cast %get3A_2399 : i32 to index
    %get3A_2401 = arith.constant 112 : index
    %get3A_2402 = tpu.vector_load %arg5[%get3A_2400, %get3A_2401] {strides = array<i32>} : memref<16x128xf32, #tpu.memory_space<vmem>>, vector<16xf32>,
    %get3A_2403 = arith.constant 14 : i32
    %get3A_2404 = arith.index_cast %get3A_2403 : i32 to index
    %get3A_2405 = arith.constant 112 : index
    %get3A_2406 = tpu.vector_load %arg5[%get3A_2404, %get3A_2405] {strides = array<i32>} : memref<16x128xf32, #tpu.memory_space<vmem>>, vector<16xf32>,
    %get3A_2407 = arith.constant 15 : i32
    %get3A_2408 = arith.index_cast %get3A_2407 : i32 to index
    %get3A_2409 = arith.constant 112 : index
    %get3A_2410 = tpu.vector_load %arg5[%get3A_2408, %get3A_2409] {strides = array<i32>} : memref<16x128xf32, #tpu.memory_space<vmem>>, vector<16xf32>,
    %ge3A_2411 = arith.constant 0 : i32
    %ge3A_2412 = vector.broadcast %ge3A_2411 : i32 to vector<16xi32>
    %ge3A_2413 = arith.cmpi sge, %convert_element_type3A_2346, %ge3A_2412 : vector<16xi32>
    %ge3A_2414 = arith.constant 1 : i32
    %ge3A_2415 = vector.broadcast %ge3A_2414 : i32 to vector<16xi32>
    %ge3A_2416 = arith.cmpi sge, %convert_element_type3A_2346, %ge3A_2415 : vector<16xi32>
    %ge3A_2417 = arith.constant 2 : i32
    %ge3A_2418 = vector.broadcast %ge3A_2417 : i32 to vector<16xi32>
    %ge3A_2419 = arith.cmpi sge, %convert_element_type3A_2346, %ge3A_2418 : vector<16xi32>
    %ge3A_2420 = arith.constant 3 : i32
    %ge3A_2421 = vector.broadcast %ge3A_2420 : i32 to vector<16xi32>
    %ge3A_2422 = arith.cmpi sge, %convert_element_type3A_2346, %ge3A_2421 : vector<16xi32>
    %ge3A_2423 = arith.constant 4 : i32
    %ge3A_2424 = vector.broadcast %ge3A_2423 : i32 to vector<16xi32>
    %ge3A_2425 = arith.cmpi sge, %convert_element_type3A_2346, %ge3A_2424 : vector<16xi32>
    %ge3A_2426 = arith.constant 5 : i32
    %ge3A_2427 = vector.broadcast %ge3A_2426 : i32 to vector<16xi32>
    %ge3A_2428 = arith.cmpi sge, %convert_element_type3A_2346, %ge3A_2427 : vector<16xi32>
    %ge3A_2429 = arith.constant 6 : i32
    %ge3A_2430 = vector.broadcast %ge3A_2429 : i32 to vector<16xi32>
    %ge3A_2431 = arith.cmpi sge, %convert_element_type3A_2346, %ge3A_2430 : vector<16xi32>
    %ge3A_2432 = arith.constant 7 : i32
    %ge3A_2433 = vector.broadcast %ge3A_2432 : i32 to vector<16xi32>
    %ge3A_2434 = arith.cmpi sge, %convert_element_type3A_2346, %ge3A_2433 : vector<16xi32>
    %ge3A_2435 = arith.constant 8 : i32
    %ge3A_2436 = vector.broadcast %ge3A_2435 : i32 to vector<16xi32>
    %ge3A_2437 = arith.cmpi sge, %convert_element_type3A_2346, %ge3A_2436 : vector<16xi32>
    %ge3A_2438 = arith.constant 9 : i32
    %ge3A_2439 = vector.broadcast %ge3A_2438 : i32 to vector<16xi32>
    %ge3A_2440 = arith.cmpi sge, %convert_element_type3A_2346, %ge3A_2439 : vector<16xi32>
    %ge3A_2441 = arith.constant 10 : i32
    %ge3A_2442 = vector.broadcast %ge3A_2441 : i32 to vector<16xi32>
    %ge3A_2443 = arith.cmpi sge, %convert_element_type3A_2346, %ge3A_2442 : vector<16xi32>
    %ge3A_2444 = arith.constant 11 : i32
    %ge3A_2445 = vector.broadcast %ge3A_2444 : i32 to vector<16xi32>
    %ge3A_2446 = arith.cmpi sge, %convert_element_type3A_2346, %ge3A_2445 : vector<16xi32>
    %ge3A_2447 = arith.constant 12 : i32
    %ge3A_2448 = vector.broadcast %ge3A_2447 : i32 to vector<16xi32>
    %ge3A_2449 = arith.cmpi sge, %convert_element_type3A_2346, %ge3A_2448 : vector<16xi32>
    %ge3A_2450 = arith.constant 13 : i32
    %ge3A_2451 = vector.broadcast %ge3A_2450 : i32 to vector<16xi32>
    %ge3A_2452 = arith.cmpi sge, %convert_element_type3A_2346, %ge3A_2451 : vector<16xi32>
    %ge3A_2453 = arith.constant 14 : i32
    %ge3A_2454 = vector.broadcast %ge3A_2453 : i32 to vector<16xi32>
    %ge3A_2455 = arith.cmpi sge, %convert_element_type3A_2346, %ge3A_2454 : vector<16xi32>
    %ge3A_2456 = arith.constant 15 : i32
    %ge3A_2457 = vector.broadcast %ge3A_2456 : i32 to vector<16xi32>
    %ge3A_2458 = arith.cmpi sge, %convert_element_type3A_2346, %ge3A_2457 : vector<16xi32>
    %broadcast_in_dim3A_2459 = arith.constant 0.000000e+00 : f32
    %broadcast_in_dim3A_2460 = vector.broadcast %broadcast_in_dim3A_2459 : f32 to vector<16xf32>
    %jit3A_2461 = arith.constant 0xFF800000 : f32
    %broadcast_in_dim3A_2462 = vector.broadcast %jit3A_2461 : f32 to vector<16xf32>
    %select_n3A_2463 = arith.select %ge3A_2413, %get3A_2350, %broadcast_in_dim3A_2462 : vector<16xi1>, vector<16xf32>
    %max3A_2464 = arith.maximumf %broadcast_in_dim3A_2460, %select_n3A_2463 : vector<16xf32>
    %jit3A_2465 = arith.constant 0xFF800000 : f32
    %broadcast_in_dim3A_2466 = vector.broadcast %jit3A_2465 : f32 to vector<16xf32>
    %select_n3A_2467 = arith.select %ge3A_2416, %get3A_2354, %broadcast_in_dim3A_2466 : vector<16xi1>, vector<16xf32>
    %max3A_2468 = arith.maximumf %max3A_2464, %select_n3A_2467 : vector<16xf32>
    %jit3A_2469 = arith.constant 0xFF800000 : f32
    %broadcast_in_dim3A_2470 = vector.broadcast %jit3A_2469 : f32 to vector<16xf32>
    %select_n3A_2471 = arith.select %ge3A_2419, %get3A_2358, %broadcast_in_dim3A_2470 : vector<16xi1>, vector<16xf32>
    %max3A_2472 = arith.maximumf %max3A_2468, %select_n3A_2471 : vector<16xf32>
    %jit3A_2473 = arith.constant 0xFF800000 : f32
    %broadcast_in_dim3A_2474 = vector.broadcast %jit3A_2473 : f32 to vector<16xf32>
    %select_n3A_2475 = arith.select %ge3A_2422, %get3A_2362, %broadcast_in_dim3A_2474 : vector<16xi1>, vector<16xf32>
    %max3A_2476 = arith.maximumf %max3A_2472, %select_n3A_2475 : vector<16xf32>
    %jit3A_2477 = arith.constant 0xFF800000 : f32
    %broadcast_in_dim3A_2478 = vector.broadcast %jit3A_2477 : f32 to vector<16xf32>
    %select_n3A_2479 = arith.select %ge3A_2425, %get3A_2366, %broadcast_in_dim3A_2478 : vector<16xi1>, vector<16xf32>
    %max3A_2480 = arith.maximumf %max3A_2476, %select_n3A_2479 : vector<16xf32>
    %jit3A_2481 = arith.constant 0xFF800000 : f32
    %broadcast_in_dim3A_2482 = vector.broadcast %jit3A_2481 : f32 to vector<16xf32>
    %select_n3A_2483 = arith.select %ge3A_2428, %get3A_2370, %broadcast_in_dim3A_2482 : vector<16xi1>, vector<16xf32>
    %max3A_2484 = arith.maximumf %max3A_2480, %select_n3A_2483 : vector<16xf32>
    %jit3A_2485 = arith.constant 0xFF800000 : f32
    %broadcast_in_dim3A_2486 = vector.broadcast %jit3A_2485 : f32 to vector<16xf32>
    %select_n3A_2487 = arith.select %ge3A_2431, %get3A_2374, %broadcast_in_dim3A_2486 : vector<16xi1>, vector<16xf32>
    %max3A_2488 = arith.maximumf %max3A_2484, %select_n3A_2487 : vector<16xf32>
    %jit3A_2489 = arith.constant 0xFF800000 : f32
    %broadcast_in_dim3A_2490 = vector.broadcast %jit3A_2489 : f32 to vector<16xf32>
    %select_n3A_2491 = arith.select %ge3A_2434, %get3A_2378, %broadcast_in_dim3A_2490 : vector<16xi1>, vector<16xf32>
    %max3A_2492 = arith.maximumf %max3A_2488, %select_n3A_2491 : vector<16xf32>
    %jit3A_2493 = arith.constant 0xFF800000 : f32
    %broadcast_in_dim3A_2494 = vector.broadcast %jit3A_2493 : f32 to vector<16xf32>
    %select_n3A_2495 = arith.select %ge3A_2437, %get3A_2382, %broadcast_in_dim3A_2494 : vector<16xi1>, vector<16xf32>
    %max3A_2496 = arith.maximumf %max3A_2492, %select_n3A_2495 : vector<16xf32>
    %jit3A_2497 = arith.constant 0xFF800000 : f32
    %broadcast_in_dim3A_2498 = vector.broadcast %jit3A_2497 : f32 to vector<16xf32>
    %select_n3A_2499 = arith.select %ge3A_2440, %get3A_2386, %broadcast_in_dim3A_2498 : vector<16xi1>, vector<16xf32>
    %max3A_2500 = arith.maximumf %max3A_2496, %select_n3A_2499 : vector<16xf32>
    %jit3A_2501 = arith.constant 0xFF800000 : f32
    %broadcast_in_dim3A_2502 = vector.broadcast %jit3A_2501 : f32 to vector<16xf32>
    %select_n3A_2503 = arith.select %ge3A_2443, %get3A_2390, %broadcast_in_dim3A_2502 : vector<16xi1>, vector<16xf32>
    %max3A_2504 = arith.maximumf %max3A_2500, %select_n3A_2503 : vector<16xf32>
    %jit3A_2505 = arith.constant 0xFF800000 : f32
    %broadcast_in_dim3A_2506 = vector.broadcast %jit3A_2505 : f32 to vector<16xf32>
    %select_n3A_2507 = arith.select %ge3A_2446, %get3A_2394, %broadcast_in_dim3A_2506 : vector<16xi1>, vector<16xf32>
    %max3A_2508 = arith.maximumf %max3A_2504, %select_n3A_2507 : vector<16xf32>
    %jit3A_2509 = arith.constant 0xFF800000 : f32
    %broadcast_in_dim3A_2510 = vector.broadcast %jit3A_2509 : f32 to vector<16xf32>
    %select_n3A_2511 = arith.select %ge3A_2449, %get3A_2398, %broadcast_in_dim3A_2510 : vector<16xi1>, vector<16xf32>
    %max3A_2512 = arith.maximumf %max3A_2508, %select_n3A_2511 : vector<16xf32>
    %jit3A_2513 = arith.constant 0xFF800000 : f32
    %broadcast_in_dim3A_2514 = vector.broadcast %jit3A_2513 : f32 to vector<16xf32>
    %select_n3A_2515 = arith.select %ge3A_2452, %get3A_2402, %broadcast_in_dim3A_2514 : vector<16xi1>, vector<16xf32>
    %max3A_2516 = arith.maximumf %max3A_2512, %select_n3A_2515 : vector<16xf32>
    %jit3A_2517 = arith.constant 0xFF800000 : f32
    %broadcast_in_dim3A_2518 = vector.broadcast %jit3A_2517 : f32 to vector<16xf32>
    %select_n3A_2519 = arith.select %ge3A_2455, %get3A_2406, %broadcast_in_dim3A_2518 : vector<16xi1>, vector<16xf32>
    %max3A_2520 = arith.maximumf %max3A_2516, %select_n3A_2519 : vector<16xf32>
    %jit3A_2521 = arith.constant 0xFF800000 : f32
    %broadcast_in_dim3A_2522 = vector.broadcast %jit3A_2521 : f32 to vector<16xf32>
    %select_n3A_2523 = arith.select %ge3A_2458, %get3A_2410, %broadcast_in_dim3A_2522 : vector<16xi1>, vector<16xf32>
    %max3A_2524 = arith.maximumf %max3A_2520, %select_n3A_2523 : vector<16xf32>
    %sub3A_2525 = arith.subf %get3A_2350, %max3A_2524 : vector<16xf32>
    %exp3A_2526 = math.exp %sub3A_2525 : vector<16xf32>
    %jit3A_2527 = arith.constant 0.000000e+00 : f32
    %broadcast_in_dim3A_2528 = vector.broadcast %jit3A_2527 : f32 to vector<16xf32>
    %select_n3A_2529 = arith.select %ge3A_2413, %exp3A_2526, %broadcast_in_dim3A_2528 : vector<16xi1>, vector<16xf32>
    %sub3A_2530 = arith.subf %get3A_2354, %max3A_2524 : vector<16xf32>
    %exp3A_2531 = math.exp %sub3A_2530 : vector<16xf32>
    %jit3A_2532 = arith.constant 0.000000e+00 : f32
    %broadcast_in_dim3A_2533 = vector.broadcast %jit3A_2532 : f32 to vector<16xf32>
    %select_n3A_2534 = arith.select %ge3A_2416, %exp3A_2531, %broadcast_in_dim3A_2533 : vector<16xi1>, vector<16xf32>
    %sub3A_2535 = arith.subf %get3A_2358, %max3A_2524 : vector<16xf32>
    %exp3A_2536 = math.exp %sub3A_2535 : vector<16xf32>
    %jit3A_2537 = arith.constant 0.000000e+00 : f32
    %broadcast_in_dim3A_2538 = vector.broadcast %jit3A_2537 : f32 to vector<16xf32>
    %select_n3A_2539 = arith.select %ge3A_2419, %exp3A_2536, %broadcast_in_dim3A_2538 : vector<16xi1>, vector<16xf32>
    %sub3A_2540 = arith.subf %get3A_2362, %max3A_2524 : vector<16xf32>
    %exp3A_2541 = math.exp %sub3A_2540 : vector<16xf32>
    %jit3A_2542 = arith.constant 0.000000e+00 : f32
    %broadcast_in_dim3A_2543 = vector.broadcast %jit3A_2542 : f32 to vector<16xf32>
    %select_n3A_2544 = arith.select %ge3A_2422, %exp3A_2541, %broadcast_in_dim3A_2543 : vector<16xi1>, vector<16xf32>
    %sub3A_2545 = arith.subf %get3A_2366, %max3A_2524 : vector<16xf32>
    %exp3A_2546 = math.exp %sub3A_2545 : vector<16xf32>
    %jit3A_2547 = arith.constant 0.000000e+00 : f32
    %broadcast_in_dim3A_2548 = vector.broadcast %jit3A_2547 : f32 to vector<16xf32>
    %select_n3A_2549 = arith.select %ge3A_2425, %exp3A_2546, %broadcast_in_dim3A_2548 : vector<16xi1>, vector<16xf32>
    %sub3A_2550 = arith.subf %get3A_2370, %max3A_2524 : vector<16xf32>
    %exp3A_2551 = math.exp %sub3A_2550 : vector<16xf32>
    %jit3A_2552 = arith.constant 0.000000e+00 : f32
    %broadcast_in_dim3A_2553 = vector.broadcast %jit3A_2552 : f32 to vector<16xf32>
    %select_n3A_2554 = arith.select %ge3A_2428, %exp3A_2551, %broadcast_in_dim3A_2553 : vector<16xi1>, vector<16xf32>
    %sub3A_2555 = arith.subf %get3A_2374, %max3A_2524 : vector<16xf32>
    %exp3A_2556 = math.exp %sub3A_2555 : vector<16xf32>
    %jit3A_2557 = arith.constant 0.000000e+00 : f32
    %broadcast_in_dim3A_2558 = vector.broadcast %jit3A_2557 : f32 to vector<16xf32>
    %select_n3A_2559 = arith.select %ge3A_2431, %exp3A_2556, %broadcast_in_dim3A_2558 : vector<16xi1>, vector<16xf32>
    %sub3A_2560 = arith.subf %get3A_2378, %max3A_2524 : vector<16xf32>
    %exp3A_2561 = math.exp %sub3A_2560 : vector<16xf32>
    %jit3A_2562 = arith.constant 0.000000e+00 : f32
    %broadcast_in_dim3A_2563 = vector.broadcast %jit3A_2562 : f32 to vector<16xf32>
    %select_n3A_2564 = arith.select %ge3A_2434, %exp3A_2561, %broadcast_in_dim3A_2563 : vector<16xi1>, vector<16xf32>
    %sub3A_2565 = arith.subf %get3A_2382, %max3A_2524 : vector<16xf32>
    %exp3A_2566 = math.exp %sub3A_2565 : vector<16xf32>
    %jit3A_2567 = arith.constant 0.000000e+00 : f32
    %broadcast_in_dim3A_2568 = vector.broadcast %jit3A_2567 : f32 to vector<16xf32>
    %select_n3A_2569 = arith.select %ge3A_2437, %exp3A_2566, %broadcast_in_dim3A_2568 : vector<16xi1>, vector<16xf32>
    %sub3A_2570 = arith.subf %get3A_2386, %max3A_2524 : vector<16xf32>
    %exp3A_2571 = math.exp %sub3A_2570 : vector<16xf32>
    %jit3A_2572 = arith.constant 0.000000e+00 : f32
    %broadcast_in_dim3A_2573 = vector.broadcast %jit3A_2572 : f32 to vector<16xf32>
    %select_n3A_2574 = arith.select %ge3A_2440, %exp3A_2571, %broadcast_in_dim3A_2573 : vector<16xi1>, vector<16xf32>
    %sub3A_2575 = arith.subf %get3A_2390, %max3A_2524 : vector<16xf32>
    %exp3A_2576 = math.exp %sub3A_2575 : vector<16xf32>
    %jit3A_2577 = arith.constant 0.000000e+00 : f32
    %broadcast_in_dim3A_2578 = vector.broadcast %jit3A_2577 : f32 to vector<16xf32>
    %select_n3A_2579 = arith.select %ge3A_2443, %exp3A_2576, %broadcast_in_dim3A_2578 : vector<16xi1>, vector<16xf32>
    %sub3A_2580 = arith.subf %get3A_2394, %max3A_2524 : vector<16xf32>
    %exp3A_2581 = math.exp %sub3A_2580 : vector<16xf32>
    %jit3A_2582 = arith.constant 0.000000e+00 : f32
    %broadcast_in_dim3A_2583 = vector.broadcast %jit3A_2582 : f32 to vector<16xf32>
    %select_n3A_2584 = arith.select %ge3A_2446, %exp3A_2581, %broadcast_in_dim3A_2583 : vector<16xi1>, vector<16xf32>
    %sub3A_2585 = arith.subf %get3A_2398, %max3A_2524 : vector<16xf32>
    %exp3A_2586 = math.exp %sub3A_2585 : vector<16xf32>
    %jit3A_2587 = arith.constant 0.000000e+00 : f32
    %broadcast_in_dim3A_2588 = vector.broadcast %jit3A_2587 : f32 to vector<16xf32>
    %select_n3A_2589 = arith.select %ge3A_2449, %exp3A_2586, %broadcast_in_dim3A_2588 : vector<16xi1>, vector<16xf32>
    %sub3A_2590 = arith.subf %get3A_2402, %max3A_2524 : vector<16xf32>
    %exp3A_2591 = math.exp %sub3A_2590 : vector<16xf32>
    %jit3A_2592 = arith.constant 0.000000e+00 : f32
    %broadcast_in_dim3A_2593 = vector.broadcast %jit3A_2592 : f32 to vector<16xf32>
    %select_n3A_2594 = arith.select %ge3A_2452, %exp3A_2591, %broadcast_in_dim3A_2593 : vector<16xi1>, vector<16xf32>
    %sub3A_2595 = arith.subf %get3A_2406, %max3A_2524 : vector<16xf32>
    %exp3A_2596 = math.exp %sub3A_2595 : vector<16xf32>
    %jit3A_2597 = arith.constant 0.000000e+00 : f32
    %broadcast_in_dim3A_2598 = vector.broadcast %jit3A_2597 : f32 to vector<16xf32>
    %select_n3A_2599 = arith.select %ge3A_2455, %exp3A_2596, %broadcast_in_dim3A_2598 : vector<16xi1>, vector<16xf32>
    %sub3A_2600 = arith.subf %get3A_2410, %max3A_2524 : vector<16xf32>
    %exp3A_2601 = math.exp %sub3A_2600 : vector<16xf32>
    %jit3A_2602 = arith.constant 0.000000e+00 : f32
    %broadcast_in_dim3A_2603 = vector.broadcast %jit3A_2602 : f32 to vector<16xf32>
    %select_n3A_2604 = arith.select %ge3A_2458, %exp3A_2601, %broadcast_in_dim3A_2603 : vector<16xi1>, vector<16xf32>
    %broadcast_in_dim3A_2605 = arith.constant 0.000000e+00 : f32
    %broadcast_in_dim3A_2606 = vector.broadcast %broadcast_in_dim3A_2605 : f32 to vector<16xf32>
    %sub3A_2607 = arith.subf %broadcast_in_dim3A_2606, %max3A_2524 : vector<16xf32>
    %exp3A_2608 = math.exp %sub3A_2607 : vector<16xf32>
    %sub3A_2609 = arith.constant 3.000000e+01 : f32
    %sub3A_2610 = vector.broadcast %sub3A_2609 : f32 to vector<16xf32>
    %sub3A_2611 = arith.subf %sub3A_2610, %max3A_2345 : vector<16xf32>
    %mul3A_2612 = arith.mulf %sub3A_2611, %exp3A_2608 : vector<16xf32>
    %add3A_2613 = arith.addf %mul3A_2612, %select_n3A_2529 : vector<16xf32>
    %add3A_2614 = arith.addf %add3A_2613, %select_n3A_2534 : vector<16xf32>
    %add3A_2615 = arith.addf %add3A_2614, %select_n3A_2539 : vector<16xf32>
    %add3A_2616 = arith.addf %add3A_2615, %select_n3A_2544 : vector<16xf32>
    %add3A_2617 = arith.addf %add3A_2616, %select_n3A_2549 : vector<16xf32>
    %add3A_2618 = arith.addf %add3A_2617, %select_n3A_2554 : vector<16xf32>
    %add3A_2619 = arith.addf %add3A_2618, %select_n3A_2559 : vector<16xf32>
    %add3A_2620 = arith.addf %add3A_2619, %select_n3A_2564 : vector<16xf32>
    %add3A_2621 = arith.addf %add3A_2620, %select_n3A_2569 : vector<16xf32>
    %add3A_2622 = arith.addf %add3A_2621, %select_n3A_2574 : vector<16xf32>
    %add3A_2623 = arith.addf %add3A_2622, %select_n3A_2579 : vector<16xf32>
    %add3A_2624 = arith.addf %add3A_2623, %select_n3A_2584 : vector<16xf32>
    %add3A_2625 = arith.addf %add3A_2624, %select_n3A_2589 : vector<16xf32>
    %add3A_2626 = arith.addf %add3A_2625, %select_n3A_2594 : vector<16xf32>
    %add3A_2627 = arith.addf %add3A_2626, %select_n3A_2599 : vector<16xf32>
    %add3A_2628 = arith.addf %add3A_2627, %select_n3A_2604 : vector<16xf32>
    %div3A_2629 = arith.divf %exp3A_2608, %add3A_2628 : vector<16xf32>
    %mul3A_2630 = arith.mulf %sub3A_2611, %div3A_2629 : vector<16xf32>
    %div3A_2631 = arith.divf %select_n3A_2529, %add3A_2628 : vector<16xf32>
    %add3A_2632 = arith.addf %mul3A_2630, %div3A_2631 : vector<16xf32>
    %div3A_2633 = arith.divf %select_n3A_2534, %add3A_2628 : vector<16xf32>
    %add3A_2634 = arith.addf %add3A_2632, %div3A_2633 : vector<16xf32>
    %div3A_2635 = arith.divf %select_n3A_2539, %add3A_2628 : vector<16xf32>
    %add3A_2636 = arith.addf %add3A_2634, %div3A_2635 : vector<16xf32>
    %div3A_2637 = arith.divf %select_n3A_2544, %add3A_2628 : vector<16xf32>
    %add3A_2638 = arith.addf %add3A_2636, %div3A_2637 : vector<16xf32>
    %div3A_2639 = arith.divf %select_n3A_2549, %add3A_2628 : vector<16xf32>
    %add3A_2640 = arith.addf %add3A_2638, %div3A_2639 : vector<16xf32>
    %div3A_2641 = arith.divf %select_n3A_2554, %add3A_2628 : vector<16xf32>
    %add3A_2642 = arith.addf %add3A_2640, %div3A_2641 : vector<16xf32>
    %div3A_2643 = arith.divf %select_n3A_2559, %add3A_2628 : vector<16xf32>
    %add3A_2644 = arith.addf %add3A_2642, %div3A_2643 : vector<16xf32>
    %div3A_2645 = arith.divf %select_n3A_2564, %add3A_2628 : vector<16xf32>
    %add3A_2646 = arith.addf %add3A_2644, %div3A_2645 : vector<16xf32>
    %div3A_2647 = arith.divf %select_n3A_2569, %add3A_2628 : vector<16xf32>
    %add3A_2648 = arith.addf %add3A_2646, %div3A_2647 : vector<16xf32>
    %div3A_2649 = arith.divf %select_n3A_2574, %add3A_2628 : vector<16xf32>
    %add3A_2650 = arith.addf %add3A_2648, %div3A_2649 : vector<16xf32>
    %div3A_2651 = arith.divf %select_n3A_2579, %add3A_2628 : vector<16xf32>
    %add3A_2652 = arith.addf %add3A_2650, %div3A_2651 : vector<16xf32>
    %div3A_2653 = arith.divf %select_n3A_2584, %add3A_2628 : vector<16xf32>
    %add3A_2654 = arith.addf %add3A_2652, %div3A_2653 : vector<16xf32>
    %div3A_2655 = arith.divf %select_n3A_2589, %add3A_2628 : vector<16xf32>
    %add3A_2656 = arith.addf %add3A_2654, %div3A_2655 : vector<16xf32>
    %div3A_2657 = arith.divf %select_n3A_2594, %add3A_2628 : vector<16xf32>
    %add3A_2658 = arith.addf %add3A_2656, %div3A_2657 : vector<16xf32>
    %div3A_2659 = arith.divf %select_n3A_2599, %add3A_2628 : vector<16xf32>
    %add3A_2660 = arith.addf %add3A_2658, %div3A_2659 : vector<16xf32>
    %div3A_2661 = arith.divf %select_n3A_2604, %add3A_2628 : vector<16xf32>
    %add3A_2662 = arith.addf %add3A_2660, %div3A_2661 : vector<16xf32>
    %swap3A_2663 = arith.constant 112 : index
    %swap3A_2664 = tpu.vector_load %arg7[%swap3A_2663] {strides = array<i32>} : memref<128xf32, #tpu.memory_space<vmem>>, vector<16xf32>,
    tpu.vector_store %arg7[%swap3A_2663], %add3A_2662 {strides = array<i32>} : memref<128xf32, #tpu.memory_space<vmem>>, vector<16xf32>,
    "tpu.region"() ({
      %run_scoped3A = tpu.sem_alloc : memref<!tpu.dma_semaphore, #tpu.memory_space<semaphore_mem>>
      %dma_start3A_2665 = tpu.memref_slice %arg4[%mul3A_2] : memref<4096xf32, #tpu.memory_space<hbm>> -> memref<128xf32, #tpu.memory_space<hbm>>
      %dma_start3A_2666 = tpu.memref_slice %arg4[%mul3A_2] : memref<4096xf32, #tpu.memory_space<hbm>> -> memref<128xf32, #tpu.memory_space<hbm>>
      tpu.enqueue_dma source(%arg7 : memref<128xf32, #tpu.memory_space<vmem>>) target(%dma_start3A_2666 : memref<128xf32, #tpu.memory_space<hbm>>) target_semaphore(%run_scoped3A : memref<!tpu.dma_semaphore, #tpu.memory_space<semaphore_mem>>)
      %dma_wait3A_2667 = tpu.memref_slice %arg4[%mul3A_2] : memref<4096xf32, #tpu.memory_space<hbm>> -> memref<128xf32, #tpu.memory_space<hbm>>
      %dma_wait3A_2668 = tpu.memref_slice %arg4[%mul3A_2] : memref<4096xf32, #tpu.memory_space<hbm>> -> memref<128xf32, #tpu.memory_space<hbm>>
      tpu.wait_dma2 semaphore(%run_scoped3A : memref<!tpu.dma_semaphore, #tpu.memory_space<semaphore_mem>>) src(%arg7 : memref<128xf32, #tpu.memory_space<vmem>>) dst(%dma_wait3A_2668 : memref<128xf32, #tpu.memory_space<hbm>>)
      tpu.yield
    }) : () -> ()
    return
  }
}

module attributes {stable_mosaic.version = 14 : i64} {
  func.func @_scores_body(%arg0: i32, %arg1: memref<2048x768xf32, #tpu.memory_space<vmem>>, %arg2: memref<1x16x768xf32, #tpu.memory_space<vmem>>, %arg3: memref<1x16x768xf32, #tpu.memory_space<vmem>>, %arg4: memref<16x2048xf32, #tpu.memory_space<vmem>>) attributes {dimension_semantics = [#tpu.dimension_semantics<arbitrary>], iteration_bounds = array<i64: 2>, scalar_prefetch = 0 : i64, scratch_operands = 0 : i64, tpu.core_type = #tpu.core_type<tc>, window_params = [{transform_indices = @transform_0, window_bounds = array<i64: 2048, 768>}, {transform_indices = @transform_1, window_bounds = array<i64: 1, 16, 768>}, {transform_indices = @transform_2, window_bounds = array<i64: 1, 16, 768>}, {transform_indices = @transform_3, window_bounds = array<i64: 16, 2048>}]} {
    %get3A = arith.constant 0 : index
    %get3A_0 = arith.constant 0 : index
    %get3A_1 = arith.constant 0 : index
    %get3A_2 = vector.load %arg2[%get3A, %get3A_0, %get3A_1] : memref<1x16x768xf32, #tpu.memory_space<vmem>>, vector<1x16x768xf32>
    %get3A_3 = vector.shape_cast %get3A_2 : vector<1x16x768xf32> to vector<16x768xf32>
    %get3A_4 = arith.constant 0 : index
    %get3A_5 = arith.constant 0 : index
    %get3A_6 = arith.constant 0 : index
    %get3A_7 = vector.load %arg3[%get3A_4, %get3A_5, %get3A_6] : memref<1x16x768xf32, #tpu.memory_space<vmem>>, vector<1x16x768xf32>
    %get3A_8 = vector.shape_cast %get3A_7 : vector<1x16x768xf32> to vector<16x768xf32>
    %add3A = arith.addf %get3A_3, %get3A_8 : vector<16x768xf32>
    %get3A_9 = arith.constant 0 : index
    %get3A_10 = arith.constant 0 : index
    %get3A_11 = vector.load %arg1[%get3A_9, %get3A_10] : memref<2048x768xf32, #tpu.memory_space<vmem>>, vector<2048x768xf32>
    %dot_general3A = arith.constant dense<0.000000e+00> : vector<16x2048xf32>
    %dot_general3A_12 = tpu.matmul %add3A, %get3A_11, %dot_general3A {dimension_numbers = #tpu.dot_dimension_numbers<[1], [1], [0], [0], [0, 0, 1, 0], [], []>, transpose_lhs_hint = false} : vector<16x768xf32>, vector<2048x768xf32>, vector<16x2048xf32> -> vector<16x2048xf32>
    %mul3A = arith.constant 0.0360843912 : f32
    %mul3A_13 = vector.broadcast %mul3A : f32 to vector<16x2048xf32>
    %mul3A_14 = arith.mulf %dot_general3A_12, %mul3A_13 : vector<16x2048xf32>
    %swap3A = arith.constant 0 : index
    %swap3A_15 = arith.constant 0 : index
    %swap3A_16 = vector.load %arg4[%swap3A, %swap3A_15] : memref<16x2048xf32, #tpu.memory_space<vmem>>, vector<16x2048xf32>
    tpu.vector_store %arg4[%swap3A, %swap3A_15], %mul3A_14 {strides = array<i32>} : memref<16x2048xf32, #tpu.memory_space<vmem>>, vector<16x2048xf32>,
    return
  }
  func.func @transform_0(%arg0: i32) -> (i32, i32) {
    %c0_i32 = arith.constant 0 : i32
    %c0_i32_0 = arith.constant 0 : i32
    return %arg0, %c0_i32 : i32, i32
  }
  func.func @transform_1(%arg0: i32) -> (i32, i32, i32) {
    %c0_i32 = arith.constant 0 : i32
    %c0_i32_0 = arith.constant 0 : i32
    %c0_i32_1 = arith.constant 0 : i32
    %c0_i32_2 = arith.constant 0 : i32
    return %c0_i32, %c0_i32_0, %c0_i32_1 : i32, i32, i32
  }
  func.func @transform_2(%arg0: i32) -> (i32, i32, i32) {
    %c0_i32 = arith.constant 0 : i32
    %c0_i32_0 = arith.constant 0 : i32
    %c0_i32_1 = arith.constant 0 : i32
    %c0_i32_2 = arith.constant 0 : i32
    return %c0_i32, %c0_i32_0, %c0_i32_1 : i32, i32, i32
  }
  func.func @transform_3(%arg0: i32) -> (i32, i32) {
    %c0_i32 = arith.constant 0 : i32
    %c0_i32_0 = arith.constant 0 : i32
    return %c0_i32, %arg0 : i32, i32
  }
}

module attributes {stable_mosaic.version = 14 : i64} {
  func.func @_scale_body(%arg0: i32, %arg1: memref<2048x1xf32, #tpu.memory_space<vmem>>, %arg2: memref<2048x768xf32, #tpu.memory_space<vmem>>, %arg3: memref<2048x768xf32, #tpu.memory_space<vmem>>) attributes {dimension_semantics = [#tpu.dimension_semantics<arbitrary>], iteration_bounds = array<i64: 2>, scalar_prefetch = 0 : i64, scratch_operands = 0 : i64, tpu.core_type = #tpu.core_type<tc>, window_params = [{transform_indices = @transform_0, window_bounds = array<i64: 2048, 1>}, {transform_indices = @transform_1, window_bounds = array<i64: 2048, 768>}, {transform_indices = @transform_2, window_bounds = array<i64: 2048, 768>}]} {
    %get3A = arith.constant 0 : index
    %get3A_0 = arith.constant 0 : index
    %get3A_1 = vector.load %arg2[%get3A, %get3A_0] : memref<2048x768xf32, #tpu.memory_space<vmem>>, vector<2048x768xf32>
    %get3A_2 = arith.constant 0 : index
    %get3A_3 = arith.constant 0 : index
    %get3A_4 = vector.load %arg1[%get3A_2, %get3A_3] : memref<2048x1xf32, #tpu.memory_space<vmem>>, vector<2048x1xf32>
    %mul3A = vector.broadcast %get3A_4 : vector<2048x1xf32> to vector<2048x768xf32>
    %mul3A_5 = arith.mulf %get3A_1, %mul3A : vector<2048x768xf32>
    %swap3A = arith.constant 0 : index
    %swap3A_6 = arith.constant 0 : index
    %swap3A_7 = vector.load %arg3[%swap3A, %swap3A_6] : memref<2048x768xf32, #tpu.memory_space<vmem>>, vector<2048x768xf32>
    tpu.vector_store %arg3[%swap3A, %swap3A_6], %mul3A_5 {strides = array<i32>} : memref<2048x768xf32, #tpu.memory_space<vmem>>, vector<2048x768xf32>,
    return
  }
  func.func @transform_0(%arg0: i32) -> (i32, i32) {
    %c0_i32 = arith.constant 0 : i32
    %c0_i32_0 = arith.constant 0 : i32
    return %arg0, %c0_i32 : i32, i32
  }
  func.func @transform_1(%arg0: i32) -> (i32, i32) {
    %c0_i32 = arith.constant 0 : i32
    %c0_i32_0 = arith.constant 0 : i32
    return %arg0, %c0_i32 : i32, i32
  }
  func.func @transform_2(%arg0: i32) -> (i32, i32) {
    %c0_i32 = arith.constant 0 : i32
    %c0_i32_0 = arith.constant 0 : i32
    return %arg0, %c0_i32 : i32, i32
  }
}

</mosaic_0001>

<sc_bundles>
// kernel: kernel.5.cloned.1.call-start
scs
__scs_entry_jumppad:
0x0: {  	(pc) =	sbr.rel $0x88, $3  }
0x1: {  	(tag) =	ssettag $0x0;
	lr =	simm.s32 $0x1  }
0x2: {  	[smem:$0x3F9C] =	sst lr;
	_ =	strace $0xD0000000  }
0x3: {  	_ = 	snop  }
0x4: {  	_ = 	snop  }
0x5: {  	_ = 	snop  }
0x6: {  	_ = 	snop  }
0x7: {  	_ = 	snop  }
__scs_overlays_trampoline_lowered:
0x8: {  	[smem:$0x3FAB] =	sst s0  }
0x9: {  	[smem:$0x3FAC] =	sst s1  }
0xa: {  	[smem:$0x3FAD] =	sst s2  }
0xb: {  	[smem:$0x3FAE] =	sst s3  }
0xc: {  	[smem:$0x3FAF] =	sst s4  }
0xd: {  	[smem:$0x3FB0] =	sst s5  }
0xe: {  	[smem:$0x3FB1] =	sst s6  }
0xf: {  	[smem:$0x3FB2] =	sst s7  }
0x10: {  	[smem:$0x3FB3] =	sst s8  }
0x11: {  	[smem:$0x3FB4] =	sst s9;
	s0 =	simm.s32 @!p0 $0x0  }
0x12: {  	s1 =	sld [smem:$0x3F9A];
	s0 =	simm.s32 @p0 $0x1  }
0x13: {  	[smem:$0x3FB5] =	sst s0;
	s0 =	simm.s32 @!p1 $0x0  }
0x14: {  	s2 =	sld [smem:$0x3F99];
	s0 =	simm.s32 @p1 $0x1  }
0x15: {  	[smem:$0x3FB6] =	sst s0;
	s0 =	simm.s32 @!p2 $0x0  }
0x16: {  	s3 =	sld [smem:$0x3FDB];
	s0 =	simm.s32 @p2 $0x1  }
0x17: {  	s4 =	simm.s32 $0x1BF5;
	[smem:$0x3FB8] =	sst s0  }
0x18: {  	s0 =	sld [smem:$0x3F9B];
	_ =	swait.ge [sflag:s4], $0x0  }
0x19: {  	s7 =	sld [smem:$0x3F9C]  }
0x1a: {  	s8 =	sadd.s32 $0xFFFFE003, lr  }
0x1b: {  	s9 =	sadd.s32 $0xFFFFFEF7, lr;
	s5 =	simm.s32 $0xFFFFFFFF;
	p2 =	slt.u32 s8, $0xFFFFF086  }
0x1c: {  	p1 =	slt.u32 s9, $0xF7A;
	s5 =	simm.s32 @!p2 $0x0  }
0x1d: {  	s5 =	simm.s32 @p1 $0x1;
	p0 =	seq.s32 s7, s2  }
0x1e: {  	s7 =	smul.u32 @!p0 $0xF7A, s2;
	p2 =	seq.s32 @!p0 s5, $0x0  }
0x1f: {  	s9 =	smul.u32 $0xF7A, s1;
	s8 =	simm.s32 @!p0 $0x1BF5;
	p2 =	por !p2, p0  }
0x20: {  	[sflag:s8] =	ssyncset.s32 @!p0 $0xFFFFF086;
	s6 =	sadd.s32 @!p0 s3, s7;
	s7 =	simm.s32 @!p0 $0x108  }
0x21: {  	s3 =	sadd.s32 s3, s9;
	s6 =	sadd.s32 @!p0 $0x88, s6;
	s7 =	simm.s32 @p2 $0x1082  }
0x22: {  	[simem:s7], [sflag:s8] =	dma.local @!p0 [hbm:s6], $0xF7A  }
0x23: {  	s9 =	sor.u32 $0xD0000000, s2;
	s6 =	simm.s32 $0x108;
	_ =	swait.ge @!p0 [sflag:s8], $0x0  }
0x24: {  	s3 =	sadd.s32 $0x88, s3;
	s6 =	simm.s32 @!p1 $0x1082;
	[sflag:s4] =	ssyncset.s32 $0xFFFFF086  }
0x25: {  	[simem:s6], [sflag:s4] =	dma.local [hbm:s3], $0xF7A  }
0x26: {  	[smem:$0x3F9C] =	sst s1;
	(tag) =	ssettag s2;
	_ =	strace s9  }
0x27: {  	s1 =	sld [smem:$0x3FAC]  }
0x28: {  	s2 =	sld [smem:$0x3FAD]  }
0x29: {  	s4 =	sld [smem:$0x3FAF]  }
0x2a: {  	p0 =	seq.s32 s5, $0x0;
	s5 =	sld [smem:$0x3FB0]  }
0x2b: {  	s6 =	sld [smem:$0x3FB1]  }
0x2c: {  	s7 =	sld [smem:$0x3FB2]  }
0x2d: {  	s3 =	simm.s32 $0x108;
	s8 =	sld [smem:$0x3FB3]  }
0x2e: {  	s3 =	simm.s32 @!p0 $0x1082;
	s9 =	sld [smem:$0x3FB4]  }
0x2f: {  	lr =	sadd.s32 s0, s3;
	s0 =	sld [smem:$0x3FAB]  }
0x30: {  	s3 =	sld [smem:$0x3FAE]  }
0x31: {  	[smem:$0x3FB7] =	sst s10  }
0x32: {  	s10 =	sld [smem:$0x3FB5];
	_ =	sdelay $0x3  }
0x33: {  	p0 =	seq.s32 s10, $0x1;
	s10 =	sld [smem:$0x3FB7];
	_ =	sdelay $0x3  }
0x34: {  	[smem:$0x3FB7] =	sst s10  }
0x35: {  	s10 =	sld [smem:$0x3FB6];
	_ =	sdelay $0x3  }
0x36: {  	p1 =	seq.s32 s10, $0x1;
	s10 =	sld [smem:$0x3FB7];
	_ =	sdelay $0x3  }
0x37: {  	[smem:$0x3FB7] =	sst s10  }
0x38: {  	s10 =	sld [smem:$0x3FB8]  }
0x39: {  	_ = 	snop;
	(pc) =	sbr.ind lr, $3  }
0x3a: {  	_ = 	snop  }
0x3b: {  	_ = 	snop  }
0x3c: {  	p2 =	seq.s32 s10, $0x1;
	s10 =	sld [smem:$0x3FB7]  }
0x3d: {  	_ =	shalt  }
0x3e: {  	_ =	shalt  }
0x3f: {  	_ =	shalt  }
0x40: {  	_ =	shalt  }
0x41: {  	_ =	shalt  }
0x42: {  	_ =	shalt  }
0x43: {  	_ =	shalt  }
0x44: {  	_ =	shalt  }
0x45: {  	_ =	shalt  }
0x46: {  	_ =	shalt  }
0x47: {  	_ =	shalt  }
0x48: {  	_ =	shalt  }
0x49: {  	_ =	shalt  }
0x4a: {  	_ =	shalt  }
0x4b: {  	_ =	shalt  }
0x4c: {  	_ =	shalt  }
0x4d: {  	_ =	shalt  }
0x4e: {  	_ =	shalt  }
0x4f: {  	_ =	shalt  }
0x50: {  	_ =	shalt  }
0x51: {  	_ =	shalt  }
0x52: {  	_ =	shalt  }
0x53: {  	_ =	shalt  }
0x54: {  	_ =	shalt  }
0x55: {  	_ =	shalt  }
0x56: {  	_ =	shalt  }
0x57: {  	_ =	shalt  }
0x58: {  	_ =	shalt  }
0x59: {  	_ =	shalt  }
0x5a: {  	_ =	shalt  }
0x5b: {  	_ =	shalt  }
0x5c: {  	_ =	shalt  }
0x5d: {  	_ =	shalt  }
0x5e: {  	_ =	shalt  }
0x5f: {  	_ =	shalt  }
0x60: {  	_ =	shalt  }
0x61: {  	_ =	shalt  }
0x62: {  	_ =	shalt  }
0x63: {  	_ =	shalt  }
0x64: {  	_ =	shalt  }
0x65: {  	_ =	shalt  }
0x66: {  	_ =	shalt  }
0x67: {  	_ =	shalt  }
0x68: {  	_ =	shalt  }
0x69: {  	_ =	shalt  }
0x6a: {  	_ =	shalt  }
0x6b: {  	_ =	shalt  }
0x6c: {  	_ =	shalt  }
0x6d: {  	_ =	shalt  }
0x6e: {  	_ =	shalt  }
0x6f: {  	_ =	shalt  }
0x70: {  	_ =	shalt  }
0x71: {  	_ =	shalt  }
0x72: {  	_ =	shalt  }
0x73: {  	_ =	shalt  }
0x74: {  	_ =	shalt  }
0x75: {  	_ =	shalt  }
0x76: {  	_ =	shalt  }
0x77: {  	_ =	shalt  }
0x78: {  	_ =	shalt  }
0x79: {  	_ =	shalt  }
0x7a: {  	_ =	shalt  }
0x7b: {  	_ =	shalt  }
0x7c: {  	_ =	shalt  }
0x7d: {  	_ =	shalt  }
0x7e: {  	_ =	shalt  }
0x7f: {  	_ =	shalt  }
0x80: {  	_ =	shalt  }
0x81: {  	_ =	shalt  }
0x82: {  	_ =	shalt  }
0x83: {  	_ =	shalt  }
0x84: {  	_ =	shalt  }
0x85: {  	_ =	shalt  }
0x86: {  	_ =	shalt  }
0x87: {  	_ =	shalt  }
.Lfunc_end0:
.L_simem_size_0:
called_computation_lowered:
.L_overlay_start_0:
0x88: {  	s2 =	sld [smem:$0x3FD9]  }
0x89: {  	s3 =	sld [smem:$0x3FFE];
	_ =	sdelay $0x1  }
0x8a: {  	s1 =	srdreg.scid  }
0x8b: {  	s0 =	sand.u32 $0x1, s1  }
0x8c: {  	s17 =	sshll.u32 s0, $0xA;
	s2 =	sadd.s32 s3, s2  }
0x8d: {  	s2 =	sadd.s32 s2, s17  }
0x8e: {  	[smem:$0x3FC3] =	sst s2  }
0x8f: {  	_ = 	snop  }
0x90: {  	s2 =	sld [smem:$0x3FD0];
	(tm) =	ssettm $0x1  }
0x91: {  	s18 =	sld [smem:$0x3FFB];
	_ =	sdelay $0x3  }
0x92: {  	_ =	strace s18  }
0x93: {  	s3 =	sld [smem:$0x3FFC];
	_ =	sdelay $0x3  }
0x94: {  	_ =	strace s3  }
0x95: {  	s3 =	sld [smem:$0x3FFD];
	_ =	sdelay $0x3  }
0x96: {  	_ =	strace s3  }
0x97: {  	_ =	strace $0x8FFFFFFF  }
0x98: {  	s19 =	sld [smem:$0x3FDB];
	_ =	sdelay $0x1  }
0x99: {  	s4 =	simm.s32 $_scs_section_size  }
0x9a: {  	s5 =	simm.s32 $_size__tile_overlayer_lowered;
	s6 =	simm.s32 $_tile_overlayer_lowered  }
0x9b: {  	s22 =	simm.s32 $0x1BFF;
	s21 =	sshll.u32 s6, $0x1;
	s3 =	sadd.s32 s4, s19  }
0x9c: {  	s7 =	simm.s32 $0x0;
	s20 =	sshll.u32 s5, $0x1;
	s5 =	sadd.s32 s21, s3  }
0x9d: {  	[timem:s7], [sflag:s22] =	dma.local [hbm:s5], s20  }
0x9e: {  	_ =	swait.ge [sflag:s22], s20  }
0x9f: {  	s4 =	ssub.s32 $0x0, s20;
	[sflag:s22] =	ssyncset.done $0x0  }
0xa0: {  	[sflag:s22] =	ssyncadd.s32 s4;
	_ =	sdelay $0x1  }
0xa1: {  	s23 =	simm.s32 $0x1B8B  }
0xa2: {  	_ =	swait.ge [sflag:s23], $0x1  }
0xa3: {  	[sflag:s23] =	ssyncset.done $0x0  }
0xa4: {  	s25 =	simm.s32 $0x1B8E;
	s24 =	sld [smem:$0x3FFE];
	[sflag:s23] =	ssyncadd.s32 $0xFFFFFFFF  }
0xa5: {  	s26 =	simm.s32 $execute0_lowered;
	[smem:$0x3FD2] =	sst s25  }
0xa6: {  	s5 =	sshll.u32 s26, $0x1;
	_ =	strace $0x80000046;
	[dreg:$0x1] =	wrdreg $0xFFFFFFFF  }
0xa7: {  	s28 =	simm.s32 $_size_execute0_lowered;
	s3 =	sadd.s32 s3, s5;
	[dreg:$0x0] =	wrdreg $0x0  }
0xa8: {  	s5 =	sshll.u32 s28, $0x1;
	[dreg:$0x2] =	wrdreg s3  }
0xa9: {  	[dreg:$0x3] =	wrdreg s5  }
0xaa: {  	[dreg:$0x4] =	wrdreg $0xC0  }
0xab: {  	_ =	task [dreg:s7], $0x5FFFF  }
0xac: {  	[dreg:$0x1] =	wrdreg $0xFFFFFFFF  }
0xad: {  	[dreg:$0x0] =	wrdreg $0x60  }
0xae: {  	[dreg:$0x2] =	wrdreg s2  }
0xaf: {  	[dreg:$0x3] =	wrdreg s24  }
0xb0: {  	[dreg:$0x4] =	wrdreg $0x9  }
0xb1: {  	_ =	task.clear_ibuf [dreg:s7], $0x5FFFF;
	_ =	strace $0x90000046  }
0xb2: {  	s29 =	simm.s32 $0x9;
	_ =	strace $0x80000048  }
0xb3: {  	_ =	swait.ge [sflag:s29], $0x1  }
0xb4: {  	[sflag:s29] =	ssyncadd.s32 $0xFFFFFFFF  }
0xb5: {  	_ =	strace $0x90000048  }
0xb6: {  	_ =	sfence  }
0xb7: {  	s30 =	sld [smem:$0x0];
	_ =	sdelay $0x2  }
0xb8: {  	s31 =	sshll.u32 s1, $0xD;
	s1 =	sshrl.u32 s1, $0x2  }
0xb9: {  	s3 =	sand.u32 $0x4000, s31;
	s1 =	sadd.s32 s1, s30  }
0xba: {  	s0 =	sor.u32 s3, s0;
	s1 =	sshll.u32 s1, $0x11  }
0xbb: {  	s0 =	sor.u32 s1, s0  }
0xbc: {  	s0 =	sadd.s32 $0x8F2B, s0  }
0xbd: {  	[sflag:s0] =	ssyncadd.remote.s32 $0x1  }
0xbe: {  	_ =	sfence.sel $0xFFFF  }
0xbf: {  	[dreg:$0x0] =	wrdreg $0xFFFFFFFF;
	(pc) =	sbr.abs _section_cstart, $3  }
0xc0: {  	[dreg:$0x1] =	wrdreg $0xFFFFFFFF  }
0xc1: {  	_ =	task.clear_ibuf [dreg:s7], $0x2FFFF;
	_ =	strace $0x9FFFFFFF  }
0xc2: {  	(tm) =	ssettm $0x7FFFFFFF  }
0xc3: {  	_ =	shalt  }
tec
execute0_lowered:
.L_overlay_start_1:
0x0: {  	(tag) =	ssettag $0x1  }
0x1: {  	s4 =	rddreg [dreg:$0x0]  }
0x2: {  	s3 =	rddreg [dreg:$0x1]  }
0x3: {  	s0 =	rddreg [dreg:$0x2]  }
0x4: {  	s5 =	srdreg.scid;
	s1 =	stileid.u32;
	s2 =	simm.s32 $0x0  }
0x5: {  	v0 =	vlaneseq.u32;
	s10 =	simm.s32 $0x1;
	s11 =	simm.s32 $0x2;
	s12 =	simm.s32 $0x900  }
0x6: {  	s5 =	sand.u32 $0x1, s5;
	s6 =	sshll.u32 s1, $0x1;
	[smem:$0x7FF] =	sst s2;
	v0 =	vmul.u32 $0x2, v0  }
0x7: {  	s13 =	simm.s32 $0x3;
	s6 =	sor.u32 s5, s6;
	_ =	strace $0x80000047  }
0x8: {  	s5 =	ssub.s32 $0x2, s5;
	s7 =	sshll.u32 s6, $0x5;
	s8 =	sshll.u32 s6, $0x4;
	v1 =	vor.u32 $0x1, v0;
	v2 =	vor.u32 $0x20, v0;
	v3 =	vor.u32 $0x21, v0  }
0x9: {  	s31 =	sshrl.u32 s5, $0x1;
	s6 =	sshll.u32 s6, $0x7;
	v4 =	vor.u32 $0x40, v0;
	v5 =	vor.u32 $0x41, v0;
	v6 =	vor.u32 $0x60, v0;
	s7 =	sadd.s32 s7, s3  }
0xa: {  	v7 =	vor.u32 $0x61, v0;
	v8 =	vor.u32 $0x80, v0;
	v9 =	vor.u32 $0x81, v0;
	s8 =	sadd.s32 s8, s3;
	s9 =	ssub.s32 s5, s31;
	s4 =	sadd.s32 s4, s6  }
0xb: {  	v10 =	vor.u32 $0xA0, v0;
	v11 =	vor.u32 $0xA1, v0;
	v12 =	vor.u32 $0xC0, v0;
	s3 =	sadd.s32 $0xC00, s7;
	s5 =	sadd.s32 $0x1000, s8;
	s6 =	smax.u32 s9, $0x1  }
0xc: {  	v13 =	vor.u32 $0xC1, v0;
	v14 =	vor.u32 $0xE0, v0;
	v15 =	vor.u32 $0xE1, v0;
	s7 =	simm.s32 $0x800;
	s8 =	simm.s32 $0x400;
	s9 =	simm.s32 $0x8000  }
.LBB2_1:
0xd: {  	[tilespmem:s7], [sflag:$0x1] =	stream.linear.gather [hbm4b:s3+s2], $0x100, $0x38;
	[tilespmem:$0x980] =	vst v63  }
0xe: {  	_ = 	snop  }
0xf: {  	[tilespmem:s2], [sflag:$0x2] =	stream.strided.gather [hbm4b:s4+s8], $0x800, s9, s8, $0x38;
	[tilespmem:$0x980] =	vst v63  }
0x10: {  	_ =	swait.ge [sflag:s10], $0x100  }
0x11: {  	[sflag:s10] =	ssyncset.done $0x0  }
0x12: {  	[sflag:s10] =	ssyncadd.s32 $0xFFFFFF00  }
0x13: {  	_ =	swait.ge [sflag:s11], $0x800  }
0x14: {  	[sflag:s11] =	ssyncset.done $0x0  }
0x15: {  	[sflag:s11] =	ssyncadd.s32 $0xFFFFF800  }
0x16: {  	v16 =	vld.idx.msk [tilespmem:v1+s7+$0x0], $0xffff;
	_ =	sdelay $0x1  }
0x17: {  	v17 =	vld.idx.msk [tilespmem:v0+s7+$0x0], $0xffff;
	_ =	sdelay $0x2  }
0x18: {  	v16 =	vsub.f32 $0.0e+00, v16  }
0x19: {  	v18 =	vld [tilespmem:$0x0]  }
0x1a: {  	v16 =	vmax.f32 v17, v16  }
0x1b: {  	v19 =	vld [tilespmem:$0x80];
	v17 =	vtrunc.f32 v16  }
0x1c: {  	v17 =	vcvt.f32.s32 v17  }
0x1d: {  	v20 =	vld [tilespmem:$0x100]  }
0x1e: {  	v21 =	vmax.f32 v18, $0.0e+00;
	vm0 =	vgt.s32 v17, $0xFFFFFFFF  }
0x1f: {  	v22 =	vld [tilespmem:$0x180];
	v21 =	vnsel vm0, $0x0, v21  }
0x20: {  	vm1 =	vgt.s32 v17, $0x0;
	v23 =	vmax.f32 v21, v19  }
0x21: {  	v24 =	vld [tilespmem:$0x200];
	v21 =	vsel vm1, v23, v21  }
0x22: {  	vm2 =	vgt.s32 v17, $0x1;
	v23 =	vmax.f32 v21, v20  }
0x23: {  	v25 =	vld [tilespmem:$0x280];
	v21 =	vsel vm2, v23, v21  }
0x24: {  	vm3 =	vgt.s32 v17, $0x2;
	v23 =	vmax.f32 v21, v22  }
0x25: {  	v26 =	vld [tilespmem:$0x300];
	v21 =	vsel vm3, v23, v21  }
0x26: {  	vm4 =	vgt.s32 v17, $0x3;
	v23 =	vmax.f32 v21, v24  }
0x27: {  	v27 =	vld [tilespmem:$0x380];
	v21 =	vsel vm4, v23, v21  }
0x28: {  	vm5 =	vgt.s32 v17, $0x4;
	v23 =	vmax.f32 v21, v25  }
0x29: {  	v28 =	vld [tilespmem:$0x400];
	v21 =	vsel vm5, v23, v21  }
0x2a: {  	vm6 =	vgt.s32 v17, $0x5;
	v23 =	vmax.f32 v21, v26  }
0x2b: {  	v29 =	vld [tilespmem:$0x480];
	v21 =	vsel vm6, v23, v21  }
0x2c: {  	vm7 =	vgt.s32 v17, $0x6;
	v23 =	vmax.f32 v21, v27  }
0x2d: {  	v30 =	vld [tilespmem:$0x500];
	v21 =	vsel vm7, v23, v21  }
0x2e: {  	vm8 =	vgt.s32 v17, $0x7;
	v23 =	vmax.f32 v21, v28  }
0x2f: {  	v31 =	vld [tilespmem:$0x580];
	v21 =	vsel vm8, v23, v21  }
0x30: {  	vm9 =	vgt.s32 v17, $0x8;
	v23 =	vmax.f32 v21, v29  }
0x31: {  	v32 =	vld [tilespmem:$0x600];
	v21 =	vsel vm9, v23, v21  }
0x32: {  	vm10 =	vgt.s32 v17, $0x9;
	v23 =	vmax.f32 v21, v30  }
0x33: {  	v33 =	vld [tilespmem:$0x680];
	v21 =	vsel vm10, v23, v21  }
0x34: {  	vm11 =	vgt.s32 v17, $0xA;
	v23 =	vmax.f32 v21, v31  }
0x35: {  	v34 =	vld [tilespmem:$0x700];
	v21 =	vsel vm11, v23, v21  }
0x36: {  	vm12 =	vgt.s32 v17, $0xB;
	v23 =	vmax.f32 v21, v32  }
0x37: {  	v35 =	vld [tilespmem:$0x780];
	v21 =	vsel vm12, v23, v21  }
0x38: {  	vm13 =	vgt.s32 v17, $0xC;
	v23 =	vmax.f32 v21, v33  }
0x39: {  	v21 =	vsel vm13, v23, v21  }
0x3a: {  	vm14 =	vgt.s32 v17, $0xD;
	v23 =	vmax.f32 v21, v34  }
0x3b: {  	v21 =	vsel vm14, v23, v21  }
0x3c: {  	vm15 =	vgt.s32 v17, $0xE;
	v17 =	vmax.f32 v21, v35  }
0x3d: {  	v17 =	vsel vm15, v17, v21  }
0x3e: {  	v18 =	vsub.f32 v18, v17  }
0x3f: {  	v19 =	vsub.f32 v19, v17;
	v20 =	vsub.f32 v20, v17  }
0x40: {  	v21 =	vsub.f32 v22, v17;
	v18 =	vmul.f32 $1.442695020e+00, v18  }
0x41: {  	v57 =	vsub.f32 v24, v17;
	v19 =	vmul.f32 $1.442695020e+00, v19;
	v56 =	vmul.f32 $1.442695020e+00, v20  }
0x42: {  	v59 =	vsub.f32 v25, v17;
	v58 =	vmul.f32 $1.442695020e+00, v21;
	(erf) = vpow2.f32 v18  }
0x43: {  	v61 =	vsub.f32 v26, v17;
	v60 =	vmul.f32 $1.442695020e+00, v57;
	(erf) = vpow2.f32 v19  }
0x44: {  	v63 =	vsub.f32 v27, v17;
	v62 =	vmul.f32 $1.442695020e+00, v59;
	(erf) = vpow2.f32 v56  }
0x45: {  	v25 =	vsub.f32 v28, v17;
	v24 =	vmul.f32 $1.442695020e+00, v61;
	(erf) = vpow2.f32 v58  }
0x46: {  	v27 =	vsub.f32 v29, v17;
	v26 =	vmul.f32 $1.442695020e+00, v63;
	(erf) = vpow2.f32 v60  }
0x47: {  	v29 =	vsub.f32 v30, v17;
	v28 =	vmul.f32 $1.442695020e+00, v25;
	(erf) = vpow2.f32 v62  }
0x48: {  	v31 =	vsub.f32 v31, v17;
	v30 =	vmul.f32 $1.442695020e+00, v27;
	(erf) = vpow2.f32 v24  }
0x49: {  	v37 =	vsub.f32 v32, v17;
	v36 =	vmul.f32 $1.442695020e+00, v29;
	(erf) = vpow2.f32 v26  }
0x4a: {  	v40 =	vsub.f32 v33, v17;
	v39 =	vmul.f32 $1.442695020e+00, v31;
	(erf) = vpow2.f32 v28  }
0x4b: {  	v43 =	vsub.f32 v34, v17;
	v42 =	vmul.f32 $1.442695020e+00, v37;
	v38 =	vpop (erf);
	(erf) = vpow2.f32 v30  }
0x4c: {  	v46 =	vsub.f32 v35, v17;
	v45 =	vmul.f32 $1.442695020e+00, v40;
	v41 =	vpop (erf);
	(erf) = vpow2.f32 v36  }
0x4d: {  	v17 =	vsub.f32 $0.0e+00, v17;
	v48 =	vmul.f32 $1.442695020e+00, v43;
	v44 =	vpop (erf);
	(erf) = vpow2.f32 v39  }
0x4e: {  	v50 =	vmul.f32 $1.442695020e+00, v46;
	v47 =	vpop (erf);
	(erf) = vpow2.f32 v42  }
0x4f: {  	v17 =	vmul.f32 $1.442695020e+00, v17;
	v49 =	vpop (erf);
	(erf) = vpow2.f32 v45  }
0x50: {  	v51 =	vpop (erf);
	(erf) = vpow2.f32 v48  }
0x51: {  	v52 =	vpop (erf);
	(erf) = vpow2.f32 v50  }
0x52: {  	v53 =	vpop (erf);
	(erf) = vpow2.f32 v17  }
0x53: {  	v17 =	vpop (erf)  }
0x54: {  	v54 =	vpop (erf)  }
0x55: {  	v55 =	vpop (erf)  }
0x56: {  	v56 =	vpop (erf)  }
0x57: {  	v57 =	vpop (erf)  }
0x58: {  	v58 =	vpop (erf)  }
0x59: {  	v59 =	vpop (erf)  }
0x5a: {  	v16 =	vsub.f32 $3.000000000e+01, v16;
	v60 =	vpop (erf)  }
0x5b: {  	v61 =	vpop (erf)  }
0x5c: {  	v62 =	vmul.f32 v61, v16  }
0x5d: {  	v22 =	vnsel vm0, $0x0, v38  }
0x5e: {  	v34 =	vadd.f32 v22, v62  }
0x5f: {  	v23 =	vnsel vm1, $0x0, v41  }
0x60: {  	v34 =	vadd.f32 v34, v23  }
0x61: {  	v24 =	vnsel vm2, $0x0, v44  }
0x62: {  	v34 =	vadd.f32 v34, v24  }
0x63: {  	v25 =	vnsel vm3, $0x0, v47  }
0x64: {  	v34 =	vadd.f32 v34, v25  }
0x65: {  	v20 =	vnsel vm4, $0x0, v49  }
0x66: {  	v34 =	vadd.f32 v34, v20  }
0x67: {  	v21 =	vnsel vm5, $0x0, v51  }
0x68: {  	v34 =	vadd.f32 v34, v21  }
0x69: {  	v18 =	vnsel vm6, $0x0, v52  }
0x6a: {  	v34 =	vadd.f32 v34, v18  }
0x6b: {  	v19 =	vnsel vm7, $0x0, v53  }
0x6c: {  	v34 =	vadd.f32 v34, v19  }
0x6d: {  	v17 =	vnsel vm8, $0x0, v17  }
0x6e: {  	v34 =	vadd.f32 v34, v17  }
0x6f: {  	v26 =	vnsel vm9, $0x0, v54  }
0x70: {  	v34 =	vadd.f32 v34, v26  }
0x71: {  	v27 =	vnsel vm10, $0x0, v55  }
0x72: {  	v34 =	vadd.f32 v34, v27  }
0x73: {  	v28 =	vnsel vm11, $0x0, v56  }
0x74: {  	v34 =	vadd.f32 v34, v28  }
0x75: {  	v29 =	vnsel vm12, $0x0, v57  }
0x76: {  	v34 =	vadd.f32 v34, v29  }
0x77: {  	v30 =	vnsel vm13, $0x0, v58  }
0x78: {  	v34 =	vadd.f32 v34, v30  }
0x79: {  	v31 =	vnsel vm14, $0x0, v59  }
0x7a: {  	v34 =	vadd.f32 v34, v31  }
0x7b: {  	v32 =	vnsel vm15, $0x0, v60  }
0x7c: {  	v34 =	vadd.f32 v34, v32;
	_ =	sdelay $0x1  }
0x7d: {  	(erf) = vrcp.f32 v34;
	_ =	sdelay $0x8  }
0x7e: {  	v34 =	vpop (erf)  }
0x7f: {  	v33 =	vmul.f32 v34, v61;
	_ =	sdelay $0x1  }
0x80: {  	v22 =	vmul.f32 v34, v22;
	v16 =	vmul.f32 v33, v16;
	_ =	sdelay $0x1  }
0x81: {  	v63 =	vmul.f32 v34, v23;
	v16 =	vadd.f32 v16, v22;
	_ =	sdelay $0x1  }
0x82: {  	v33 =	vmul.f32 v34, v24;
	v16 =	vadd.f32 v16, v63;
	_ =	sdelay $0x1  }
0x83: {  	v35 =	vmul.f32 v34, v25;
	v16 =	vadd.f32 v16, v33;
	_ =	sdelay $0x1  }
0x84: {  	v20 =	vmul.f32 v34, v20;
	v16 =	vadd.f32 v16, v35;
	_ =	sdelay $0x1  }
0x85: {  	v36 =	vmul.f32 v34, v21;
	v16 =	vadd.f32 v16, v20;
	_ =	sdelay $0x1  }
0x86: {  	v18 =	vmul.f32 v34, v18;
	v16 =	vadd.f32 v16, v36;
	_ =	sdelay $0x1  }
0x87: {  	v37 =	vmul.f32 v34, v19;
	v16 =	vadd.f32 v16, v18;
	_ =	sdelay $0x1  }
0x88: {  	v17 =	vmul.f32 v34, v17;
	v16 =	vadd.f32 v16, v37;
	_ =	sdelay $0x1  }
0x89: {  	v16 =	vadd.f32 v16, v17;
	v17 =	vmul.f32 v34, v26;
	_ =	sdelay $0x1  }
0x8a: {  	v16 =	vadd.f32 v16, v17;
	v17 =	vmul.f32 v34, v27;
	_ =	sdelay $0x1  }
0x8b: {  	v16 =	vadd.f32 v16, v17;
	v17 =	vmul.f32 v34, v28;
	_ =	sdelay $0x1  }
0x8c: {  	v16 =	vadd.f32 v16, v17;
	v17 =	vmul.f32 v34, v29;
	_ =	sdelay $0x1  }
0x8d: {  	v16 =	vadd.f32 v16, v17;
	v17 =	vmul.f32 v34, v30;
	_ =	sdelay $0x1  }
0x8e: {  	v16 =	vadd.f32 v16, v17;
	v17 =	vmul.f32 v34, v31;
	_ =	sdelay $0x1  }
0x8f: {  	v16 =	vadd.f32 v16, v17;
	v17 =	vmul.f32 v34, v32;
	_ =	sdelay $0x1  }
0x90: {  	v16 =	vadd.f32 v16, v17;
	_ =	sdelay $0x1  }
0x91: {  	[tilespmem:$0x900] =	vst v16  }
0x92: {  	v16 =	vld.idx.msk [tilespmem:v3+s7+$0x0], $0xffff;
	_ =	sdelay $0x1  }
0x93: {  	v17 =	vld.idx.msk [tilespmem:v2+s7+$0x0], $0xffff;
	_ =	sdelay $0x2  }
0x94: {  	v16 =	vsub.f32 $0.0e+00, v16  }
0x95: {  	v38 =	vld [tilespmem:$0x10]  }
0x96: {  	v16 =	vmax.f32 v17, v16  }
0x97: {  	v39 =	vld [tilespmem:$0x90];
	v17 =	vtrunc.f32 v16  }
0x98: {  	v17 =	vcvt.f32.s32 v17  }
0x99: {  	v40 =	vld [tilespmem:$0x110]  }
0x9a: {  	v41 =	vmax.f32 v38, $0.0e+00;
	vm0 =	vgt.s32 v17, $0xFFFFFFFF  }
0x9b: {  	v42 =	vld [tilespmem:$0x190];
	v21 =	vnsel vm0, $0x0, v41  }
0x9c: {  	vm1 =	vgt.s32 v17, $0x0;
	v43 =	vmax.f32 v21, v39  }
0x9d: {  	v44 =	vld [tilespmem:$0x210];
	v21 =	vsel vm1, v43, v21  }
0x9e: {  	vm2 =	vgt.s32 v17, $0x1;
	v23 =	vmax.f32 v21, v40  }
0x9f: {  	v45 =	vld [tilespmem:$0x290];
	v21 =	vsel vm2, v23, v21  }
0xa0: {  	vm3 =	vgt.s32 v17, $0x2;
	v23 =	vmax.f32 v21, v42  }
0xa1: {  	v46 =	vld [tilespmem:$0x310];
	v21 =	vsel vm3, v23, v21  }
0xa2: {  	vm4 =	vgt.s32 v17, $0x3;
	v23 =	vmax.f32 v21, v44  }
0xa3: {  	v47 =	vld [tilespmem:$0x390];
	v21 =	vsel vm4, v23, v21  }
0xa4: {  	vm5 =	vgt.s32 v17, $0x4;
	v23 =	vmax.f32 v21, v45  }
0xa5: {  	v48 =	vld [tilespmem:$0x410];
	v21 =	vsel vm5, v23, v21  }
0xa6: {  	vm6 =	vgt.s32 v17, $0x5;
	v23 =	vmax.f32 v21, v46  }
0xa7: {  	v49 =	vld [tilespmem:$0x490];
	v21 =	vsel vm6, v23, v21  }
0xa8: {  	vm7 =	vgt.s32 v17, $0x6;
	v23 =	vmax.f32 v21, v47  }
0xa9: {  	v50 =	vld [tilespmem:$0x510];
	v21 =	vsel vm7, v23, v21  }
0xaa: {  	vm8 =	vgt.s32 v17, $0x7;
	v23 =	vmax.f32 v21, v48  }
0xab: {  	v51 =	vld [tilespmem:$0x590];
	v21 =	vsel vm8, v23, v21  }
0xac: {  	vm9 =	vgt.s32 v17, $0x8;
	v23 =	vmax.f32 v21, v49  }
0xad: {  	v52 =	vld [tilespmem:$0x610];
	v21 =	vsel vm9, v23, v21  }
0xae: {  	vm10 =	vgt.s32 v17, $0x9;
	v23 =	vmax.f32 v21, v50  }
0xaf: {  	v53 =	vld [tilespmem:$0x690];
	v21 =	vsel vm10, v23, v21  }
0xb0: {  	vm11 =	vgt.s32 v17, $0xA;
	v23 =	vmax.f32 v21, v51  }
0xb1: {  	v54 =	vld [tilespmem:$0x710];
	v21 =	vsel vm11, v23, v21  }
0xb2: {  	vm12 =	vgt.s32 v17, $0xB;
	v23 =	vmax.f32 v21, v52  }
0xb3: {  	v55 =	vld [tilespmem:$0x790];
	v21 =	vsel vm12, v23, v21  }
0xb4: {  	vm13 =	vgt.s32 v17, $0xC;
	v23 =	vmax.f32 v21, v53  }
0xb5: {  	v21 =	vsel vm13, v23, v21  }
0xb6: {  	vm14 =	vgt.s32 v17, $0xD;
	v23 =	vmax.f32 v21, v54  }
0xb7: {  	v21 =	vsel vm14, v23, v21  }
0xb8: {  	vm15 =	vgt.s32 v17, $0xE;
	v17 =	vmax.f32 v21, v55  }
0xb9: {  	v17 =	vsel vm15, v17, v21  }
0xba: {  	v18 =	vsub.f32 v38, v17  }
0xbb: {  	v19 =	vsub.f32 v39, v17;
	v20 =	vsub.f32 v40, v17  }
0xbc: {  	v21 =	vsub.f32 v42, v17;
	v18 =	vmul.f32 $1.442695020e+00, v18  }
0xbd: {  	v57 =	vsub.f32 v44, v17;
	v19 =	vmul.f32 $1.442695020e+00, v19;
	v56 =	vmul.f32 $1.442695020e+00, v20  }
0xbe: {  	v59 =	vsub.f32 v45, v17;
	v58 =	vmul.f32 $1.442695020e+00, v21;
	(erf) = vpow2.f32 v18  }
0xbf: {  	v61 =	vsub.f32 v46, v17;
	v60 =	vmul.f32 $1.442695020e+00, v57;
	(erf) = vpow2.f32 v19  }
0xc0: {  	v63 =	vsub.f32 v47, v17;
	v62 =	vmul.f32 $1.442695020e+00, v59;
	(erf) = vpow2.f32 v56  }
0xc1: {  	v25 =	vsub.f32 v48, v17;
	v24 =	vmul.f32 $1.442695020e+00, v61;
	(erf) = vpow2.f32 v58  }
0xc2: {  	v27 =	vsub.f32 v49, v17;
	v26 =	vmul.f32 $1.442695020e+00, v63;
	(erf) = vpow2.f32 v60  }
0xc3: {  	v29 =	vsub.f32 v50, v17;
	v28 =	vmul.f32 $1.442695020e+00, v25;
	(erf) = vpow2.f32 v62  }
0xc4: {  	v31 =	vsub.f32 v51, v17;
	v30 =	vmul.f32 $1.442695020e+00, v27;
	(erf) = vpow2.f32 v24  }
0xc5: {  	v37 =	vsub.f32 v52, v17;
	v36 =	vmul.f32 $1.442695020e+00, v29;
	(erf) = vpow2.f32 v26  }
0xc6: {  	v40 =	vsub.f32 v53, v17;
	v39 =	vmul.f32 $1.442695020e+00, v31;
	(erf) = vpow2.f32 v28  }
0xc7: {  	v43 =	vsub.f32 v54, v17;
	v42 =	vmul.f32 $1.442695020e+00, v37;
	v38 =	vpop (erf);
	(erf) = vpow2.f32 v30  }
0xc8: {  	v46 =	vsub.f32 v55, v17;
	v45 =	vmul.f32 $1.442695020e+00, v40;
	v41 =	vpop (erf);
	(erf) = vpow2.f32 v36  }
0xc9: {  	v17 =	vsub.f32 $0.0e+00, v17;
	v48 =	vmul.f32 $1.442695020e+00, v43;
	v44 =	vpop (erf);
	(erf) = vpow2.f32 v39  }
0xca: {  	v50 =	vmul.f32 $1.442695020e+00, v46;
	v47 =	vpop (erf);
	(erf) = vpow2.f32 v42  }
0xcb: {  	v17 =	vmul.f32 $1.442695020e+00, v17;
	v49 =	vpop (erf);
	(erf) = vpow2.f32 v45  }
0xcc: {  	v51 =	vpop (erf);
	(erf) = vpow2.f32 v48  }
0xcd: {  	v52 =	vpop (erf);
	(erf) = vpow2.f32 v50  }
0xce: {  	v53 =	vpop (erf);
	(erf) = vpow2.f32 v17  }
0xcf: {  	v17 =	vpop (erf)  }
0xd0: {  	v54 =	vpop (erf)  }
0xd1: {  	v55 =	vpop (erf)  }
0xd2: {  	v56 =	vpop (erf)  }
0xd3: {  	v57 =	vpop (erf)  }
0xd4: {  	v58 =	vpop (erf)  }
0xd5: {  	v59 =	vpop (erf)  }
0xd6: {  	v16 =	vsub.f32 $3.000000000e+01, v16;
	v60 =	vpop (erf)  }
0xd7: {  	v61 =	vpop (erf)  }
0xd8: {  	v62 =	vmul.f32 v61, v16  }
0xd9: {  	v22 =	vnsel vm0, $0x0, v38  }
0xda: {  	v34 =	vadd.f32 v22, v62  }
0xdb: {  	v23 =	vnsel vm1, $0x0, v41  }
0xdc: {  	v34 =	vadd.f32 v34, v23  }
0xdd: {  	v24 =	vnsel vm2, $0x0, v44  }
0xde: {  	v34 =	vadd.f32 v34, v24  }
0xdf: {  	v25 =	vnsel vm3, $0x0, v47  }
0xe0: {  	v34 =	vadd.f32 v34, v25  }
0xe1: {  	v20 =	vnsel vm4, $0x0, v49  }
0xe2: {  	v34 =	vadd.f32 v34, v20  }
0xe3: {  	v21 =	vnsel vm5, $0x0, v51  }
0xe4: {  	v34 =	vadd.f32 v34, v21  }
0xe5: {  	v18 =	vnsel vm6, $0x0, v52  }
0xe6: {  	v34 =	vadd.f32 v34, v18  }
0xe7: {  	v19 =	vnsel vm7, $0x0, v53  }
0xe8: {  	v34 =	vadd.f32 v34, v19  }
0xe9: {  	v17 =	vnsel vm8, $0x0, v17  }
0xea: {  	v34 =	vadd.f32 v34, v17  }
0xeb: {  	v26 =	vnsel vm9, $0x0, v54  }
0xec: {  	v34 =	vadd.f32 v34, v26  }
0xed: {  	v27 =	vnsel vm10, $0x0, v55  }
0xee: {  	v34 =	vadd.f32 v34, v27  }
0xef: {  	v28 =	vnsel vm11, $0x0, v56  }
0xf0: {  	v34 =	vadd.f32 v34, v28  }
0xf1: {  	v29 =	vnsel vm12, $0x0, v57  }
0xf2: {  	v34 =	vadd.f32 v34, v29  }
0xf3: {  	v30 =	vnsel vm13, $0x0, v58  }
0xf4: {  	v34 =	vadd.f32 v34, v30  }
0xf5: {  	v31 =	vnsel vm14, $0x0, v59  }
0xf6: {  	v34 =	vadd.f32 v34, v31  }
0xf7: {  	v32 =	vnsel vm15, $0x0, v60  }
0xf8: {  	v34 =	vadd.f32 v34, v32;
	_ =	sdelay $0x1  }
0xf9: {  	(erf) = vrcp.f32 v34;
	_ =	sdelay $0x8  }
0xfa: {  	v34 =	vpop (erf)  }
0xfb: {  	v33 =	vmul.f32 v34, v61;
	_ =	sdelay $0x1  }
0xfc: {  	v22 =	vmul.f32 v34, v22;
	v16 =	vmul.f32 v33, v16;
	_ =	sdelay $0x1  }
0xfd: {  	v63 =	vmul.f32 v34, v23;
	v16 =	vadd.f32 v16, v22;
	_ =	sdelay $0x1  }
0xfe: {  	v33 =	vmul.f32 v34, v24;
	v16 =	vadd.f32 v16, v63;
	_ =	sdelay $0x1  }
0xff: {  	v35 =	vmul.f32 v34, v25;
	v16 =	vadd.f32 v16, v33;
	_ =	sdelay $0x1  }
0x100: {  	v20 =	vmul.f32 v34, v20;
	v16 =	vadd.f32 v16, v35;
	_ =	sdelay $0x1  }
0x101: {  	v36 =	vmul.f32 v34, v21;
	v16 =	vadd.f32 v16, v20;
	_ =	sdelay $0x1  }
0x102: {  	v18 =	vmul.f32 v34, v18;
	v16 =	vadd.f32 v16, v36;
	_ =	sdelay $0x1  }
0x103: {  	v37 =	vmul.f32 v34, v19;
	v16 =	vadd.f32 v16, v18;
	_ =	sdelay $0x1  }
0x104: {  	v17 =	vmul.f32 v34, v17;
	v16 =	vadd.f32 v16, v37;
	_ =	sdelay $0x1  }
0x105: {  	v16 =	vadd.f32 v16, v17;
	v17 =	vmul.f32 v34, v26;
	_ =	sdelay $0x1  }
0x106: {  	v16 =	vadd.f32 v16, v17;
	v17 =	vmul.f32 v34, v27;
	_ =	sdelay $0x1  }
0x107: {  	v16 =	vadd.f32 v16, v17;
	v17 =	vmul.f32 v34, v28;
	_ =	sdelay $0x1  }
0x108: {  	v16 =	vadd.f32 v16, v17;
	v17 =	vmul.f32 v34, v29;
	_ =	sdelay $0x1  }
0x109: {  	v16 =	vadd.f32 v16, v17;
	v17 =	vmul.f32 v34, v30;
	_ =	sdelay $0x1  }
0x10a: {  	v16 =	vadd.f32 v16, v17;
	v17 =	vmul.f32 v34, v31;
	_ =	sdelay $0x1  }
0x10b: {  	v16 =	vadd.f32 v16, v17;
	v17 =	vmul.f32 v34, v32;
	_ =	sdelay $0x1  }
0x10c: {  	v16 =	vadd.f32 v16, v17;
	_ =	sdelay $0x1  }
0x10d: {  	[tilespmem:$0x910] =	vst v16  }
0x10e: {  	v16 =	vld.idx.msk [tilespmem:v5+s7+$0x0], $0xffff;
	_ =	sdelay $0x1  }
0x10f: {  	v17 =	vld.idx.msk [tilespmem:v4+s7+$0x0], $0xffff;
	_ =	sdelay $0x2  }
0x110: {  	v16 =	vsub.f32 $0.0e+00, v16  }
0x111: {  	v38 =	vld [tilespmem:$0x20]  }
0x112: {  	v16 =	vmax.f32 v17, v16  }
0x113: {  	v39 =	vld [tilespmem:$0xA0];
	v17 =	vtrunc.f32 v16  }
0x114: {  	v17 =	vcvt.f32.s32 v17  }
0x115: {  	v40 =	vld [tilespmem:$0x120]  }
0x116: {  	v41 =	vmax.f32 v38, $0.0e+00;
	vm0 =	vgt.s32 v17, $0xFFFFFFFF  }
0x117: {  	v42 =	vld [tilespmem:$0x1A0];
	v21 =	vnsel vm0, $0x0, v41  }
0x118: {  	vm1 =	vgt.s32 v17, $0x0;
	v43 =	vmax.f32 v21, v39  }
0x119: {  	v44 =	vld [tilespmem:$0x220];
	v21 =	vsel vm1, v43, v21  }
0x11a: {  	vm2 =	vgt.s32 v17, $0x1;
	v23 =	vmax.f32 v21, v40  }
0x11b: {  	v45 =	vld [tilespmem:$0x2A0];
	v21 =	vsel vm2, v23, v21  }
0x11c: {  	vm3 =	vgt.s32 v17, $0x2;
	v23 =	vmax.f32 v21, v42  }
0x11d: {  	v46 =	vld [tilespmem:$0x320];
	v21 =	vsel vm3, v23, v21  }
0x11e: {  	vm4 =	vgt.s32 v17, $0x3;
	v23 =	vmax.f32 v21, v44  }
0x11f: {  	v47 =	vld [tilespmem:$0x3A0];
	v21 =	vsel vm4, v23, v21  }
0x120: {  	vm5 =	vgt.s32 v17, $0x4;
	v23 =	vmax.f32 v21, v45  }
0x121: {  	v48 =	vld [tilespmem:$0x420];
	v21 =	vsel vm5, v23, v21  }
0x122: {  	vm6 =	vgt.s32 v17, $0x5;
	v23 =	vmax.f32 v21, v46  }
0x123: {  	v49 =	vld [tilespmem:$0x4A0];
	v21 =	vsel vm6, v23, v21  }
0x124: {  	vm7 =	vgt.s32 v17, $0x6;
	v23 =	vmax.f32 v21, v47  }
0x125: {  	v50 =	vld [tilespmem:$0x520];
	v21 =	vsel vm7, v23, v21  }
0x126: {  	vm8 =	vgt.s32 v17, $0x7;
	v23 =	vmax.f32 v21, v48  }
0x127: {  	v51 =	vld [tilespmem:$0x5A0];
	v21 =	vsel vm8, v23, v21  }
0x128: {  	vm9 =	vgt.s32 v17, $0x8;
	v23 =	vmax.f32 v21, v49  }
0x129: {  	v52 =	vld [tilespmem:$0x620];
	v21 =	vsel vm9, v23, v21  }
0x12a: {  	vm10 =	vgt.s32 v17, $0x9;
	v23 =	vmax.f32 v21, v50  }
0x12b: {  	v53 =	vld [tilespmem:$0x6A0];
	v21 =	vsel vm10, v23, v21  }
0x12c: {  	vm11 =	vgt.s32 v17, $0xA;
	v23 =	vmax.f32 v21, v51  }
0x12d: {  	v54 =	vld [tilespmem:$0x720];
	v21 =	vsel vm11, v23, v21  }
0x12e: {  	vm12 =	vgt.s32 v17, $0xB;
	v23 =	vmax.f32 v21, v52  }
0x12f: {  	v55 =	vld [tilespmem:$0x7A0];
	v21 =	vsel vm12, v23, v21  }
0x130: {  	vm13 =	vgt.s32 v17, $0xC;
	v23 =	vmax.f32 v21, v53  }
0x131: {  	v21 =	vsel vm13, v23, v21  }
0x132: {  	vm14 =	vgt.s32 v17, $0xD;
	v23 =	vmax.f32 v21, v54  }
0x133: {  	v21 =	vsel vm14, v23, v21  }
0x134: {  	vm15 =	vgt.s32 v17, $0xE;
	v17 =	vmax.f32 v21, v55  }
0x135: {  	v17 =	vsel vm15, v17, v21  }
0x136: {  	v18 =	vsub.f32 v38, v17  }
0x137: {  	v19 =	vsub.f32 v39, v17;
	v20 =	vsub.f32 v40, v17  }
0x138: {  	v21 =	vsub.f32 v42, v17;
	v18 =	vmul.f32 $1.442695020e+00, v18  }
0x139: {  	v57 =	vsub.f32 v44, v17;
	v19 =	vmul.f32 $1.442695020e+00, v19;
	v56 =	vmul.f32 $1.442695020e+00, v20  }
0x13a: {  	v59 =	vsub.f32 v45, v17;
	v58 =	vmul.f32 $1.442695020e+00, v21;
	(erf) = vpow2.f32 v18  }
0x13b: {  	v61 =	vsub.f32 v46, v17;
	v60 =	vmul.f32 $1.442695020e+00, v57;
	(erf) = vpow2.f32 v19  }
0x13c: {  	v63 =	vsub.f32 v47, v17;
	v62 =	vmul.f32 $1.442695020e+00, v59;
	(erf) = vpow2.f32 v56  }
0x13d: {  	v25 =	vsub.f32 v48, v17;
	v24 =	vmul.f32 $1.442695020e+00, v61;
	(erf) = vpow2.f32 v58  }
0x13e: {  	v27 =	vsub.f32 v49, v17;
	v26 =	vmul.f32 $1.442695020e+00, v63;
	(erf) = vpow2.f32 v60  }
0x13f: {  	v29 =	vsub.f32 v50, v17;
	v28 =	vmul.f32 $1.442695020e+00, v25;
	(erf) = vpow2.f32 v62  }
0x140: {  	v31 =	vsub.f32 v51, v17;
	v30 =	vmul.f32 $1.442695020e+00, v27;
	(erf) = vpow2.f32 v24  }
0x141: {  	v37 =	vsub.f32 v52, v17;
	v36 =	vmul.f32 $1.442695020e+00, v29;
	(erf) = vpow2.f32 v26  }
0x142: {  	v40 =	vsub.f32 v53, v17;
	v39 =	vmul.f32 $1.442695020e+00, v31;
	(erf) = vpow2.f32 v28  }
0x143: {  	v43 =	vsub.f32 v54, v17;
	v42 =	vmul.f32 $1.442695020e+00, v37;
	v38 =	vpop (erf);
	(erf) = vpow2.f32 v30  }
0x144: {  	v46 =	vsub.f32 v55, v17;
	v45 =	vmul.f32 $1.442695020e+00, v40;
	v41 =	vpop (erf);
	(erf) = vpow2.f32 v36  }
0x145: {  	v17 =	vsub.f32 $0.0e+00, v17;
	v48 =	vmul.f32 $1.442695020e+00, v43;
	v44 =	vpop (erf);
	(erf) = vpow2.f32 v39  }
0x146: {  	v50 =	vmul.f32 $1.442695020e+00, v46;
	v47 =	vpop (erf);
	(erf) = vpow2.f32 v42  }
0x147: {  	v17 =	vmul.f32 $1.442695020e+00, v17;
	v49 =	vpop (erf);
	(erf) = vpow2.f32 v45  }
0x148: {  	v51 =	vpop (erf);
	(erf) = vpow2.f32 v48  }
0x149: {  	v52 =	vpop (erf);
	(erf) = vpow2.f32 v50  }
0x14a: {  	v53 =	vpop (erf);
	(erf) = vpow2.f32 v17  }
0x14b: {  	v17 =	vpop (erf)  }
0x14c: {  	v54 =	vpop (erf)  }
0x14d: {  	v55 =	vpop (erf)  }
0x14e: {  	v56 =	vpop (erf)  }
0x14f: {  	v57 =	vpop (erf)  }
0x150: {  	v58 =	vpop (erf)  }
0x151: {  	v59 =	vpop (erf)  }
0x152: {  	v16 =	vsub.f32 $3.000000000e+01, v16;
	v60 =	vpop (erf)  }
0x153: {  	v61 =	vpop (erf)  }
0x154: {  	v62 =	vmul.f32 v61, v16  }
0x155: {  	v22 =	vnsel vm0, $0x0, v38  }
0x156: {  	v34 =	vadd.f32 v22, v62  }
0x157: {  	v23 =	vnsel vm1, $0x0, v41  }
0x158: {  	v34 =	vadd.f32 v34, v23  }
0x159: {  	v24 =	vnsel vm2, $0x0, v44  }
0x15a: {  	v34 =	vadd.f32 v34, v24  }
0x15b: {  	v25 =	vnsel vm3, $0x0, v47  }
0x15c: {  	v34 =	vadd.f32 v34, v25  }
0x15d: {  	v20 =	vnsel vm4, $0x0, v49  }
0x15e: {  	v34 =	vadd.f32 v34, v20  }
0x15f: {  	v21 =	vnsel vm5, $0x0, v51  }
0x160: {  	v34 =	vadd.f32 v34, v21  }
0x161: {  	v18 =	vnsel vm6, $0x0, v52  }
0x162: {  	v34 =	vadd.f32 v34, v18  }
0x163: {  	v19 =	vnsel vm7, $0x0, v53  }
0x164: {  	v34 =	vadd.f32 v34, v19  }
0x165: {  	v17 =	vnsel vm8, $0x0, v17  }
0x166: {  	v34 =	vadd.f32 v34, v17  }
0x167: {  	v26 =	vnsel vm9, $0x0, v54  }
0x168: {  	v34 =	vadd.f32 v34, v26  }
0x169: {  	v27 =	vnsel vm10, $0x0, v55  }
0x16a: {  	v34 =	vadd.f32 v34, v27  }
0x16b: {  	v28 =	vnsel vm11, $0x0, v56  }
0x16c: {  	v34 =	vadd.f32 v34, v28  }
0x16d: {  	v29 =	vnsel vm12, $0x0, v57  }
0x16e: {  	v34 =	vadd.f32 v34, v29  }
0x16f: {  	v30 =	vnsel vm13, $0x0, v58  }
0x170: {  	v34 =	vadd.f32 v34, v30  }
0x171: {  	v31 =	vnsel vm14, $0x0, v59  }
0x172: {  	v34 =	vadd.f32 v34, v31  }
0x173: {  	v32 =	vnsel vm15, $0x0, v60  }
0x174: {  	v34 =	vadd.f32 v34, v32;
	_ =	sdelay $0x1  }
0x175: {  	(erf) = vrcp.f32 v34;
	_ =	sdelay $0x8  }
0x176: {  	v34 =	vpop (erf)  }
0x177: {  	v33 =	vmul.f32 v34, v61;
	_ =	sdelay $0x1  }
0x178: {  	v22 =	vmul.f32 v34, v22;
	v16 =	vmul.f32 v33, v16;
	_ =	sdelay $0x1  }
0x179: {  	v63 =	vmul.f32 v34, v23;
	v16 =	vadd.f32 v16, v22;
	_ =	sdelay $0x1  }
0x17a: {  	v33 =	vmul.f32 v34, v24;
	v16 =	vadd.f32 v16, v63;
	_ =	sdelay $0x1  }
0x17b: {  	v35 =	vmul.f32 v34, v25;
	v16 =	vadd.f32 v16, v33;
	_ =	sdelay $0x1  }
0x17c: {  	v20 =	vmul.f32 v34, v20;
	v16 =	vadd.f32 v16, v35;
	_ =	sdelay $0x1  }
0x17d: {  	v36 =	vmul.f32 v34, v21;
	v16 =	vadd.f32 v16, v20;
	_ =	sdelay $0x1  }
0x17e: {  	v18 =	vmul.f32 v34, v18;
	v16 =	vadd.f32 v16, v36;
	_ =	sdelay $0x1  }
0x17f: {  	v37 =	vmul.f32 v34, v19;
	v16 =	vadd.f32 v16, v18;
	_ =	sdelay $0x1  }
0x180: {  	v17 =	vmul.f32 v34, v17;
	v16 =	vadd.f32 v16, v37;
	_ =	sdelay $0x1  }
0x181: {  	v16 =	vadd.f32 v16, v17;
	v17 =	vmul.f32 v34, v26;
	_ =	sdelay $0x1  }
0x182: {  	v16 =	vadd.f32 v16, v17;
	v17 =	vmul.f32 v34, v27;
	_ =	sdelay $0x1  }
0x183: {  	v16 =	vadd.f32 v16, v17;
	v17 =	vmul.f32 v34, v28;
	_ =	sdelay $0x1  }
0x184: {  	v16 =	vadd.f32 v16, v17;
	v17 =	vmul.f32 v34, v29;
	_ =	sdelay $0x1  }
0x185: {  	v16 =	vadd.f32 v16, v17;
	v17 =	vmul.f32 v34, v30;
	_ =	sdelay $0x1  }
0x186: {  	v16 =	vadd.f32 v16, v17;
	v17 =	vmul.f32 v34, v31;
	_ =	sdelay $0x1  }
0x187: {  	v16 =	vadd.f32 v16, v17;
	v17 =	vmul.f32 v34, v32;
	_ =	sdelay $0x1  }
0x188: {  	v16 =	vadd.f32 v16, v17;
	_ =	sdelay $0x1  }
0x189: {  	[tilespmem:$0x920] =	vst v16  }
0x18a: {  	v16 =	vld.idx.msk [tilespmem:v7+s7+$0x0], $0xffff;
	_ =	sdelay $0x1  }
0x18b: {  	v17 =	vld.idx.msk [tilespmem:v6+s7+$0x0], $0xffff;
	_ =	sdelay $0x2  }
0x18c: {  	v16 =	vsub.f32 $0.0e+00, v16  }
0x18d: {  	v38 =	vld [tilespmem:$0x30]  }
0x18e: {  	v16 =	vmax.f32 v17, v16  }
0x18f: {  	v39 =	vld [tilespmem:$0xB0];
	v17 =	vtrunc.f32 v16  }
0x190: {  	v17 =	vcvt.f32.s32 v17  }
0x191: {  	v40 =	vld [tilespmem:$0x130]  }
0x192: {  	v41 =	vmax.f32 v38, $0.0e+00;
	vm0 =	vgt.s32 v17, $0xFFFFFFFF  }
0x193: {  	v42 =	vld [tilespmem:$0x1B0];
	v21 =	vnsel vm0, $0x0, v41  }
0x194: {  	vm1 =	vgt.s32 v17, $0x0;
	v43 =	vmax.f32 v21, v39  }
0x195: {  	v44 =	vld [tilespmem:$0x230];
	v21 =	vsel vm1, v43, v21  }
0x196: {  	vm2 =	vgt.s32 v17, $0x1;
	v23 =	vmax.f32 v21, v40  }
0x197: {  	v45 =	vld [tilespmem:$0x2B0];
	v21 =	vsel vm2, v23, v21  }
0x198: {  	vm3 =	vgt.s32 v17, $0x2;
	v23 =	vmax.f32 v21, v42  }
0x199: {  	v46 =	vld [tilespmem:$0x330];
	v21 =	vsel vm3, v23, v21  }
0x19a: {  	vm4 =	vgt.s32 v17, $0x3;
	v23 =	vmax.f32 v21, v44  }
0x19b: {  	v47 =	vld [tilespmem:$0x3B0];
	v21 =	vsel vm4, v23, v21  }
0x19c: {  	vm5 =	vgt.s32 v17, $0x4;
	v23 =	vmax.f32 v21, v45  }
0x19d: {  	v48 =	vld [tilespmem:$0x430];
	v21 =	vsel vm5, v23, v21  }
0x19e: {  	vm6 =	vgt.s32 v17, $0x5;
	v23 =	vmax.f32 v21, v46  }
0x19f: {  	v49 =	vld [tilespmem:$0x4B0];
	v21 =	vsel vm6, v23, v21  }
0x1a0: {  	vm7 =	vgt.s32 v17, $0x6;
	v23 =	vmax.f32 v21, v47  }
0x1a1: {  	v50 =	vld [tilespmem:$0x530];
	v21 =	vsel vm7, v23, v21  }
0x1a2: {  	vm8 =	vgt.s32 v17, $0x7;
	v23 =	vmax.f32 v21, v48  }
0x1a3: {  	v51 =	vld [tilespmem:$0x5B0];
	v21 =	vsel vm8, v23, v21  }
0x1a4: {  	vm9 =	vgt.s32 v17, $0x8;
	v23 =	vmax.f32 v21, v49  }
0x1a5: {  	v52 =	vld [tilespmem:$0x630];
	v21 =	vsel vm9, v23, v21  }
0x1a6: {  	vm10 =	vgt.s32 v17, $0x9;
	v23 =	vmax.f32 v21, v50  }
0x1a7: {  	v53 =	vld [tilespmem:$0x6B0];
	v21 =	vsel vm10, v23, v21  }
0x1a8: {  	vm11 =	vgt.s32 v17, $0xA;
	v23 =	vmax.f32 v21, v51  }
0x1a9: {  	v54 =	vld [tilespmem:$0x730];
	v21 =	vsel vm11, v23, v21  }
0x1aa: {  	vm12 =	vgt.s32 v17, $0xB;
	v23 =	vmax.f32 v21, v52  }
0x1ab: {  	v55 =	vld [tilespmem:$0x7B0];
	v21 =	vsel vm12, v23, v21  }
0x1ac: {  	vm13 =	vgt.s32 v17, $0xC;
	v23 =	vmax.f32 v21, v53  }
0x1ad: {  	v21 =	vsel vm13, v23, v21  }
0x1ae: {  	vm14 =	vgt.s32 v17, $0xD;
	v23 =	vmax.f32 v21, v54  }
0x1af: {  	v21 =	vsel vm14, v23, v21  }
0x1b0: {  	vm15 =	vgt.s32 v17, $0xE;
	v17 =	vmax.f32 v21, v55  }
0x1b1: {  	v17 =	vsel vm15, v17, v21  }
0x1b2: {  	v18 =	vsub.f32 v38, v17  }
0x1b3: {  	v19 =	vsub.f32 v39, v17;
	v20 =	vsub.f32 v40, v17  }
0x1b4: {  	v21 =	vsub.f32 v42, v17;
	v18 =	vmul.f32 $1.442695020e+00, v18  }
0x1b5: {  	v57 =	vsub.f32 v44, v17;
	v19 =	vmul.f32 $1.442695020e+00, v19;
	v56 =	vmul.f32 $1.442695020e+00, v20  }
0x1b6: {  	v59 =	vsub.f32 v45, v17;
	v58 =	vmul.f32 $1.442695020e+00, v21;
	(erf) = vpow2.f32 v18  }
0x1b7: {  	v61 =	vsub.f32 v46, v17;
	v60 =	vmul.f32 $1.442695020e+00, v57;
	(erf) = vpow2.f32 v19  }
0x1b8: {  	v63 =	vsub.f32 v47, v17;
	v62 =	vmul.f32 $1.442695020e+00, v59;
	(erf) = vpow2.f32 v56  }
0x1b9: {  	v25 =	vsub.f32 v48, v17;
	v24 =	vmul.f32 $1.442695020e+00, v61;
	(erf) = vpow2.f32 v58  }
0x1ba: {  	v27 =	vsub.f32 v49, v17;
	v26 =	vmul.f32 $1.442695020e+00, v63;
	(erf) = vpow2.f32 v60  }
0x1bb: {  	v29 =	vsub.f32 v50, v17;
	v28 =	vmul.f32 $1.442695020e+00, v25;
	(erf) = vpow2.f32 v62  }
0x1bc: {  	v31 =	vsub.f32 v51, v17;
	v30 =	vmul.f32 $1.442695020e+00, v27;
	(erf) = vpow2.f32 v24  }
0x1bd: {  	v37 =	vsub.f32 v52, v17;
	v36 =	vmul.f32 $1.442695020e+00, v29;
	(erf) = vpow2.f32 v26  }
0x1be: {  	v40 =	vsub.f32 v53, v17;
	v39 =	vmul.f32 $1.442695020e+00, v31;
	(erf) = vpow2.f32 v28  }
0x1bf: {  	v43 =	vsub.f32 v54, v17;
	v42 =	vmul.f32 $1.442695020e+00, v37;
	v38 =	vpop (erf);
	(erf) = vpow2.f32 v30  }
0x1c0: {  	v46 =	vsub.f32 v55, v17;
	v45 =	vmul.f32 $1.442695020e+00, v40;
	v41 =	vpop (erf);
	(erf) = vpow2.f32 v36  }
0x1c1: {  	v17 =	vsub.f32 $0.0e+00, v17;
	v48 =	vmul.f32 $1.442695020e+00, v43;
	v44 =	vpop (erf);
	(erf) = vpow2.f32 v39  }
0x1c2: {  	v50 =	vmul.f32 $1.442695020e+00, v46;
	v47 =	vpop (erf);
	(erf) = vpow2.f32 v42  }
0x1c3: {  	v17 =	vmul.f32 $1.442695020e+00, v17;
	v49 =	vpop (erf);
	(erf) = vpow2.f32 v45  }
0x1c4: {  	v51 =	vpop (erf);
	(erf) = vpow2.f32 v48  }
0x1c5: {  	v52 =	vpop (erf);
	(erf) = vpow2.f32 v50  }
0x1c6: {  	v53 =	vpop (erf);
	(erf) = vpow2.f32 v17  }
0x1c7: {  	v17 =	vpop (erf)  }
0x1c8: {  	v54 =	vpop (erf)  }
0x1c9: {  	v55 =	vpop (erf)  }
0x1ca: {  	v56 =	vpop (erf)  }
0x1cb: {  	v57 =	vpop (erf)  }
0x1cc: {  	v58 =	vpop (erf)  }
0x1cd: {  	v59 =	vpop (erf)  }
0x1ce: {  	v16 =	vsub.f32 $3.000000000e+01, v16;
	v60 =	vpop (erf)  }
0x1cf: {  	v61 =	vpop (erf)  }
0x1d0: {  	v62 =	vmul.f32 v61, v16  }
0x1d1: {  	v22 =	vnsel vm0, $0x0, v38  }
0x1d2: {  	v34 =	vadd.f32 v22, v62  }
0x1d3: {  	v23 =	vnsel vm1, $0x0, v41  }
0x1d4: {  	v34 =	vadd.f32 v34, v23  }
0x1d5: {  	v24 =	vnsel vm2, $0x0, v44  }
0x1d6: {  	v34 =	vadd.f32 v34, v24  }
0x1d7: {  	v25 =	vnsel vm3, $0x0, v47  }
0x1d8: {  	v34 =	vadd.f32 v34, v25  }
0x1d9: {  	v20 =	vnsel vm4, $0x0, v49  }
0x1da: {  	v34 =	vadd.f32 v34, v20  }
0x1db: {  	v21 =	vnsel vm5, $0x0, v51  }
0x1dc: {  	v34 =	vadd.f32 v34, v21  }
0x1dd: {  	v18 =	vnsel vm6, $0x0, v52  }
0x1de: {  	v34 =	vadd.f32 v34, v18  }
0x1df: {  	v19 =	vnsel vm7, $0x0, v53  }
0x1e0: {  	v34 =	vadd.f32 v34, v19  }
0x1e1: {  	v17 =	vnsel vm8, $0x0, v17  }
0x1e2: {  	v34 =	vadd.f32 v34, v17  }
0x1e3: {  	v26 =	vnsel vm9, $0x0, v54  }
0x1e4: {  	v34 =	vadd.f32 v34, v26  }
0x1e5: {  	v27 =	vnsel vm10, $0x0, v55  }
0x1e6: {  	v34 =	vadd.f32 v34, v27  }
0x1e7: {  	v28 =	vnsel vm11, $0x0, v56  }
0x1e8: {  	v34 =	vadd.f32 v34, v28  }
0x1e9: {  	v29 =	vnsel vm12, $0x0, v57  }
0x1ea: {  	v34 =	vadd.f32 v34, v29  }
0x1eb: {  	v30 =	vnsel vm13, $0x0, v58  }
0x1ec: {  	v34 =	vadd.f32 v34, v30  }
0x1ed: {  	v31 =	vnsel vm14, $0x0, v59  }
0x1ee: {  	v34 =	vadd.f32 v34, v31  }
0x1ef: {  	v32 =	vnsel vm15, $0x0, v60  }
0x1f0: {  	v34 =	vadd.f32 v34, v32;
	_ =	sdelay $0x1  }
0x1f1: {  	(erf) = vrcp.f32 v34;
	_ =	sdelay $0x8  }
0x1f2: {  	v34 =	vpop (erf)  }
0x1f3: {  	v33 =	vmul.f32 v34, v61;
	_ =	sdelay $0x1  }
0x1f4: {  	v22 =	vmul.f32 v34, v22;
	v16 =	vmul.f32 v33, v16;
	_ =	sdelay $0x1  }
0x1f5: {  	v63 =	vmul.f32 v34, v23;
	v16 =	vadd.f32 v16, v22;
	_ =	sdelay $0x1  }
0x1f6: {  	v33 =	vmul.f32 v34, v24;
	v16 =	vadd.f32 v16, v63;
	_ =	sdelay $0x1  }
0x1f7: {  	v35 =	vmul.f32 v34, v25;
	v16 =	vadd.f32 v16, v33;
	_ =	sdelay $0x1  }
0x1f8: {  	v20 =	vmul.f32 v34, v20;
	v16 =	vadd.f32 v16, v35;
	_ =	sdelay $0x1  }
0x1f9: {  	v36 =	vmul.f32 v34, v21;
	v16 =	vadd.f32 v16, v20;
	_ =	sdelay $0x1  }
0x1fa: {  	v18 =	vmul.f32 v34, v18;
	v16 =	vadd.f32 v16, v36;
	_ =	sdelay $0x1  }
0x1fb: {  	v37 =	vmul.f32 v34, v19;
	v16 =	vadd.f32 v16, v18;
	_ =	sdelay $0x1  }
0x1fc: {  	v17 =	vmul.f32 v34, v17;
	v16 =	vadd.f32 v16, v37;
	_ =	sdelay $0x1  }
0x1fd: {  	v16 =	vadd.f32 v16, v17;
	v17 =	vmul.f32 v34, v26;
	_ =	sdelay $0x1  }
0x1fe: {  	v16 =	vadd.f32 v16, v17;
	v17 =	vmul.f32 v34, v27;
	_ =	sdelay $0x1  }
0x1ff: {  	v16 =	vadd.f32 v16, v17;
	v17 =	vmul.f32 v34, v28;
	_ =	sdelay $0x1  }
0x200: {  	v16 =	vadd.f32 v16, v17;
	v17 =	vmul.f32 v34, v29;
	_ =	sdelay $0x1  }
0x201: {  	v16 =	vadd.f32 v16, v17;
	v17 =	vmul.f32 v34, v30;
	_ =	sdelay $0x1  }
0x202: {  	v16 =	vadd.f32 v16, v17;
	v17 =	vmul.f32 v34, v31;
	_ =	sdelay $0x1  }
0x203: {  	v16 =	vadd.f32 v16, v17;
	v17 =	vmul.f32 v34, v32;
	_ =	sdelay $0x1  }
0x204: {  	v16 =	vadd.f32 v16, v17;
	_ =	sdelay $0x1  }
0x205: {  	[tilespmem:$0x930] =	vst v16  }
0x206: {  	v16 =	vld.idx.msk [tilespmem:v9+s7+$0x0], $0xffff;
	_ =	sdelay $0x1  }
0x207: {  	v17 =	vld.idx.msk [tilespmem:v8+s7+$0x0], $0xffff;
	_ =	sdelay $0x2  }
0x208: {  	v16 =	vsub.f32 $0.0e+00, v16  }
0x209: {  	v38 =	vld [tilespmem:$0x40]  }
0x20a: {  	v16 =	vmax.f32 v17, v16  }
0x20b: {  	v39 =	vld [tilespmem:$0xC0];
	v17 =	vtrunc.f32 v16  }
0x20c: {  	v17 =	vcvt.f32.s32 v17  }
0x20d: {  	v40 =	vld [tilespmem:$0x140]  }
0x20e: {  	v41 =	vmax.f32 v38, $0.0e+00;
	vm0 =	vgt.s32 v17, $0xFFFFFFFF  }
0x20f: {  	v42 =	vld [tilespmem:$0x1C0];
	v21 =	vnsel vm0, $0x0, v41  }
0x210: {  	vm1 =	vgt.s32 v17, $0x0;
	v43 =	vmax.f32 v21, v39  }
0x211: {  	v44 =	vld [tilespmem:$0x240];
	v21 =	vsel vm1, v43, v21  }
0x212: {  	vm2 =	vgt.s32 v17, $0x1;
	v23 =	vmax.f32 v21, v40  }
0x213: {  	v45 =	vld [tilespmem:$0x2C0];
	v21 =	vsel vm2, v23, v21  }
0x214: {  	vm3 =	vgt.s32 v17, $0x2;
	v23 =	vmax.f32 v21, v42  }
0x215: {  	v46 =	vld [tilespmem:$0x340];
	v21 =	vsel vm3, v23, v21  }
0x216: {  	vm4 =	vgt.s32 v17, $0x3;
	v23 =	vmax.f32 v21, v44  }
0x217: {  	v47 =	vld [tilespmem:$0x3C0];
	v21 =	vsel vm4, v23, v21  }
0x218: {  	vm5 =	vgt.s32 v17, $0x4;
	v23 =	vmax.f32 v21, v45  }
0x219: {  	v48 =	vld [tilespmem:$0x440];
	v21 =	vsel vm5, v23, v21  }
0x21a: {  	vm6 =	vgt.s32 v17, $0x5;
	v23 =	vmax.f32 v21, v46  }
0x21b: {  	v49 =	vld [tilespmem:$0x4C0];
	v21 =	vsel vm6, v23, v21  }
0x21c: {  	vm7 =	vgt.s32 v17, $0x6;
	v23 =	vmax.f32 v21, v47  }
0x21d: {  	v50 =	vld [tilespmem:$0x540];
	v21 =	vsel vm7, v23, v21  }
0x21e: {  	vm8 =	vgt.s32 v17, $0x7;
	v23 =	vmax.f32 v21, v48  }
0x21f: {  	v51 =	vld [tilespmem:$0x5C0];
	v21 =	vsel vm8, v23, v21  }
0x220: {  	vm9 =	vgt.s32 v17, $0x8;
	v23 =	vmax.f32 v21, v49  }
0x221: {  	v52 =	vld [tilespmem:$0x640];
	v21 =	vsel vm9, v23, v21  }
0x222: {  	vm10 =	vgt.s32 v17, $0x9;
	v23 =	vmax.f32 v21, v50  }
0x223: {  	v53 =	vld [tilespmem:$0x6C0];
	v21 =	vsel vm10, v23, v21  }
0x224: {  	vm11 =	vgt.s32 v17, $0xA;
	v23 =	vmax.f32 v21, v51  }
0x225: {  	v54 =	vld [tilespmem:$0x740];
	v21 =	vsel vm11, v23, v21  }
0x226: {  	vm12 =	vgt.s32 v17, $0xB;
	v23 =	vmax.f32 v21, v52  }
0x227: {  	v55 =	vld [tilespmem:$0x7C0];
	v21 =	vsel vm12, v23, v21  }
0x228: {  	vm13 =	vgt.s32 v17, $0xC;
	v23 =	vmax.f32 v21, v53  }
0x229: {  	v21 =	vsel vm13, v23, v21  }
0x22a: {  	vm14 =	vgt.s32 v17, $0xD;
	v23 =	vmax.f32 v21, v54  }
0x22b: {  	v21 =	vsel vm14, v23, v21  }
0x22c: {  	vm15 =	vgt.s32 v17, $0xE;
	v17 =	vmax.f32 v21, v55  }
0x22d: {  	v17 =	vsel vm15, v17, v21  }
0x22e: {  	v18 =	vsub.f32 v38, v17  }
0x22f: {  	v19 =	vsub.f32 v39, v17;
	v20 =	vsub.f32 v40, v17  }
0x230: {  	v21 =	vsub.f32 v42, v17;
	v18 =	vmul.f32 $1.442695020e+00, v18  }
0x231: {  	v57 =	vsub.f32 v44, v17;
	v19 =	vmul.f32 $1.442695020e+00, v19;
	v56 =	vmul.f32 $1.442695020e+00, v20  }
0x232: {  	v59 =	vsub.f32 v45, v17;
	v58 =	vmul.f32 $1.442695020e+00, v21;
	(erf) = vpow2.f32 v18  }
0x233: {  	v61 =	vsub.f32 v46, v17;
	v60 =	vmul.f32 $1.442695020e+00, v57;
	(erf) = vpow2.f32 v19  }
0x234: {  	v63 =	vsub.f32 v47, v17;
	v62 =	vmul.f32 $1.442695020e+00, v59;
	(erf) = vpow2.f32 v56  }
0x235: {  	v25 =	vsub.f32 v48, v17;
	v24 =	vmul.f32 $1.442695020e+00, v61;
	(erf) = vpow2.f32 v58  }
0x236: {  	v27 =	vsub.f32 v49, v17;
	v26 =	vmul.f32 $1.442695020e+00, v63;
	(erf) = vpow2.f32 v60  }
0x237: {  	v29 =	vsub.f32 v50, v17;
	v28 =	vmul.f32 $1.442695020e+00, v25;
	(erf) = vpow2.f32 v62  }
0x238: {  	v36 =	vsub.f32 v51, v17;
	v30 =	vmul.f32 $1.442695020e+00, v27;
	(erf) = vpow2.f32 v24  }
0x239: {  	v38 =	vsub.f32 v52, v17;
	v37 =	vmul.f32 $1.442695020e+00, v29;
	(erf) = vpow2.f32 v26  }
0x23a: {  	v41 =	vsub.f32 v53, v17;
	v40 =	vmul.f32 $1.442695020e+00, v36;
	(erf) = vpow2.f32 v28  }
0x23b: {  	v44 =	vsub.f32 v54, v17;
	v43 =	vmul.f32 $1.442695020e+00, v38;
	v39 =	vpop (erf);
	(erf) = vpow2.f32 v30  }
0x23c: {  	v47 =	vsub.f32 v55, v17;
	v46 =	vmul.f32 $1.442695020e+00, v41;
	v42 =	vpop (erf);
	(erf) = vpow2.f32 v37  }
0x23d: {  	v17 =	vsub.f32 $0.0e+00, v17;
	v49 =	vmul.f32 $1.442695020e+00, v44;
	v45 =	vpop (erf);
	(erf) = vpow2.f32 v40  }
0x23e: {  	v51 =	vmul.f32 $1.442695020e+00, v47;
	v48 =	vpop (erf);
	(erf) = vpow2.f32 v43  }
0x23f: {  	v17 =	vmul.f32 $1.442695020e+00, v17;
	v50 =	vpop (erf);
	(erf) = vpow2.f32 v46  }
0x240: {  	v52 =	vpop (erf);
	(erf) = vpow2.f32 v49  }
0x241: {  	v53 =	vpop (erf);
	(erf) = vpow2.f32 v51  }
0x242: {  	v54 =	vpop (erf);
	(erf) = vpow2.f32 v17  }
0x243: {  	v17 =	vpop (erf)  }
0x244: {  	v55 =	vpop (erf)  }
0x245: {  	v56 =	vpop (erf)  }
0x246: {  	v57 =	vpop (erf)  }
0x247: {  	v58 =	vpop (erf)  }
0x248: {  	v59 =	vpop (erf)  }
0x249: {  	v60 =	vpop (erf)  }
0x24a: {  	v16 =	vsub.f32 $3.000000000e+01, v16;
	v61 =	vpop (erf)  }
0x24b: {  	v62 =	vpop (erf)  }
0x24c: {  	v63 =	vmul.f32 v62, v16  }
0x24d: {  	v22 =	vnsel vm0, $0x0, v39  }
0x24e: {  	v34 =	vadd.f32 v22, v63  }
0x24f: {  	v23 =	vnsel vm1, $0x0, v42  }
0x250: {  	v34 =	vadd.f32 v34, v23  }
0x251: {  	v24 =	vnsel vm2, $0x0, v45  }
0x252: {  	v34 =	vadd.f32 v34, v24  }
0x253: {  	v25 =	vnsel vm3, $0x0, v48  }
0x254: {  	v34 =	vadd.f32 v34, v25  }
0x255: {  	v20 =	vnsel vm4, $0x0, v50  }
0x256: {  	v34 =	vadd.f32 v34, v20  }
0x257: {  	v21 =	vnsel vm5, $0x0, v52  }
0x258: {  	v34 =	vadd.f32 v34, v21  }
0x259: {  	v18 =	vnsel vm6, $0x0, v53  }
0x25a: {  	v34 =	vadd.f32 v34, v18  }
0x25b: {  	v19 =	vnsel vm7, $0x0, v54  }
0x25c: {  	v34 =	vadd.f32 v34, v19  }
0x25d: {  	v17 =	vnsel vm8, $0x0, v17  }
0x25e: {  	v34 =	vadd.f32 v34, v17  }
0x25f: {  	v26 =	vnsel vm9, $0x0, v55  }
0x260: {  	v34 =	vadd.f32 v34, v26  }
0x261: {  	v27 =	vnsel vm10, $0x0, v56  }
0x262: {  	v34 =	vadd.f32 v34, v27  }
0x263: {  	v28 =	vnsel vm11, $0x0, v57  }
0x264: {  	v34 =	vadd.f32 v34, v28  }
0x265: {  	v29 =	vnsel vm12, $0x0, v58  }
0x266: {  	v34 =	vadd.f32 v34, v29  }
0x267: {  	v30 =	vnsel vm13, $0x0, v59  }
0x268: {  	v34 =	vadd.f32 v34, v30  }
0x269: {  	v31 =	vnsel vm14, $0x0, v60  }
0x26a: {  	v34 =	vadd.f32 v34, v31  }
0x26b: {  	v32 =	vnsel vm15, $0x0, v61  }
0x26c: {  	v34 =	vadd.f32 v34, v32;
	_ =	sdelay $0x1  }
0x26d: {  	(erf) = vrcp.f32 v34;
	_ =	sdelay $0x8  }
0x26e: {  	v34 =	vpop (erf)  }
0x26f: {  	v33 =	vmul.f32 v34, v62;
	_ =	sdelay $0x1  }
0x270: {  	v22 =	vmul.f32 v34, v22;
	v16 =	vmul.f32 v33, v16;
	_ =	sdelay $0x1  }
0x271: {  	v36 =	vmul.f32 v34, v23;
	v16 =	vadd.f32 v16, v22;
	_ =	sdelay $0x1  }
0x272: {  	v37 =	vmul.f32 v34, v24;
	v16 =	vadd.f32 v16, v36;
	_ =	sdelay $0x1  }
0x273: {  	v38 =	vmul.f32 v34, v25;
	v16 =	vadd.f32 v16, v37;
	_ =	sdelay $0x1  }
0x274: {  	v20 =	vmul.f32 v34, v20;
	v16 =	vadd.f32 v16, v38;
	_ =	sdelay $0x1  }
0x275: {  	v39 =	vmul.f32 v34, v21;
	v16 =	vadd.f32 v16, v20;
	_ =	sdelay $0x1  }
0x276: {  	v18 =	vmul.f32 v34, v18;
	v16 =	vadd.f32 v16, v39;
	_ =	sdelay $0x1  }
0x277: {  	v40 =	vmul.f32 v34, v19;
	v16 =	vadd.f32 v16, v18;
	_ =	sdelay $0x1  }
0x278: {  	v17 =	vmul.f32 v34, v17;
	v16 =	vadd.f32 v16, v40;
	_ =	sdelay $0x1  }
0x279: {  	v16 =	vadd.f32 v16, v17;
	v17 =	vmul.f32 v34, v26;
	_ =	sdelay $0x1  }
0x27a: {  	v16 =	vadd.f32 v16, v17;
	v17 =	vmul.f32 v34, v27;
	_ =	sdelay $0x1  }
0x27b: {  	v16 =	vadd.f32 v16, v17;
	v17 =	vmul.f32 v34, v28;
	_ =	sdelay $0x1  }
0x27c: {  	v16 =	vadd.f32 v16, v17;
	v17 =	vmul.f32 v34, v29;
	_ =	sdelay $0x1  }
0x27d: {  	v16 =	vadd.f32 v16, v17;
	v17 =	vmul.f32 v34, v30;
	_ =	sdelay $0x1  }
0x27e: {  	v16 =	vadd.f32 v16, v17;
	v17 =	vmul.f32 v34, v31;
	_ =	sdelay $0x1  }
0x27f: {  	v16 =	vadd.f32 v16, v17;
	v17 =	vmul.f32 v34, v32;
	_ =	sdelay $0x1  }
0x280: {  	v16 =	vadd.f32 v16, v17;
	_ =	sdelay $0x1  }
0x281: {  	[tilespmem:$0x940] =	vst v16  }
0x282: {  	v16 =	vld.idx.msk [tilespmem:v11+s7+$0x0], $0xffff;
	_ =	sdelay $0x1  }
0x283: {  	v17 =	vld.idx.msk [tilespmem:v10+s7+$0x0], $0xffff;
	_ =	sdelay $0x2  }
0x284: {  	v16 =	vsub.f32 $0.0e+00, v16  }
0x285: {  	v41 =	vld [tilespmem:$0x50]  }
0x286: {  	v16 =	vmax.f32 v17, v16  }
0x287: {  	v42 =	vld [tilespmem:$0xD0];
	v17 =	vtrunc.f32 v16  }
0x288: {  	v17 =	vcvt.f32.s32 v17  }
0x289: {  	v43 =	vld [tilespmem:$0x150]  }
0x28a: {  	v44 =	vmax.f32 v41, $0.0e+00;
	vm0 =	vgt.s32 v17, $0xFFFFFFFF  }
0x28b: {  	v45 =	vld [tilespmem:$0x1D0];
	v21 =	vnsel vm0, $0x0, v44  }
0x28c: {  	vm1 =	vgt.s32 v17, $0x0;
	v46 =	vmax.f32 v21, v42  }
0x28d: {  	v47 =	vld [tilespmem:$0x250];
	v21 =	vsel vm1, v46, v21  }
0x28e: {  	vm2 =	vgt.s32 v17, $0x1;
	v23 =	vmax.f32 v21, v43  }
0x28f: {  	v48 =	vld [tilespmem:$0x2D0];
	v21 =	vsel vm2, v23, v21  }
0x290: {  	vm3 =	vgt.s32 v17, $0x2;
	v23 =	vmax.f32 v21, v45  }
0x291: {  	v49 =	vld [tilespmem:$0x350];
	v21 =	vsel vm3, v23, v21  }
0x292: {  	vm4 =	vgt.s32 v17, $0x3;
	v23 =	vmax.f32 v21, v47  }
0x293: {  	v50 =	vld [tilespmem:$0x3D0];
	v21 =	vsel vm4, v23, v21  }
0x294: {  	vm5 =	vgt.s32 v17, $0x4;
	v23 =	vmax.f32 v21, v48  }
0x295: {  	v51 =	vld [tilespmem:$0x450];
	v21 =	vsel vm5, v23, v21  }
0x296: {  	vm6 =	vgt.s32 v17, $0x5;
	v23 =	vmax.f32 v21, v49  }
0x297: {  	v52 =	vld [tilespmem:$0x4D0];
	v21 =	vsel vm6, v23, v21  }
0x298: {  	vm7 =	vgt.s32 v17, $0x6;
	v23 =	vmax.f32 v21, v50  }
0x299: {  	v53 =	vld [tilespmem:$0x550];
	v21 =	vsel vm7, v23, v21  }
0x29a: {  	vm8 =	vgt.s32 v17, $0x7;
	v23 =	vmax.f32 v21, v51  }
0x29b: {  	v54 =	vld [tilespmem:$0x5D0];
	v21 =	vsel vm8, v23, v21  }
0x29c: {  	vm9 =	vgt.s32 v17, $0x8;
	v23 =	vmax.f32 v21, v52  }
0x29d: {  	v55 =	vld [tilespmem:$0x650];
	v21 =	vsel vm9, v23, v21  }
0x29e: {  	vm10 =	vgt.s32 v17, $0x9;
	v23 =	vmax.f32 v21, v53  }
0x29f: {  	v56 =	vld [tilespmem:$0x6D0];
	v21 =	vsel vm10, v23, v21  }
0x2a0: {  	vm11 =	vgt.s32 v17, $0xA;
	v23 =	vmax.f32 v21, v54  }
0x2a1: {  	v57 =	vld [tilespmem:$0x750];
	v21 =	vsel vm11, v23, v21  }
0x2a2: {  	vm12 =	vgt.s32 v17, $0xB;
	v23 =	vmax.f32 v21, v55  }
0x2a3: {  	v58 =	vld [tilespmem:$0x7D0];
	v21 =	vsel vm12, v23, v21  }
0x2a4: {  	vm13 =	vgt.s32 v17, $0xC;
	v23 =	vmax.f32 v21, v56  }
0x2a5: {  	v21 =	vsel vm13, v23, v21  }
0x2a6: {  	vm14 =	vgt.s32 v17, $0xD;
	v23 =	vmax.f32 v21, v57  }
0x2a7: {  	v21 =	vsel vm14, v23, v21  }
0x2a8: {  	vm15 =	vgt.s32 v17, $0xE;
	v17 =	vmax.f32 v21, v58  }
0x2a9: {  	v17 =	vsel vm15, v17, v21  }
0x2aa: {  	v18 =	vsub.f32 v41, v17  }
0x2ab: {  	v19 =	vsub.f32 v42, v17;
	v20 =	vsub.f32 v43, v17  }
0x2ac: {  	v21 =	vsub.f32 v45, v17;
	v18 =	vmul.f32 $1.442695020e+00, v18  }
0x2ad: {  	v60 =	vsub.f32 v47, v17;
	v19 =	vmul.f32 $1.442695020e+00, v19;
	v59 =	vmul.f32 $1.442695020e+00, v20  }
0x2ae: {  	v62 =	vsub.f32 v48, v17;
	v61 =	vmul.f32 $1.442695020e+00, v21;
	(erf) = vpow2.f32 v18  }
0x2af: {  	v24 =	vsub.f32 v49, v17;
	v63 =	vmul.f32 $1.442695020e+00, v60;
	(erf) = vpow2.f32 v19  }
0x2b0: {  	v26 =	vsub.f32 v50, v17;
	v25 =	vmul.f32 $1.442695020e+00, v62;
	(erf) = vpow2.f32 v59  }
0x2b1: {  	v28 =	vsub.f32 v51, v17;
	v27 =	vmul.f32 $1.442695020e+00, v24;
	(erf) = vpow2.f32 v61  }
0x2b2: {  	v37 =	vsub.f32 v52, v17;
	v36 =	vmul.f32 $1.442695020e+00, v26;
	(erf) = vpow2.f32 v63  }
0x2b3: {  	v39 =	vsub.f32 v53, v17;
	v38 =	vmul.f32 $1.442695020e+00, v28;
	(erf) = vpow2.f32 v25  }
0x2b4: {  	v41 =	vsub.f32 v54, v17;
	v40 =	vmul.f32 $1.442695020e+00, v37;
	(erf) = vpow2.f32 v27  }
0x2b5: {  	v43 =	vsub.f32 v55, v17;
	v42 =	vmul.f32 $1.442695020e+00, v39;
	(erf) = vpow2.f32 v36  }
0x2b6: {  	v46 =	vsub.f32 v56, v17;
	v45 =	vmul.f32 $1.442695020e+00, v41;
	(erf) = vpow2.f32 v38  }
0x2b7: {  	v49 =	vsub.f32 v57, v17;
	v48 =	vmul.f32 $1.442695020e+00, v43;
	v44 =	vpop (erf);
	(erf) = vpow2.f32 v40  }
0x2b8: {  	v52 =	vsub.f32 v58, v17;
	v51 =	vmul.f32 $1.442695020e+00, v46;
	v47 =	vpop (erf);
	(erf) = vpow2.f32 v42  }
0x2b9: {  	v17 =	vsub.f32 $0.0e+00, v17;
	v54 =	vmul.f32 $1.442695020e+00, v49;
	v50 =	vpop (erf);
	(erf) = vpow2.f32 v45  }
0x2ba: {  	v56 =	vmul.f32 $1.442695020e+00, v52;
	v53 =	vpop (erf);
	(erf) = vpow2.f32 v48  }
0x2bb: {  	v17 =	vmul.f32 $1.442695020e+00, v17;
	v55 =	vpop (erf);
	(erf) = vpow2.f32 v51  }
0x2bc: {  	v57 =	vpop (erf);
	(erf) = vpow2.f32 v54  }
0x2bd: {  	v58 =	vpop (erf);
	(erf) = vpow2.f32 v56  }
0x2be: {  	v59 =	vpop (erf);
	(erf) = vpow2.f32 v17  }
0x2bf: {  	v17 =	vpop (erf)  }
0x2c0: {  	v60 =	vpop (erf)  }
0x2c1: {  	v61 =	vpop (erf)  }
0x2c2: {  	v62 =	vpop (erf)  }
0x2c3: {  	v63 =	vpop (erf)  }
0x2c4: {  	v36 =	vpop (erf)  }
0x2c5: {  	v37 =	vpop (erf)  }
0x2c6: {  	v16 =	vsub.f32 $3.000000000e+01, v16;
	v38 =	vpop (erf)  }
0x2c7: {  	v39 =	vpop (erf)  }
0x2c8: {  	v40 =	vmul.f32 v39, v16  }
0x2c9: {  	v22 =	vnsel vm0, $0x0, v44  }
0x2ca: {  	v34 =	vadd.f32 v22, v40  }
0x2cb: {  	v23 =	vnsel vm1, $0x0, v47  }
0x2cc: {  	v34 =	vadd.f32 v34, v23  }
0x2cd: {  	v24 =	vnsel vm2, $0x0, v50  }
0x2ce: {  	v34 =	vadd.f32 v34, v24  }
0x2cf: {  	v25 =	vnsel vm3, $0x0, v53  }
0x2d0: {  	v34 =	vadd.f32 v34, v25  }
0x2d1: {  	v20 =	vnsel vm4, $0x0, v55  }
0x2d2: {  	v34 =	vadd.f32 v34, v20  }
0x2d3: {  	v21 =	vnsel vm5, $0x0, v57  }
0x2d4: {  	v34 =	vadd.f32 v34, v21  }
0x2d5: {  	v18 =	vnsel vm6, $0x0, v58  }
0x2d6: {  	v34 =	vadd.f32 v34, v18  }
0x2d7: {  	v19 =	vnsel vm7, $0x0, v59  }
0x2d8: {  	v34 =	vadd.f32 v34, v19  }
0x2d9: {  	v17 =	vnsel vm8, $0x0, v17  }
0x2da: {  	v34 =	vadd.f32 v34, v17  }
0x2db: {  	v26 =	vnsel vm9, $0x0, v60  }
0x2dc: {  	v34 =	vadd.f32 v34, v26  }
0x2dd: {  	v27 =	vnsel vm10, $0x0, v61  }
0x2de: {  	v34 =	vadd.f32 v34, v27  }
0x2df: {  	v28 =	vnsel vm11, $0x0, v62  }
0x2e0: {  	v34 =	vadd.f32 v34, v28  }
0x2e1: {  	v29 =	vnsel vm12, $0x0, v63  }
0x2e2: {  	v34 =	vadd.f32 v34, v29  }
0x2e3: {  	v30 =	vnsel vm13, $0x0, v36  }
0x2e4: {  	v34 =	vadd.f32 v34, v30  }
0x2e5: {  	v31 =	vnsel vm14, $0x0, v37  }
0x2e6: {  	v34 =	vadd.f32 v34, v31  }
0x2e7: {  	v32 =	vnsel vm15, $0x0, v38  }
0x2e8: {  	v34 =	vadd.f32 v34, v32;
	_ =	sdelay $0x1  }
0x2e9: {  	(erf) = vrcp.f32 v34;
	_ =	sdelay $0x8  }
0x2ea: {  	v34 =	vpop (erf)  }
0x2eb: {  	v33 =	vmul.f32 v34, v39;
	_ =	sdelay $0x1  }
0x2ec: {  	v22 =	vmul.f32 v34, v22;
	v16 =	vmul.f32 v33, v16;
	_ =	sdelay $0x1  }
0x2ed: {  	v41 =	vmul.f32 v34, v23;
	v16 =	vadd.f32 v16, v22;
	_ =	sdelay $0x1  }
0x2ee: {  	v42 =	vmul.f32 v34, v24;
	v16 =	vadd.f32 v16, v41;
	_ =	sdelay $0x1  }
0x2ef: {  	v43 =	vmul.f32 v34, v25;
	v16 =	vadd.f32 v16, v42;
	_ =	sdelay $0x1  }
0x2f0: {  	v20 =	vmul.f32 v34, v20;
	v16 =	vadd.f32 v16, v43;
	_ =	sdelay $0x1  }
0x2f1: {  	v44 =	vmul.f32 v34, v21;
	v16 =	vadd.f32 v16, v20;
	_ =	sdelay $0x1  }
0x2f2: {  	v18 =	vmul.f32 v34, v18;
	v16 =	vadd.f32 v16, v44;
	_ =	sdelay $0x1  }
0x2f3: {  	v45 =	vmul.f32 v34, v19;
	v16 =	vadd.f32 v16, v18;
	_ =	sdelay $0x1  }
0x2f4: {  	v17 =	vmul.f32 v34, v17;
	v16 =	vadd.f32 v16, v45;
	_ =	sdelay $0x1  }
0x2f5: {  	v16 =	vadd.f32 v16, v17;
	v17 =	vmul.f32 v34, v26;
	_ =	sdelay $0x1  }
0x2f6: {  	v16 =	vadd.f32 v16, v17;
	v17 =	vmul.f32 v34, v27;
	_ =	sdelay $0x1  }
0x2f7: {  	v16 =	vadd.f32 v16, v17;
	v17 =	vmul.f32 v34, v28;
	_ =	sdelay $0x1  }
0x2f8: {  	v16 =	vadd.f32 v16, v17;
	v17 =	vmul.f32 v34, v29;
	_ =	sdelay $0x1  }
0x2f9: {  	v16 =	vadd.f32 v16, v17;
	v17 =	vmul.f32 v34, v30;
	_ =	sdelay $0x1  }
0x2fa: {  	v16 =	vadd.f32 v16, v17;
	v17 =	vmul.f32 v34, v31;
	_ =	sdelay $0x1  }
0x2fb: {  	v16 =	vadd.f32 v16, v17;
	v17 =	vmul.f32 v34, v32;
	_ =	sdelay $0x1  }
0x2fc: {  	v16 =	vadd.f32 v16, v17;
	_ =	sdelay $0x1  }
0x2fd: {  	[tilespmem:$0x950] =	vst v16  }
0x2fe: {  	v16 =	vld.idx.msk [tilespmem:v13+s7+$0x0], $0xffff;
	_ =	sdelay $0x1  }
0x2ff: {  	v17 =	vld.idx.msk [tilespmem:v12+s7+$0x0], $0xffff;
	_ =	sdelay $0x2  }
0x300: {  	v16 =	vsub.f32 $0.0e+00, v16  }
0x301: {  	v46 =	vld [tilespmem:$0x60]  }
0x302: {  	v16 =	vmax.f32 v17, v16  }
0x303: {  	v47 =	vld [tilespmem:$0xE0];
	v17 =	vtrunc.f32 v16  }
0x304: {  	v17 =	vcvt.f32.s32 v17  }
0x305: {  	v48 =	vld [tilespmem:$0x160]  }
0x306: {  	v49 =	vmax.f32 v46, $0.0e+00;
	vm0 =	vgt.s32 v17, $0xFFFFFFFF  }
0x307: {  	v50 =	vld [tilespmem:$0x1E0];
	v21 =	vnsel vm0, $0x0, v49  }
0x308: {  	vm1 =	vgt.s32 v17, $0x0;
	v51 =	vmax.f32 v21, v47  }
0x309: {  	v52 =	vld [tilespmem:$0x260];
	v21 =	vsel vm1, v51, v21  }
0x30a: {  	vm2 =	vgt.s32 v17, $0x1;
	v23 =	vmax.f32 v21, v48  }
0x30b: {  	v53 =	vld [tilespmem:$0x2E0];
	v21 =	vsel vm2, v23, v21  }
0x30c: {  	vm3 =	vgt.s32 v17, $0x2;
	v23 =	vmax.f32 v21, v50  }
0x30d: {  	v54 =	vld [tilespmem:$0x360];
	v21 =	vsel vm3, v23, v21  }
0x30e: {  	vm4 =	vgt.s32 v17, $0x3;
	v23 =	vmax.f32 v21, v52  }
0x30f: {  	v55 =	vld [tilespmem:$0x3E0];
	v21 =	vsel vm4, v23, v21  }
0x310: {  	vm5 =	vgt.s32 v17, $0x4;
	v23 =	vmax.f32 v21, v53  }
0x311: {  	v56 =	vld [tilespmem:$0x460];
	v21 =	vsel vm5, v23, v21  }
0x312: {  	vm6 =	vgt.s32 v17, $0x5;
	v23 =	vmax.f32 v21, v54  }
0x313: {  	v57 =	vld [tilespmem:$0x4E0];
	v21 =	vsel vm6, v23, v21  }
0x314: {  	vm7 =	vgt.s32 v17, $0x6;
	v23 =	vmax.f32 v21, v55  }
0x315: {  	v58 =	vld [tilespmem:$0x560];
	v21 =	vsel vm7, v23, v21  }
0x316: {  	vm8 =	vgt.s32 v17, $0x7;
	v23 =	vmax.f32 v21, v56  }
0x317: {  	v59 =	vld [tilespmem:$0x5E0];
	v21 =	vsel vm8, v23, v21  }
0x318: {  	vm9 =	vgt.s32 v17, $0x8;
	v23 =	vmax.f32 v21, v57  }
0x319: {  	v60 =	vld [tilespmem:$0x660];
	v21 =	vsel vm9, v23, v21  }
0x31a: {  	vm10 =	vgt.s32 v17, $0x9;
	v23 =	vmax.f32 v21, v58  }
0x31b: {  	v61 =	vld [tilespmem:$0x6E0];
	v21 =	vsel vm10, v23, v21  }
0x31c: {  	vm11 =	vgt.s32 v17, $0xA;
	v23 =	vmax.f32 v21, v59  }
0x31d: {  	v62 =	vld [tilespmem:$0x760];
	v21 =	vsel vm11, v23, v21  }
0x31e: {  	vm12 =	vgt.s32 v17, $0xB;
	v23 =	vmax.f32 v21, v60  }
0x31f: {  	v63 =	vld [tilespmem:$0x7E0];
	v21 =	vsel vm12, v23, v21  }
0x320: {  	vm13 =	vgt.s32 v17, $0xC;
	v23 =	vmax.f32 v21, v61  }
0x321: {  	v21 =	vsel vm13, v23, v21  }
0x322: {  	vm14 =	vgt.s32 v17, $0xD;
	v23 =	vmax.f32 v21, v62  }
0x323: {  	v21 =	vsel vm14, v23, v21  }
0x324: {  	vm15 =	vgt.s32 v17, $0xE;
	v17 =	vmax.f32 v21, v63  }
0x325: {  	v17 =	vsel vm15, v17, v21  }
0x326: {  	v18 =	vsub.f32 v46, v17  }
0x327: {  	v19 =	vsub.f32 v47, v17;
	v20 =	vsub.f32 v48, v17  }
0x328: {  	v21 =	vsub.f32 v50, v17;
	v18 =	vmul.f32 $1.442695020e+00, v18  }
0x329: {  	v37 =	vsub.f32 v52, v17;
	v19 =	vmul.f32 $1.442695020e+00, v19;
	v36 =	vmul.f32 $1.442695020e+00, v20  }
0x32a: {  	v39 =	vsub.f32 v53, v17;
	v38 =	vmul.f32 $1.442695020e+00, v21;
	(erf) = vpow2.f32 v18  }
0x32b: {  	v41 =	vsub.f32 v54, v17;
	v40 =	vmul.f32 $1.442695020e+00, v37;
	(erf) = vpow2.f32 v19  }
0x32c: {  	v43 =	vsub.f32 v55, v17;
	v42 =	vmul.f32 $1.442695020e+00, v39;
	(erf) = vpow2.f32 v36  }
0x32d: {  	v45 =	vsub.f32 v56, v17;
	v44 =	vmul.f32 $1.442695020e+00, v41;
	(erf) = vpow2.f32 v38  }
0x32e: {  	v47 =	vsub.f32 v57, v17;
	v46 =	vmul.f32 $1.442695020e+00, v43;
	(erf) = vpow2.f32 v40  }
0x32f: {  	v49 =	vsub.f32 v58, v17;
	v48 =	vmul.f32 $1.442695020e+00, v45;
	(erf) = vpow2.f32 v42  }
0x330: {  	v51 =	vsub.f32 v59, v17;
	v50 =	vmul.f32 $1.442695020e+00, v47;
	(erf) = vpow2.f32 v44  }
0x331: {  	v53 =	vsub.f32 v60, v17;
	v52 =	vmul.f32 $1.442695020e+00, v49;
	(erf) = vpow2.f32 v46  }
0x332: {  	v56 =	vsub.f32 v61, v17;
	v55 =	vmul.f32 $1.442695020e+00, v51;
	(erf) = vpow2.f32 v48  }
0x333: {  	v59 =	vsub.f32 v62, v17;
	v58 =	vmul.f32 $1.442695020e+00, v53;
	v54 =	vpop (erf);
	(erf) = vpow2.f32 v50  }
0x334: {  	v62 =	vsub.f32 v63, v17;
	v61 =	vmul.f32 $1.442695020e+00, v56;
	v57 =	vpop (erf);
	(erf) = vpow2.f32 v52  }
0x335: {  	v17 =	vsub.f32 $0.0e+00, v17;
	v35 =	vmul.f32 $1.442695020e+00, v59;
	v60 =	vpop (erf);
	(erf) = vpow2.f32 v55  }
0x336: {  	v37 =	vmul.f32 $1.442695020e+00, v62;
	v63 =	vpop (erf);
	(erf) = vpow2.f32 v58  }
0x337: {  	v17 =	vmul.f32 $1.442695020e+00, v17;
	v36 =	vpop (erf);
	(erf) = vpow2.f32 v61  }
0x338: {  	v38 =	vpop (erf);
	(erf) = vpow2.f32 v35  }
0x339: {  	v39 =	vpop (erf);
	(erf) = vpow2.f32 v37  }
0x33a: {  	v40 =	vpop (erf);
	(erf) = vpow2.f32 v17  }
0x33b: {  	v17 =	vpop (erf)  }
0x33c: {  	v41 =	vpop (erf)  }
0x33d: {  	v42 =	vpop (erf)  }
0x33e: {  	v43 =	vpop (erf)  }
0x33f: {  	v44 =	vpop (erf)  }
0x340: {  	v45 =	vpop (erf)  }
0x341: {  	v46 =	vpop (erf)  }
0x342: {  	v16 =	vsub.f32 $3.000000000e+01, v16;
	v47 =	vpop (erf)  }
0x343: {  	v48 =	vpop (erf)  }
0x344: {  	v49 =	vmul.f32 v48, v16  }
0x345: {  	v22 =	vnsel vm0, $0x0, v54  }
0x346: {  	v34 =	vadd.f32 v22, v49  }
0x347: {  	v23 =	vnsel vm1, $0x0, v57  }
0x348: {  	v34 =	vadd.f32 v34, v23  }
0x349: {  	v24 =	vnsel vm2, $0x0, v60  }
0x34a: {  	v34 =	vadd.f32 v34, v24  }
0x34b: {  	v25 =	vnsel vm3, $0x0, v63  }
0x34c: {  	v34 =	vadd.f32 v34, v25  }
0x34d: {  	v20 =	vnsel vm4, $0x0, v36  }
0x34e: {  	v34 =	vadd.f32 v34, v20  }
0x34f: {  	v21 =	vnsel vm5, $0x0, v38  }
0x350: {  	v34 =	vadd.f32 v34, v21  }
0x351: {  	v18 =	vnsel vm6, $0x0, v39  }
0x352: {  	v34 =	vadd.f32 v34, v18  }
0x353: {  	v19 =	vnsel vm7, $0x0, v40  }
0x354: {  	v34 =	vadd.f32 v34, v19  }
0x355: {  	v17 =	vnsel vm8, $0x0, v17  }
0x356: {  	v34 =	vadd.f32 v34, v17  }
0x357: {  	v26 =	vnsel vm9, $0x0, v41  }
0x358: {  	v34 =	vadd.f32 v34, v26  }
0x359: {  	v27 =	vnsel vm10, $0x0, v42  }
0x35a: {  	v34 =	vadd.f32 v34, v27  }
0x35b: {  	v28 =	vnsel vm11, $0x0, v43  }
0x35c: {  	v34 =	vadd.f32 v34, v28  }
0x35d: {  	v29 =	vnsel vm12, $0x0, v44  }
0x35e: {  	v34 =	vadd.f32 v34, v29  }
0x35f: {  	v30 =	vnsel vm13, $0x0, v45  }
0x360: {  	v34 =	vadd.f32 v34, v30  }
0x361: {  	v31 =	vnsel vm14, $0x0, v46  }
0x362: {  	v34 =	vadd.f32 v34, v31  }
0x363: {  	v32 =	vnsel vm15, $0x0, v47  }
0x364: {  	v34 =	vadd.f32 v34, v32;
	_ =	sdelay $0x1  }
0x365: {  	(erf) = vrcp.f32 v34;
	_ =	sdelay $0x8  }
0x366: {  	v34 =	vpop (erf)  }
0x367: {  	v33 =	vmul.f32 v34, v48;
	_ =	sdelay $0x1  }
0x368: {  	v22 =	vmul.f32 v34, v22;
	v16 =	vmul.f32 v33, v16;
	_ =	sdelay $0x1  }
0x369: {  	v50 =	vmul.f32 v34, v23;
	v16 =	vadd.f32 v16, v22;
	_ =	sdelay $0x1  }
0x36a: {  	v51 =	vmul.f32 v34, v24;
	v16 =	vadd.f32 v16, v50;
	_ =	sdelay $0x1  }
0x36b: {  	v52 =	vmul.f32 v34, v25;
	v16 =	vadd.f32 v16, v51;
	_ =	sdelay $0x1  }
0x36c: {  	v20 =	vmul.f32 v34, v20;
	v16 =	vadd.f32 v16, v52;
	_ =	sdelay $0x1  }
0x36d: {  	v53 =	vmul.f32 v34, v21;
	v16 =	vadd.f32 v16, v20;
	_ =	sdelay $0x1  }
0x36e: {  	v18 =	vmul.f32 v34, v18;
	v16 =	vadd.f32 v16, v53;
	_ =	sdelay $0x1  }
0x36f: {  	v54 =	vmul.f32 v34, v19;
	v16 =	vadd.f32 v16, v18;
	_ =	sdelay $0x1  }
0x370: {  	v17 =	vmul.f32 v34, v17;
	v16 =	vadd.f32 v16, v54;
	_ =	sdelay $0x1  }
0x371: {  	v16 =	vadd.f32 v16, v17;
	v17 =	vmul.f32 v34, v26;
	_ =	sdelay $0x1  }
0x372: {  	v16 =	vadd.f32 v16, v17;
	v17 =	vmul.f32 v34, v27;
	_ =	sdelay $0x1  }
0x373: {  	v16 =	vadd.f32 v16, v17;
	v17 =	vmul.f32 v34, v28;
	_ =	sdelay $0x1  }
0x374: {  	v16 =	vadd.f32 v16, v17;
	v17 =	vmul.f32 v34, v29;
	_ =	sdelay $0x1  }
0x375: {  	v16 =	vadd.f32 v16, v17;
	v17 =	vmul.f32 v34, v30;
	_ =	sdelay $0x1  }
0x376: {  	v16 =	vadd.f32 v16, v17;
	v17 =	vmul.f32 v34, v31;
	_ =	sdelay $0x1  }
0x377: {  	v16 =	vadd.f32 v16, v17;
	v17 =	vmul.f32 v34, v32;
	_ =	sdelay $0x1  }
0x378: {  	v16 =	vadd.f32 v16, v17;
	_ =	sdelay $0x1  }
0x379: {  	[tilespmem:$0x960] =	vst v16  }
0x37a: {  	v16 =	vld.idx.msk [tilespmem:v15+s7+$0x0], $0xffff;
	_ =	sdelay $0x1  }
0x37b: {  	v17 =	vld.idx.msk [tilespmem:v14+s7+$0x0], $0xffff;
	_ =	sdelay $0x2  }
0x37c: {  	v16 =	vsub.f32 $0.0e+00, v16  }
0x37d: {  	v55 =	vld [tilespmem:$0x70]  }
0x37e: {  	v16 =	vmax.f32 v17, v16  }
0x37f: {  	v56 =	vld [tilespmem:$0xF0];
	v17 =	vtrunc.f32 v16  }
0x380: {  	v17 =	vcvt.f32.s32 v17  }
0x381: {  	v57 =	vld [tilespmem:$0x170]  }
0x382: {  	v58 =	vmax.f32 v55, $0.0e+00;
	vm0 =	vgt.s32 v17, $0xFFFFFFFF  }
0x383: {  	v59 =	vld [tilespmem:$0x1F0];
	v21 =	vnsel vm0, $0x0, v58  }
0x384: {  	vm1 =	vgt.s32 v17, $0x0;
	v60 =	vmax.f32 v21, v56  }
0x385: {  	v61 =	vld [tilespmem:$0x270];
	v21 =	vsel vm1, v60, v21  }
0x386: {  	vm2 =	vgt.s32 v17, $0x1;
	v23 =	vmax.f32 v21, v57  }
0x387: {  	v62 =	vld [tilespmem:$0x2F0];
	v21 =	vsel vm2, v23, v21  }
0x388: {  	vm3 =	vgt.s32 v17, $0x2;
	v23 =	vmax.f32 v21, v59  }
0x389: {  	v63 =	vld [tilespmem:$0x370];
	v21 =	vsel vm3, v23, v21  }
0x38a: {  	vm4 =	vgt.s32 v17, $0x3;
	v23 =	vmax.f32 v21, v61  }
0x38b: {  	v36 =	vld [tilespmem:$0x3F0];
	v21 =	vsel vm4, v23, v21  }
0x38c: {  	vm5 =	vgt.s32 v17, $0x4;
	v23 =	vmax.f32 v21, v62  }
0x38d: {  	v37 =	vld [tilespmem:$0x470];
	v21 =	vsel vm5, v23, v21  }
0x38e: {  	vm6 =	vgt.s32 v17, $0x5;
	v23 =	vmax.f32 v21, v63  }
0x38f: {  	v38 =	vld [tilespmem:$0x4F0];
	v21 =	vsel vm6, v23, v21  }
0x390: {  	vm7 =	vgt.s32 v17, $0x6;
	v23 =	vmax.f32 v21, v36  }
0x391: {  	v39 =	vld [tilespmem:$0x570];
	v21 =	vsel vm7, v23, v21  }
0x392: {  	vm8 =	vgt.s32 v17, $0x7;
	v23 =	vmax.f32 v21, v37  }
0x393: {  	v40 =	vld [tilespmem:$0x5F0];
	v21 =	vsel vm8, v23, v21  }
0x394: {  	vm9 =	vgt.s32 v17, $0x8;
	v23 =	vmax.f32 v21, v38  }
0x395: {  	v41 =	vld [tilespmem:$0x670];
	v21 =	vsel vm9, v23, v21  }
0x396: {  	vm10 =	vgt.s32 v17, $0x9;
	v23 =	vmax.f32 v21, v39  }
0x397: {  	v42 =	vld [tilespmem:$0x6F0];
	v21 =	vsel vm10, v23, v21  }
0x398: {  	vm11 =	vgt.s32 v17, $0xA;
	v23 =	vmax.f32 v21, v40  }
0x399: {  	v43 =	vld [tilespmem:$0x770];
	v21 =	vsel vm11, v23, v21  }
0x39a: {  	vm12 =	vgt.s32 v17, $0xB;
	v23 =	vmax.f32 v21, v41  }
0x39b: {  	v44 =	vld [tilespmem:$0x7F0];
	v21 =	vsel vm12, v23, v21  }
0x39c: {  	vm13 =	vgt.s32 v17, $0xC;
	v23 =	vmax.f32 v21, v42  }
0x39d: {  	v21 =	vsel vm13, v23, v21  }
0x39e: {  	vm14 =	vgt.s32 v17, $0xD;
	v23 =	vmax.f32 v21, v43  }
0x39f: {  	v21 =	vsel vm14, v23, v21  }
0x3a0: {  	vm15 =	vgt.s32 v17, $0xE;
	v17 =	vmax.f32 v21, v44  }
0x3a1: {  	v17 =	vsel vm15, v17, v21  }
0x3a2: {  	v18 =	vsub.f32 v55, v17  }
0x3a3: {  	v19 =	vsub.f32 v56, v17;
	v20 =	vsub.f32 v57, v17  }
0x3a4: {  	v21 =	vsub.f32 v59, v17;
	v18 =	vmul.f32 $1.442695020e+00, v18  }
0x3a5: {  	v46 =	vsub.f32 v61, v17;
	v19 =	vmul.f32 $1.442695020e+00, v19;
	v45 =	vmul.f32 $1.442695020e+00, v20  }
0x3a6: {  	v48 =	vsub.f32 v62, v17;
	v47 =	vmul.f32 $1.442695020e+00, v21;
	(erf) = vpow2.f32 v18  }
0x3a7: {  	v50 =	vsub.f32 v63, v17;
	v49 =	vmul.f32 $1.442695020e+00, v46;
	(erf) = vpow2.f32 v19  }
0x3a8: {  	v52 =	vsub.f32 v36, v17;
	v51 =	vmul.f32 $1.442695020e+00, v48;
	(erf) = vpow2.f32 v45  }
0x3a9: {  	v54 =	vsub.f32 v37, v17;
	v53 =	vmul.f32 $1.442695020e+00, v50;
	(erf) = vpow2.f32 v47  }
0x3aa: {  	v56 =	vsub.f32 v38, v17;
	v55 =	vmul.f32 $1.442695020e+00, v52;
	(erf) = vpow2.f32 v49  }
0x3ab: {  	v58 =	vsub.f32 v39, v17;
	v57 =	vmul.f32 $1.442695020e+00, v54;
	(erf) = vpow2.f32 v51  }
0x3ac: {  	v60 =	vsub.f32 v40, v17;
	v59 =	vmul.f32 $1.442695020e+00, v56;
	(erf) = vpow2.f32 v53  }
0x3ad: {  	v62 =	vsub.f32 v41, v17;
	v61 =	vmul.f32 $1.442695020e+00, v58;
	(erf) = vpow2.f32 v55  }
0x3ae: {  	v36 =	vsub.f32 v42, v17;
	v32 =	vmul.f32 $1.442695020e+00, v60;
	(erf) = vpow2.f32 v57  }
0x3af: {  	v39 =	vsub.f32 v43, v17;
	v38 =	vmul.f32 $1.442695020e+00, v62;
	v63 =	vpop (erf);
	(erf) = vpow2.f32 v59  }
0x3b0: {  	v42 =	vsub.f32 v44, v17;
	v41 =	vmul.f32 $1.442695020e+00, v36;
	v37 =	vpop (erf);
	(erf) = vpow2.f32 v61  }
0x3b1: {  	v17 =	vsub.f32 $0.0e+00, v17;
	v44 =	vmul.f32 $1.442695020e+00, v39;
	v40 =	vpop (erf);
	(erf) = vpow2.f32 v32  }
0x3b2: {  	v46 =	vmul.f32 $1.442695020e+00, v42;
	v43 =	vpop (erf);
	(erf) = vpow2.f32 v38  }
0x3b3: {  	v17 =	vmul.f32 $1.442695020e+00, v17;
	v45 =	vpop (erf);
	(erf) = vpow2.f32 v41  }
0x3b4: {  	v47 =	vpop (erf);
	(erf) = vpow2.f32 v44  }
0x3b5: {  	v48 =	vpop (erf);
	(erf) = vpow2.f32 v46  }
0x3b6: {  	v49 =	vpop (erf);
	(erf) = vpow2.f32 v17  }
0x3b7: {  	v17 =	vpop (erf)  }
0x3b8: {  	v50 =	vpop (erf)  }
0x3b9: {  	v51 =	vpop (erf)  }
0x3ba: {  	v52 =	vpop (erf)  }
0x3bb: {  	v53 =	vpop (erf)  }
0x3bc: {  	v54 =	vpop (erf)  }
0x3bd: {  	v55 =	vpop (erf)  }
0x3be: {  	v16 =	vsub.f32 $3.000000000e+01, v16;
	v56 =	vpop (erf)  }
0x3bf: {  	v57 =	vpop (erf)  }
0x3c0: {  	v58 =	vmul.f32 v57, v16  }
0x3c1: {  	v22 =	vnsel vm0, $0x0, v63  }
0x3c2: {  	v34 =	vadd.f32 v22, v58  }
0x3c3: {  	v23 =	vnsel vm1, $0x0, v37  }
0x3c4: {  	v34 =	vadd.f32 v34, v23  }
0x3c5: {  	v24 =	vnsel vm2, $0x0, v40  }
0x3c6: {  	v34 =	vadd.f32 v34, v24  }
0x3c7: {  	v25 =	vnsel vm3, $0x0, v43  }
0x3c8: {  	v34 =	vadd.f32 v34, v25  }
0x3c9: {  	v20 =	vnsel vm4, $0x0, v45  }
0x3ca: {  	v34 =	vadd.f32 v34, v20  }
0x3cb: {  	v21 =	vnsel vm5, $0x0, v47  }
0x3cc: {  	v34 =	vadd.f32 v34, v21  }
0x3cd: {  	v18 =	vnsel vm6, $0x0, v48  }
0x3ce: {  	v34 =	vadd.f32 v34, v18  }
0x3cf: {  	v19 =	vnsel vm7, $0x0, v49  }
0x3d0: {  	v34 =	vadd.f32 v34, v19  }
0x3d1: {  	v17 =	vnsel vm8, $0x0, v17  }
0x3d2: {  	v34 =	vadd.f32 v34, v17  }
0x3d3: {  	v26 =	vnsel vm9, $0x0, v50  }
0x3d4: {  	v34 =	vadd.f32 v34, v26  }
0x3d5: {  	v27 =	vnsel vm10, $0x0, v51  }
0x3d6: {  	v34 =	vadd.f32 v34, v27  }
0x3d7: {  	v28 =	vnsel vm11, $0x0, v52  }
0x3d8: {  	v34 =	vadd.f32 v34, v28  }
0x3d9: {  	v29 =	vnsel vm12, $0x0, v53  }
0x3da: {  	v34 =	vadd.f32 v34, v29  }
0x3db: {  	v30 =	vnsel vm13, $0x0, v54  }
0x3dc: {  	v34 =	vadd.f32 v34, v30  }
0x3dd: {  	v31 =	vnsel vm14, $0x0, v55  }
0x3de: {  	v34 =	vadd.f32 v34, v31  }
0x3df: {  	v32 =	vnsel vm15, $0x0, v56  }
0x3e0: {  	v34 =	vadd.f32 v34, v32;
	_ =	sdelay $0x1  }
0x3e1: {  	(erf) = vrcp.f32 v34;
	_ =	sdelay $0x8  }
0x3e2: {  	v34 =	vpop (erf)  }
0x3e3: {  	v33 =	vmul.f32 v34, v57;
	_ =	sdelay $0x1  }
0x3e4: {  	v22 =	vmul.f32 v34, v22;
	v16 =	vmul.f32 v33, v16;
	_ =	sdelay $0x1  }
0x3e5: {  	v59 =	vmul.f32 v34, v23;
	v16 =	vadd.f32 v16, v22;
	_ =	sdelay $0x1  }
0x3e6: {  	v60 =	vmul.f32 v34, v24;
	v16 =	vadd.f32 v16, v59;
	_ =	sdelay $0x1  }
0x3e7: {  	v61 =	vmul.f32 v34, v25;
	v16 =	vadd.f32 v16, v60;
	_ =	sdelay $0x1  }
0x3e8: {  	v20 =	vmul.f32 v34, v20;
	v16 =	vadd.f32 v16, v61;
	_ =	sdelay $0x1  }
0x3e9: {  	v62 =	vmul.f32 v34, v21;
	v16 =	vadd.f32 v16, v20;
	_ =	sdelay $0x1  }
0x3ea: {  	v18 =	vmul.f32 v34, v18;
	v16 =	vadd.f32 v16, v62;
	_ =	sdelay $0x1  }
0x3eb: {  	v63 =	vmul.f32 v34, v19;
	v16 =	vadd.f32 v16, v18;
	_ =	sdelay $0x1  }
0x3ec: {  	v17 =	vmul.f32 v34, v17;
	v16 =	vadd.f32 v16, v63;
	_ =	sdelay $0x1  }
0x3ed: {  	v16 =	vadd.f32 v16, v17;
	v17 =	vmul.f32 v34, v26;
	_ =	sdelay $0x1  }
0x3ee: {  	v16 =	vadd.f32 v16, v17;
	v17 =	vmul.f32 v34, v27;
	_ =	sdelay $0x1  }
0x3ef: {  	v16 =	vadd.f32 v16, v17;
	v17 =	vmul.f32 v34, v28;
	_ =	sdelay $0x1  }
0x3f0: {  	v16 =	vadd.f32 v16, v17;
	v17 =	vmul.f32 v34, v29;
	_ =	sdelay $0x1  }
0x3f1: {  	v16 =	vadd.f32 v16, v17;
	v17 =	vmul.f32 v34, v30;
	_ =	sdelay $0x1  }
0x3f2: {  	v16 =	vadd.f32 v16, v17;
	v17 =	vmul.f32 v34, v31;
	_ =	sdelay $0x1  }
0x3f3: {  	v16 =	vadd.f32 v16, v17;
	v17 =	vmul.f32 v34, v32;
	_ =	sdelay $0x1  }
0x3f4: {  	v16 =	vadd.f32 v16, v17  }
0x3f5: {  	p0 =	sne.s32 s6, $0x1  }
.Ltmp0:
0x3f6: {  	[tilespmem:$0x970] =	vst v16;
	(pc) =	sbr.rel @p0 .LBB2_1-.Ltmp0, $4  }
0x3f7: {  	[hbm4b:s5+s2] =	stream.linear.scatter [tilespmem:s12], [sflag:$0x3], $0x80, $0x38;
	[tilespmem:$0x980] =	vst v63  }
0x3f8: {  	_ =	swait.ge [sflag:s13], $0x80  }
0x3f9: {  	[sflag:s13] =	ssyncset.done $0x0  }
0x3fa: {  	s6 =	sadd.s32 $0xFFFFFFFF, s6;
	[sflag:s13] =	ssyncadd.s32 $0xFFFFFF80  }
0x3fb: {  	_ =	sfence.sel $0x180000  }
0x3fc: {  	[bflag:$0x0] =	sbarrier.arrive $0xFFFF  }
0x3fd: {  	p0 =	sne.s32 s1, $0x0;
	_ =	strace $0x90000047  }
0x3fe: {  	s0 =	sadd.s32 @!p0 $0x100000, s0;
	[bflag:$0x2] =	sbarrier.arrive $0xFFFF  }
0x3ff: {  	[sflag:s0] =	ssyncadd.tile.s32 @!p0 $0x1;
	_ =	shalt  }
.Lfunc_end2:
_tile_overlayer_lowered:
.L_overlay_start_2:
0x400: {  	(tag) =	ssettag $0x2  }
0x401: {  	s0 =	rddreg [dreg:$0x0];
	s2 =	stileid.u32  }
0x402: {  	s1 =	rddreg [dreg:$0x1];
	p0 =	sne.s32 s2, $0x0  }
0x403: {  	s3 =	rddreg [dreg:$0x2];
	[bflag:$0x3] =	sbarrier.arrive $0xFFFF;
	s2 =	simm.s32 @!p0 $0x1C03  }
0x404: {  	[timem:s3], [sflag:s2] =	dma.local @!p0 [hbm:s0], s1  }
0x405: {  	s0 =	simm.s32 @!p0 $0x3  }
0x406: {  	_ =	swait.ge @!p0 [sflag:s0], s1  }
0x407: {  	s1 =	ssub.s32 @!p0 $0x0, s1;
	[sflag:s0] =	ssyncset.done @!p0 $0x0  }
0x408: {  	[sflag:s0] =	ssyncadd.s32 @!p0 s1  }
0x409: {  	[bflag:$0x3] =	sbarrier.arrive $0xFFFF  }
0x40a: {  	_ =	shalt  }

</sc_bundles>
